<compile_context>
chip_gen: v7x
topology: tpu7x:2x2x1
jax: 0.10.2.dev20260603
libtpu: 0.0.44.dev20260713+nightly
codegen_flags: <defaults>
</compile_context>

<pallas_src>
import jax
import jax.numpy as jnp
from jax import lax
from jax.experimental import pallas as pl
from jax.experimental.pallas import tpu as pltpu
from jax.experimental.pallas import tpu_sc as plsc

_BATCH = 16384
_LATENT = 16
_NC = 2
_NS = 16
_NW = _NC * _NS
_BPW = _BATCH // _NW
_NBUF = 16
_NG = _BPW // _NBUF


def _mf_body(user_hbm, item_hbm, utab, itab, out_hbm,
             uidx, iidx, outs, pbuf, *rest):
    tu = rest[0:_NBUF]
    ti = rest[_NBUF:2 * _NBUF]
    sm = rest[2 * _NBUF:3 * _NBUF]

    wid = lax.axis_index("s") * _NC + lax.axis_index("c")
    base = wid * _BPW

    pltpu.sync_copy(user_hbm.at[pl.ds(base, _BPW)], uidx)
    pltpu.sync_copy(item_hbm.at[pl.ds(base, _BPW)], iidx)

    lane = lax.iota(jnp.int32, 16)
    zv = jnp.zeros((16,), jnp.int32)

    def fetch(uv, iv, s):
        uoff = pl.multiple_of((uv[s] >> 7) * 128, 128)
        ioff = pl.multiple_of((iv[s] >> 7) * 128, 128)
        pltpu.async_copy(utab.at[:, pl.ds(uoff, 128)], tu[s], sm[s])
        pltpu.async_copy(itab.at[:, pl.ds(ioff, 128)], ti[s], sm[s])

    uv0 = uidx[pl.ds(0, 16)]
    iv0 = iidx[pl.ds(0, 16)]
    for s in range(_NBUF):
        fetch(uv0, iv0, s)

    def step(g, carry):
        sl = pl.ds(g * 16, 16)
        uv = uidx[sl]
        iv = iidx[sl]
        gn = jnp.minimum(g + 1, _NG - 1)
        nsl = pl.ds(pl.multiple_of(gn * 16, 16), 16)
        uvn = uidx[nsl]
        ivn = iidx[nsl]
        for s in range(_NBUF):
            pltpu.make_async_copy(utab.at[:, pl.ds(0, 128)],
                                  tu[s], sm[s]).wait()
            pltpu.make_async_copy(itab.at[:, pl.ds(0, 128)],
                                  ti[s], sm[s]).wait()
            cu = zv + (uv[s] & 127)
            ci = zv + (iv[s] & 127)
            ue = plsc.load_gather(tu[s], [lane, cu])
            ie = plsc.load_gather(ti[s], [lane, ci])
            pbuf[s] = ue * ie
            fetch(uvn, ivn, s)
        acc = plsc.load_gather(pbuf, [lane, zv])
        for d in range(1, _LATENT):
            acc = acc + plsc.load_gather(pbuf, [lane, zv + d])
        outs[sl] = acc
        return carry

    lax.fori_loop(0, _NG, step, 0)

    for s in range(_NBUF):
        pltpu.make_async_copy(utab.at[:, pl.ds(0, 128)],
                              tu[s], sm[s]).wait()
        pltpu.make_async_copy(itab.at[:, pl.ds(0, 128)],
                              ti[s], sm[s]).wait()

    pltpu.sync_copy(outs, out_hbm.at[pl.ds(base, _BPW)])


def kernel(user, item, user_table, item_table):
    user = user.astype(jnp.int32)
    item = item.astype(jnp.int32)
    mesh = plsc.VectorSubcoreMesh(core_axis_name="c", subcore_axis_name="s")
    f = pl.kernel(
        _mf_body,
        out_type=jax.ShapeDtypeStruct((_BATCH,), jnp.float32),
        mesh=mesh,
        compiler_params=pltpu.CompilerParams(needs_layout_passes=False),
        scratch_types=(
            [pltpu.VMEM((_BPW,), jnp.int32),
             pltpu.VMEM((_BPW,), jnp.int32),
             pltpu.VMEM((_BPW,), jnp.float32),
             pltpu.VMEM((_NBUF, _LATENT), jnp.float32)]
            + [pltpu.VMEM((_LATENT, 128), jnp.float32)
               for _ in range(2 * _NBUF)]
            + [pltpu.SemaphoreType.DMA for _ in range(_NBUF)]
        ),
    )
    return f(user, item, user_table.T, item_table.T)

# --- scband reference (transcript-rebuilt; emitter-appended) ---
"""Pipeline reference for scband-mf-65000035057840 (READ-ONLY COPY).

The authoritative reference and input builder live on the scoring server;
editing this copy changes nothing except your own understanding.
"""

import jax, jax.numpy as jnp
import numpy as np

NUM_USERS = 1000000
NUM_ITEMS = 1000000
LATENT = 16
BATCH = 16384

def setup_inputs(seed: int = 0) -> dict:
    key = jax.random.key(seed)
    k1, k2, k3, k4 = jax.random.split(key, 4)
    user = jax.random.randint(k1, (BATCH,), 0, NUM_USERS, dtype=jnp.int64 if jax.config.jax_enable_x64 else jnp.int32)
    item = jax.random.randint(k2, (BATCH,), 0, NUM_ITEMS, dtype=jnp.int64 if jax.config.jax_enable_x64 else jnp.int32)
    user_table = jax.random.normal(k3, (NUM_USERS, LATENT), dtype=jnp.float32)
    item_table = jax.random.normal(k4, (NUM_ITEMS, LATENT), dtype=jnp.float32)
    return {"user": user, "item": item, "user_table": user_table, "item_table": item_table}

def reference(user, item, user_table, item_table):
    # MF forward: elementwise product of user/item embeddings, summed over latent dim
    u = jnp.take(user_table, user, axis=0)   # [B, d] gather
    v = jnp.take(item_table, item, axis=0)   # [B, d] gather
    out = (u * v).sum(axis=1)                # [B]
    return out

if __name__ == "__main__":
    import jax
    _d = setup_inputs()
    print(jax.jit(kernel)(*tuple(_d.values())))

</pallas_src>

<mosaic_0001>
#map = affine_map<(d0, d1) -> (0)>
#map1 = affine_map<(d0, d1) -> (0, 0)>
module attributes {stable_mosaic.version = 14 : i64} {
  func.func @_mf_body(%arg0: i32, %arg1: i32, %arg2: memref<16384xi32, #tpu.memory_space<hbm>>, %arg3: memref<16384xi32, #tpu.memory_space<hbm>>, %arg4: memref<16x1000000xf32, #tpu.memory_space<hbm>>, %arg5: memref<16x1000000xf32, #tpu.memory_space<hbm>>, %arg6: memref<16384xf32, #tpu.memory_space<hbm>>, %arg7: memref<512xi32, #tpu.memory_space<vmem>>, %arg8: memref<512xi32, #tpu.memory_space<vmem>>, %arg9: memref<512xf32, #tpu.memory_space<vmem>>, %arg10: memref<16x16xf32, #tpu.memory_space<vmem>>, %arg11: memref<16x128xf32, #tpu.memory_space<vmem>>, %arg12: memref<16x128xf32, #tpu.memory_space<vmem>>, %arg13: memref<16x128xf32, #tpu.memory_space<vmem>>, %arg14: memref<16x128xf32, #tpu.memory_space<vmem>>, %arg15: memref<16x128xf32, #tpu.memory_space<vmem>>, %arg16: memref<16x128xf32, #tpu.memory_space<vmem>>, %arg17: memref<16x128xf32, #tpu.memory_space<vmem>>, %arg18: memref<16x128xf32, #tpu.memory_space<vmem>>, %arg19: memref<16x128xf32, #tpu.memory_space<vmem>>, %arg20: memref<16x128xf32, #tpu.memory_space<vmem>>, %arg21: memref<16x128xf32, #tpu.memory_space<vmem>>, %arg22: memref<16x128xf32, #tpu.memory_space<vmem>>, %arg23: memref<16x128xf32, #tpu.memory_space<vmem>>, %arg24: memref<16x128xf32, #tpu.memory_space<vmem>>, %arg25: memref<16x128xf32, #tpu.memory_space<vmem>>, %arg26: memref<16x128xf32, #tpu.memory_space<vmem>>, %arg27: memref<16x128xf32, #tpu.memory_space<vmem>>, %arg28: memref<16x128xf32, #tpu.memory_space<vmem>>, %arg29: memref<16x128xf32, #tpu.memory_space<vmem>>, %arg30: memref<16x128xf32, #tpu.memory_space<vmem>>, %arg31: memref<16x128xf32, #tpu.memory_space<vmem>>, %arg32: memref<16x128xf32, #tpu.memory_space<vmem>>, %arg33: memref<16x128xf32, #tpu.memory_space<vmem>>, %arg34: memref<16x128xf32, #tpu.memory_space<vmem>>, %arg35: memref<16x128xf32, #tpu.memory_space<vmem>>, %arg36: memref<16x128xf32, #tpu.memory_space<vmem>>, %arg37: memref<16x128xf32, #tpu.memory_space<vmem>>, %arg38: memref<16x128xf32, #tpu.memory_space<vmem>>, %arg39: memref<16x128xf32, #tpu.memory_space<vmem>>, %arg40: memref<16x128xf32, #tpu.memory_space<vmem>>, %arg41: memref<16x128xf32, #tpu.memory_space<vmem>>, %arg42: memref<16x128xf32, #tpu.memory_space<vmem>>, %arg43: memref<!tpu.dma_semaphore, #tpu.memory_space<semaphore_mem>>, %arg44: memref<!tpu.dma_semaphore, #tpu.memory_space<semaphore_mem>>, %arg45: memref<!tpu.dma_semaphore, #tpu.memory_space<semaphore_mem>>, %arg46: memref<!tpu.dma_semaphore, #tpu.memory_space<semaphore_mem>>, %arg47: memref<!tpu.dma_semaphore, #tpu.memory_space<semaphore_mem>>, %arg48: memref<!tpu.dma_semaphore, #tpu.memory_space<semaphore_mem>>, %arg49: memref<!tpu.dma_semaphore, #tpu.memory_space<semaphore_mem>>, %arg50: memref<!tpu.dma_semaphore, #tpu.memory_space<semaphore_mem>>, %arg51: memref<!tpu.dma_semaphore, #tpu.memory_space<semaphore_mem>>, %arg52: memref<!tpu.dma_semaphore, #tpu.memory_space<semaphore_mem>>, %arg53: memref<!tpu.dma_semaphore, #tpu.memory_space<semaphore_mem>>, %arg54: memref<!tpu.dma_semaphore, #tpu.memory_space<semaphore_mem>>, %arg55: memref<!tpu.dma_semaphore, #tpu.memory_space<semaphore_mem>>, %arg56: memref<!tpu.dma_semaphore, #tpu.memory_space<semaphore_mem>>, %arg57: memref<!tpu.dma_semaphore, #tpu.memory_space<semaphore_mem>>, %arg58: memref<!tpu.dma_semaphore, #tpu.memory_space<semaphore_mem>>) attributes {dimension_semantics = [#tpu.dimension_semantics<core_parallel>, #tpu.dimension_semantics<subcore_parallel>], iteration_bounds = array<i64: 2, 16>, scalar_prefetch = 0 : i64, scratch_operands = 52 : i64, tpu.core_type = #tpu.core_type<sc_vector_subcore>, window_params = [{transform_indices = #map}, {transform_indices = #map}, {transform_indices = #map1}, {transform_indices = #map1}, {transform_indices = #map}]} {
    %mul3A = arith.constant 2 : i32
    %mul3A_0 = arith.muli %arg1, %mul3A : i32
    %add3A = arith.addi %mul3A_0, %arg0 : i32
    %mul3A_1 = arith.constant 512 : i32
    %mul3A_2 = arith.muli %add3A, %mul3A_1 : i32
    "tpu.region"() ({
      %run_scoped3A = tpu.sem_alloc : memref<!tpu.dma_semaphore, #tpu.memory_space<semaphore_mem>>
      %dma_start3A_550 = tpu.memref_slice %arg2[%mul3A_2] : memref<16384xi32, #tpu.memory_space<hbm>> -> memref<512xi32, #tpu.memory_space<hbm>>
      %dma_start3A_551 = tpu.memref_slice %arg2[%mul3A_2] : memref<16384xi32, #tpu.memory_space<hbm>> -> memref<512xi32, #tpu.memory_space<hbm>>
      tpu.enqueue_dma source(%dma_start3A_551 : memref<512xi32, #tpu.memory_space<hbm>>) target(%arg7 : memref<512xi32, #tpu.memory_space<vmem>>) target_semaphore(%run_scoped3A : memref<!tpu.dma_semaphore, #tpu.memory_space<semaphore_mem>>)
      %dma_wait3A_552 = tpu.memref_slice %arg2[%mul3A_2] : memref<16384xi32, #tpu.memory_space<hbm>> -> memref<512xi32, #tpu.memory_space<hbm>>
      %dma_wait3A_553 = tpu.memref_slice %arg2[%mul3A_2] : memref<16384xi32, #tpu.memory_space<hbm>> -> memref<512xi32, #tpu.memory_space<hbm>>
      tpu.wait_dma2 semaphore(%run_scoped3A : memref<!tpu.dma_semaphore, #tpu.memory_space<semaphore_mem>>) src(%dma_wait3A_553 : memref<512xi32, #tpu.memory_space<hbm>>) dst(%arg7 : memref<512xi32, #tpu.memory_space<vmem>>)
      tpu.yield
    }) : () -> ()
    "tpu.region"() ({
      %run_scoped3A = tpu.sem_alloc : memref<!tpu.dma_semaphore, #tpu.memory_space<semaphore_mem>>
      %dma_start3A_550 = tpu.memref_slice %arg3[%mul3A_2] : memref<16384xi32, #tpu.memory_space<hbm>> -> memref<512xi32, #tpu.memory_space<hbm>>
      %dma_start3A_551 = tpu.memref_slice %arg3[%mul3A_2] : memref<16384xi32, #tpu.memory_space<hbm>> -> memref<512xi32, #tpu.memory_space<hbm>>
      tpu.enqueue_dma source(%dma_start3A_551 : memref<512xi32, #tpu.memory_space<hbm>>) target(%arg8 : memref<512xi32, #tpu.memory_space<vmem>>) target_semaphore(%run_scoped3A : memref<!tpu.dma_semaphore, #tpu.memory_space<semaphore_mem>>)
      %dma_wait3A_552 = tpu.memref_slice %arg3[%mul3A_2] : memref<16384xi32, #tpu.memory_space<hbm>> -> memref<512xi32, #tpu.memory_space<hbm>>
      %dma_wait3A_553 = tpu.memref_slice %arg3[%mul3A_2] : memref<16384xi32, #tpu.memory_space<hbm>> -> memref<512xi32, #tpu.memory_space<hbm>>
      tpu.wait_dma2 semaphore(%run_scoped3A : memref<!tpu.dma_semaphore, #tpu.memory_space<semaphore_mem>>) src(%dma_wait3A_553 : memref<512xi32, #tpu.memory_space<hbm>>) dst(%arg8 : memref<512xi32, #tpu.memory_space<vmem>>)
      tpu.yield
    }) : () -> ()
    %iota3A = tpu.iota {dimensions = array<i32: 0>} : vector<16xi32>
    %broadcast_in_dim3A = arith.constant 0 : i32
    %broadcast_in_dim3A_3 = vector.broadcast %broadcast_in_dim3A : i32 to vector<16xi32>
    %get3A = arith.constant 0 : index
    %get3A_4 = tpu.vector_load %arg7[%get3A] {strides = array<i32>} : memref<512xi32, #tpu.memory_space<vmem>>, vector<16xi32>,
    %get3A_5 = arith.constant 0 : index
    %get3A_6 = tpu.vector_load %arg8[%get3A_5] {strides = array<i32>} : memref<512xi32, #tpu.memory_space<vmem>>, vector<16xi32>,
    %slice3A = vector.extract_strided_slice %get3A_4 {offsets = [0], sizes = [1], strides = [1]} : vector<16xi32> to vector<1xi32>
    %squeeze3A = vector.extract %slice3A[0] : i32 from vector<1xi32>
    %shift_right_arithmetic3A = arith.constant 7 : i32
    %shift_right_arithmetic3A_7 = arith.shrsi %squeeze3A, %shift_right_arithmetic3A : i32
    %mul3A_8 = arith.constant 128 : i32
    %mul3A_9 = arith.muli %shift_right_arithmetic3A_7, %mul3A_8 : i32
    %multiple_of3A = tpu.assume_multiple %mul3A_9, 128 : i32
    %slice3A_10 = vector.extract_strided_slice %get3A_6 {offsets = [0], sizes = [1], strides = [1]} : vector<16xi32> to vector<1xi32>
    %squeeze3A_11 = vector.extract %slice3A_10[0] : i32 from vector<1xi32>
    %shift_right_arithmetic3A_12 = arith.constant 7 : i32
    %shift_right_arithmetic3A_13 = arith.shrsi %squeeze3A_11, %shift_right_arithmetic3A_12 : i32
    %mul3A_14 = arith.constant 128 : i32
    %mul3A_15 = arith.muli %shift_right_arithmetic3A_13, %mul3A_14 : i32
    %multiple_of3A_16 = tpu.assume_multiple %mul3A_15, 128 : i32
    %dma_start3A = arith.constant 0 : i32
    %dma_start3A_17 = tpu.memref_slice %arg4[%dma_start3A, %multiple_of3A] : memref<16x1000000xf32, #tpu.memory_space<hbm>> -> memref<16x128xf32, #tpu.memory_space<hbm>>
    %dma_start3A_18 = arith.constant 0 : i32
    %dma_start3A_19 = tpu.memref_slice %arg4[%dma_start3A_18, %multiple_of3A] : memref<16x1000000xf32, #tpu.memory_space<hbm>> -> memref<16x128xf32, #tpu.memory_space<hbm>>
    tpu.enqueue_dma source(%dma_start3A_19 : memref<16x128xf32, #tpu.memory_space<hbm>>) target(%arg11 : memref<16x128xf32, #tpu.memory_space<vmem>>) target_semaphore(%arg43 : memref<!tpu.dma_semaphore, #tpu.memory_space<semaphore_mem>>)
    %dma_start3A_20 = arith.constant 0 : i32
    %dma_start3A_21 = tpu.memref_slice %arg5[%dma_start3A_20, %multiple_of3A_16] : memref<16x1000000xf32, #tpu.memory_space<hbm>> -> memref<16x128xf32, #tpu.memory_space<hbm>>
    %dma_start3A_22 = arith.constant 0 : i32
    %dma_start3A_23 = tpu.memref_slice %arg5[%dma_start3A_22, %multiple_of3A_16] : memref<16x1000000xf32, #tpu.memory_space<hbm>> -> memref<16x128xf32, #tpu.memory_space<hbm>>
    tpu.enqueue_dma source(%dma_start3A_23 : memref<16x128xf32, #tpu.memory_space<hbm>>) target(%arg27 : memref<16x128xf32, #tpu.memory_space<vmem>>) target_semaphore(%arg43 : memref<!tpu.dma_semaphore, #tpu.memory_space<semaphore_mem>>)
    %slice3A_24 = vector.extract_strided_slice %get3A_4 {offsets = [1], sizes = [1], strides = [1]} : vector<16xi32> to vector<1xi32>
    %squeeze3A_25 = vector.extract %slice3A_24[0] : i32 from vector<1xi32>
    %shift_right_arithmetic3A_26 = arith.constant 7 : i32
    %shift_right_arithmetic3A_27 = arith.shrsi %squeeze3A_25, %shift_right_arithmetic3A_26 : i32
    %mul3A_28 = arith.constant 128 : i32
    %mul3A_29 = arith.muli %shift_right_arithmetic3A_27, %mul3A_28 : i32
    %multiple_of3A_30 = tpu.assume_multiple %mul3A_29, 128 : i32
    %slice3A_31 = vector.extract_strided_slice %get3A_6 {offsets = [1], sizes = [1], strides = [1]} : vector<16xi32> to vector<1xi32>
    %squeeze3A_32 = vector.extract %slice3A_31[0] : i32 from vector<1xi32>
    %shift_right_arithmetic3A_33 = arith.constant 7 : i32
    %shift_right_arithmetic3A_34 = arith.shrsi %squeeze3A_32, %shift_right_arithmetic3A_33 : i32
    %mul3A_35 = arith.constant 128 : i32
    %mul3A_36 = arith.muli %shift_right_arithmetic3A_34, %mul3A_35 : i32
    %multiple_of3A_37 = tpu.assume_multiple %mul3A_36, 128 : i32
    %dma_start3A_38 = arith.constant 0 : i32
    %dma_start3A_39 = tpu.memref_slice %arg4[%dma_start3A_38, %multiple_of3A_30] : memref<16x1000000xf32, #tpu.memory_space<hbm>> -> memref<16x128xf32, #tpu.memory_space<hbm>>
    %dma_start3A_40 = arith.constant 0 : i32
    %dma_start3A_41 = tpu.memref_slice %arg4[%dma_start3A_40, %multiple_of3A_30] : memref<16x1000000xf32, #tpu.memory_space<hbm>> -> memref<16x128xf32, #tpu.memory_space<hbm>>
    tpu.enqueue_dma source(%dma_start3A_41 : memref<16x128xf32, #tpu.memory_space<hbm>>) target(%arg12 : memref<16x128xf32, #tpu.memory_space<vmem>>) target_semaphore(%arg44 : memref<!tpu.dma_semaphore, #tpu.memory_space<semaphore_mem>>)
    %dma_start3A_42 = arith.constant 0 : i32
    %dma_start3A_43 = tpu.memref_slice %arg5[%dma_start3A_42, %multiple_of3A_37] : memref<16x1000000xf32, #tpu.memory_space<hbm>> -> memref<16x128xf32, #tpu.memory_space<hbm>>
    %dma_start3A_44 = arith.constant 0 : i32
    %dma_start3A_45 = tpu.memref_slice %arg5[%dma_start3A_44, %multiple_of3A_37] : memref<16x1000000xf32, #tpu.memory_space<hbm>> -> memref<16x128xf32, #tpu.memory_space<hbm>>
    tpu.enqueue_dma source(%dma_start3A_45 : memref<16x128xf32, #tpu.memory_space<hbm>>) target(%arg28 : memref<16x128xf32, #tpu.memory_space<vmem>>) target_semaphore(%arg44 : memref<!tpu.dma_semaphore, #tpu.memory_space<semaphore_mem>>)
    %slice3A_46 = vector.extract_strided_slice %get3A_4 {offsets = [2], sizes = [1], strides = [1]} : vector<16xi32> to vector<1xi32>
    %squeeze3A_47 = vector.extract %slice3A_46[0] : i32 from vector<1xi32>
    %shift_right_arithmetic3A_48 = arith.constant 7 : i32
    %shift_right_arithmetic3A_49 = arith.shrsi %squeeze3A_47, %shift_right_arithmetic3A_48 : i32
    %mul3A_50 = arith.constant 128 : i32
    %mul3A_51 = arith.muli %shift_right_arithmetic3A_49, %mul3A_50 : i32
    %multiple_of3A_52 = tpu.assume_multiple %mul3A_51, 128 : i32
    %slice3A_53 = vector.extract_strided_slice %get3A_6 {offsets = [2], sizes = [1], strides = [1]} : vector<16xi32> to vector<1xi32>
    %squeeze3A_54 = vector.extract %slice3A_53[0] : i32 from vector<1xi32>
    %shift_right_arithmetic3A_55 = arith.constant 7 : i32
    %shift_right_arithmetic3A_56 = arith.shrsi %squeeze3A_54, %shift_right_arithmetic3A_55 : i32
    %mul3A_57 = arith.constant 128 : i32
    %mul3A_58 = arith.muli %shift_right_arithmetic3A_56, %mul3A_57 : i32
    %multiple_of3A_59 = tpu.assume_multiple %mul3A_58, 128 : i32
    %dma_start3A_60 = arith.constant 0 : i32
    %dma_start3A_61 = tpu.memref_slice %arg4[%dma_start3A_60, %multiple_of3A_52] : memref<16x1000000xf32, #tpu.memory_space<hbm>> -> memref<16x128xf32, #tpu.memory_space<hbm>>
    %dma_start3A_62 = arith.constant 0 : i32
    %dma_start3A_63 = tpu.memref_slice %arg4[%dma_start3A_62, %multiple_of3A_52] : memref<16x1000000xf32, #tpu.memory_space<hbm>> -> memref<16x128xf32, #tpu.memory_space<hbm>>
    tpu.enqueue_dma source(%dma_start3A_63 : memref<16x128xf32, #tpu.memory_space<hbm>>) target(%arg13 : memref<16x128xf32, #tpu.memory_space<vmem>>) target_semaphore(%arg45 : memref<!tpu.dma_semaphore, #tpu.memory_space<semaphore_mem>>)
    %dma_start3A_64 = arith.constant 0 : i32
    %dma_start3A_65 = tpu.memref_slice %arg5[%dma_start3A_64, %multiple_of3A_59] : memref<16x1000000xf32, #tpu.memory_space<hbm>> -> memref<16x128xf32, #tpu.memory_space<hbm>>
    %dma_start3A_66 = arith.constant 0 : i32
    %dma_start3A_67 = tpu.memref_slice %arg5[%dma_start3A_66, %multiple_of3A_59] : memref<16x1000000xf32, #tpu.memory_space<hbm>> -> memref<16x128xf32, #tpu.memory_space<hbm>>
    tpu.enqueue_dma source(%dma_start3A_67 : memref<16x128xf32, #tpu.memory_space<hbm>>) target(%arg29 : memref<16x128xf32, #tpu.memory_space<vmem>>) target_semaphore(%arg45 : memref<!tpu.dma_semaphore, #tpu.memory_space<semaphore_mem>>)
    %slice3A_68 = vector.extract_strided_slice %get3A_4 {offsets = [3], sizes = [1], strides = [1]} : vector<16xi32> to vector<1xi32>
    %squeeze3A_69 = vector.extract %slice3A_68[0] : i32 from vector<1xi32>
    %shift_right_arithmetic3A_70 = arith.constant 7 : i32
    %shift_right_arithmetic3A_71 = arith.shrsi %squeeze3A_69, %shift_right_arithmetic3A_70 : i32
    %mul3A_72 = arith.constant 128 : i32
    %mul3A_73 = arith.muli %shift_right_arithmetic3A_71, %mul3A_72 : i32
    %multiple_of3A_74 = tpu.assume_multiple %mul3A_73, 128 : i32
    %slice3A_75 = vector.extract_strided_slice %get3A_6 {offsets = [3], sizes = [1], strides = [1]} : vector<16xi32> to vector<1xi32>
    %squeeze3A_76 = vector.extract %slice3A_75[0] : i32 from vector<1xi32>
    %shift_right_arithmetic3A_77 = arith.constant 7 : i32
    %shift_right_arithmetic3A_78 = arith.shrsi %squeeze3A_76, %shift_right_arithmetic3A_77 : i32
    %mul3A_79 = arith.constant 128 : i32
    %mul3A_80 = arith.muli %shift_right_arithmetic3A_78, %mul3A_79 : i32
    %multiple_of3A_81 = tpu.assume_multiple %mul3A_80, 128 : i32
    %dma_start3A_82 = arith.constant 0 : i32
    %dma_start3A_83 = tpu.memref_slice %arg4[%dma_start3A_82, %multiple_of3A_74] : memref<16x1000000xf32, #tpu.memory_space<hbm>> -> memref<16x128xf32, #tpu.memory_space<hbm>>
    %dma_start3A_84 = arith.constant 0 : i32
    %dma_start3A_85 = tpu.memref_slice %arg4[%dma_start3A_84, %multiple_of3A_74] : memref<16x1000000xf32, #tpu.memory_space<hbm>> -> memref<16x128xf32, #tpu.memory_space<hbm>>
    tpu.enqueue_dma source(%dma_start3A_85 : memref<16x128xf32, #tpu.memory_space<hbm>>) target(%arg14 : memref<16x128xf32, #tpu.memory_space<vmem>>) target_semaphore(%arg46 : memref<!tpu.dma_semaphore, #tpu.memory_space<semaphore_mem>>)
    %dma_start3A_86 = arith.constant 0 : i32
    %dma_start3A_87 = tpu.memref_slice %arg5[%dma_start3A_86, %multiple_of3A_81] : memref<16x1000000xf32, #tpu.memory_space<hbm>> -> memref<16x128xf32, #tpu.memory_space<hbm>>
    %dma_start3A_88 = arith.constant 0 : i32
    %dma_start3A_89 = tpu.memref_slice %arg5[%dma_start3A_88, %multiple_of3A_81] : memref<16x1000000xf32, #tpu.memory_space<hbm>> -> memref<16x128xf32, #tpu.memory_space<hbm>>
    tpu.enqueue_dma source(%dma_start3A_89 : memref<16x128xf32, #tpu.memory_space<hbm>>) target(%arg30 : memref<16x128xf32, #tpu.memory_space<vmem>>) target_semaphore(%arg46 : memref<!tpu.dma_semaphore, #tpu.memory_space<semaphore_mem>>)
    %slice3A_90 = vector.extract_strided_slice %get3A_4 {offsets = [4], sizes = [1], strides = [1]} : vector<16xi32> to vector<1xi32>
    %squeeze3A_91 = vector.extract %slice3A_90[0] : i32 from vector<1xi32>
    %shift_right_arithmetic3A_92 = arith.constant 7 : i32
    %shift_right_arithmetic3A_93 = arith.shrsi %squeeze3A_91, %shift_right_arithmetic3A_92 : i32
    %mul3A_94 = arith.constant 128 : i32
    %mul3A_95 = arith.muli %shift_right_arithmetic3A_93, %mul3A_94 : i32
    %multiple_of3A_96 = tpu.assume_multiple %mul3A_95, 128 : i32
    %slice3A_97 = vector.extract_strided_slice %get3A_6 {offsets = [4], sizes = [1], strides = [1]} : vector<16xi32> to vector<1xi32>
    %squeeze3A_98 = vector.extract %slice3A_97[0] : i32 from vector<1xi32>
    %shift_right_arithmetic3A_99 = arith.constant 7 : i32
    %shift_right_arithmetic3A_100 = arith.shrsi %squeeze3A_98, %shift_right_arithmetic3A_99 : i32
    %mul3A_101 = arith.constant 128 : i32
    %mul3A_102 = arith.muli %shift_right_arithmetic3A_100, %mul3A_101 : i32
    %multiple_of3A_103 = tpu.assume_multiple %mul3A_102, 128 : i32
    %dma_start3A_104 = arith.constant 0 : i32
    %dma_start3A_105 = tpu.memref_slice %arg4[%dma_start3A_104, %multiple_of3A_96] : memref<16x1000000xf32, #tpu.memory_space<hbm>> -> memref<16x128xf32, #tpu.memory_space<hbm>>
    %dma_start3A_106 = arith.constant 0 : i32
    %dma_start3A_107 = tpu.memref_slice %arg4[%dma_start3A_106, %multiple_of3A_96] : memref<16x1000000xf32, #tpu.memory_space<hbm>> -> memref<16x128xf32, #tpu.memory_space<hbm>>
    tpu.enqueue_dma source(%dma_start3A_107 : memref<16x128xf32, #tpu.memory_space<hbm>>) target(%arg15 : memref<16x128xf32, #tpu.memory_space<vmem>>) target_semaphore(%arg47 : memref<!tpu.dma_semaphore, #tpu.memory_space<semaphore_mem>>)
    %dma_start3A_108 = arith.constant 0 : i32
    %dma_start3A_109 = tpu.memref_slice %arg5[%dma_start3A_108, %multiple_of3A_103] : memref<16x1000000xf32, #tpu.memory_space<hbm>> -> memref<16x128xf32, #tpu.memory_space<hbm>>
    %dma_start3A_110 = arith.constant 0 : i32
    %dma_start3A_111 = tpu.memref_slice %arg5[%dma_start3A_110, %multiple_of3A_103] : memref<16x1000000xf32, #tpu.memory_space<hbm>> -> memref<16x128xf32, #tpu.memory_space<hbm>>
    tpu.enqueue_dma source(%dma_start3A_111 : memref<16x128xf32, #tpu.memory_space<hbm>>) target(%arg31 : memref<16x128xf32, #tpu.memory_space<vmem>>) target_semaphore(%arg47 : memref<!tpu.dma_semaphore, #tpu.memory_space<semaphore_mem>>)
    %slice3A_112 = vector.extract_strided_slice %get3A_4 {offsets = [5], sizes = [1], strides = [1]} : vector<16xi32> to vector<1xi32>
    %squeeze3A_113 = vector.extract %slice3A_112[0] : i32 from vector<1xi32>
    %shift_right_arithmetic3A_114 = arith.constant 7 : i32
    %shift_right_arithmetic3A_115 = arith.shrsi %squeeze3A_113, %shift_right_arithmetic3A_114 : i32
    %mul3A_116 = arith.constant 128 : i32
    %mul3A_117 = arith.muli %shift_right_arithmetic3A_115, %mul3A_116 : i32
    %multiple_of3A_118 = tpu.assume_multiple %mul3A_117, 128 : i32
    %slice3A_119 = vector.extract_strided_slice %get3A_6 {offsets = [5], sizes = [1], strides = [1]} : vector<16xi32> to vector<1xi32>
    %squeeze3A_120 = vector.extract %slice3A_119[0] : i32 from vector<1xi32>
    %shift_right_arithmetic3A_121 = arith.constant 7 : i32
    %shift_right_arithmetic3A_122 = arith.shrsi %squeeze3A_120, %shift_right_arithmetic3A_121 : i32
    %mul3A_123 = arith.constant 128 : i32
    %mul3A_124 = arith.muli %shift_right_arithmetic3A_122, %mul3A_123 : i32
    %multiple_of3A_125 = tpu.assume_multiple %mul3A_124, 128 : i32
    %dma_start3A_126 = arith.constant 0 : i32
    %dma_start3A_127 = tpu.memref_slice %arg4[%dma_start3A_126, %multiple_of3A_118] : memref<16x1000000xf32, #tpu.memory_space<hbm>> -> memref<16x128xf32, #tpu.memory_space<hbm>>
    %dma_start3A_128 = arith.constant 0 : i32
    %dma_start3A_129 = tpu.memref_slice %arg4[%dma_start3A_128, %multiple_of3A_118] : memref<16x1000000xf32, #tpu.memory_space<hbm>> -> memref<16x128xf32, #tpu.memory_space<hbm>>
    tpu.enqueue_dma source(%dma_start3A_129 : memref<16x128xf32, #tpu.memory_space<hbm>>) target(%arg16 : memref<16x128xf32, #tpu.memory_space<vmem>>) target_semaphore(%arg48 : memref<!tpu.dma_semaphore, #tpu.memory_space<semaphore_mem>>)
    %dma_start3A_130 = arith.constant 0 : i32
    %dma_start3A_131 = tpu.memref_slice %arg5[%dma_start3A_130, %multiple_of3A_125] : memref<16x1000000xf32, #tpu.memory_space<hbm>> -> memref<16x128xf32, #tpu.memory_space<hbm>>
    %dma_start3A_132 = arith.constant 0 : i32
    %dma_start3A_133 = tpu.memref_slice %arg5[%dma_start3A_132, %multiple_of3A_125] : memref<16x1000000xf32, #tpu.memory_space<hbm>> -> memref<16x128xf32, #tpu.memory_space<hbm>>
    tpu.enqueue_dma source(%dma_start3A_133 : memref<16x128xf32, #tpu.memory_space<hbm>>) target(%arg32 : memref<16x128xf32, #tpu.memory_space<vmem>>) target_semaphore(%arg48 : memref<!tpu.dma_semaphore, #tpu.memory_space<semaphore_mem>>)
    %slice3A_134 = vector.extract_strided_slice %get3A_4 {offsets = [6], sizes = [1], strides = [1]} : vector<16xi32> to vector<1xi32>
    %squeeze3A_135 = vector.extract %slice3A_134[0] : i32 from vector<1xi32>
    %shift_right_arithmetic3A_136 = arith.constant 7 : i32
    %shift_right_arithmetic3A_137 = arith.shrsi %squeeze3A_135, %shift_right_arithmetic3A_136 : i32
    %mul3A_138 = arith.constant 128 : i32
    %mul3A_139 = arith.muli %shift_right_arithmetic3A_137, %mul3A_138 : i32
    %multiple_of3A_140 = tpu.assume_multiple %mul3A_139, 128 : i32
    %slice3A_141 = vector.extract_strided_slice %get3A_6 {offsets = [6], sizes = [1], strides = [1]} : vector<16xi32> to vector<1xi32>
    %squeeze3A_142 = vector.extract %slice3A_141[0] : i32 from vector<1xi32>
    %shift_right_arithmetic3A_143 = arith.constant 7 : i32
    %shift_right_arithmetic3A_144 = arith.shrsi %squeeze3A_142, %shift_right_arithmetic3A_143 : i32
    %mul3A_145 = arith.constant 128 : i32
    %mul3A_146 = arith.muli %shift_right_arithmetic3A_144, %mul3A_145 : i32
    %multiple_of3A_147 = tpu.assume_multiple %mul3A_146, 128 : i32
    %dma_start3A_148 = arith.constant 0 : i32
    %dma_start3A_149 = tpu.memref_slice %arg4[%dma_start3A_148, %multiple_of3A_140] : memref<16x1000000xf32, #tpu.memory_space<hbm>> -> memref<16x128xf32, #tpu.memory_space<hbm>>
    %dma_start3A_150 = arith.constant 0 : i32
    %dma_start3A_151 = tpu.memref_slice %arg4[%dma_start3A_150, %multiple_of3A_140] : memref<16x1000000xf32, #tpu.memory_space<hbm>> -> memref<16x128xf32, #tpu.memory_space<hbm>>
    tpu.enqueue_dma source(%dma_start3A_151 : memref<16x128xf32, #tpu.memory_space<hbm>>) target(%arg17 : memref<16x128xf32, #tpu.memory_space<vmem>>) target_semaphore(%arg49 : memref<!tpu.dma_semaphore, #tpu.memory_space<semaphore_mem>>)
    %dma_start3A_152 = arith.constant 0 : i32
    %dma_start3A_153 = tpu.memref_slice %arg5[%dma_start3A_152, %multiple_of3A_147] : memref<16x1000000xf32, #tpu.memory_space<hbm>> -> memref<16x128xf32, #tpu.memory_space<hbm>>
    %dma_start3A_154 = arith.constant 0 : i32
    %dma_start3A_155 = tpu.memref_slice %arg5[%dma_start3A_154, %multiple_of3A_147] : memref<16x1000000xf32, #tpu.memory_space<hbm>> -> memref<16x128xf32, #tpu.memory_space<hbm>>
    tpu.enqueue_dma source(%dma_start3A_155 : memref<16x128xf32, #tpu.memory_space<hbm>>) target(%arg33 : memref<16x128xf32, #tpu.memory_space<vmem>>) target_semaphore(%arg49 : memref<!tpu.dma_semaphore, #tpu.memory_space<semaphore_mem>>)
    %slice3A_156 = vector.extract_strided_slice %get3A_4 {offsets = [7], sizes = [1], strides = [1]} : vector<16xi32> to vector<1xi32>
    %squeeze3A_157 = vector.extract %slice3A_156[0] : i32 from vector<1xi32>
    %shift_right_arithmetic3A_158 = arith.constant 7 : i32
    %shift_right_arithmetic3A_159 = arith.shrsi %squeeze3A_157, %shift_right_arithmetic3A_158 : i32
    %mul3A_160 = arith.constant 128 : i32
    %mul3A_161 = arith.muli %shift_right_arithmetic3A_159, %mul3A_160 : i32
    %multiple_of3A_162 = tpu.assume_multiple %mul3A_161, 128 : i32
    %slice3A_163 = vector.extract_strided_slice %get3A_6 {offsets = [7], sizes = [1], strides = [1]} : vector<16xi32> to vector<1xi32>
    %squeeze3A_164 = vector.extract %slice3A_163[0] : i32 from vector<1xi32>
    %shift_right_arithmetic3A_165 = arith.constant 7 : i32
    %shift_right_arithmetic3A_166 = arith.shrsi %squeeze3A_164, %shift_right_arithmetic3A_165 : i32
    %mul3A_167 = arith.constant 128 : i32
    %mul3A_168 = arith.muli %shift_right_arithmetic3A_166, %mul3A_167 : i32
    %multiple_of3A_169 = tpu.assume_multiple %mul3A_168, 128 : i32
    %dma_start3A_170 = arith.constant 0 : i32
    %dma_start3A_171 = tpu.memref_slice %arg4[%dma_start3A_170, %multiple_of3A_162] : memref<16x1000000xf32, #tpu.memory_space<hbm>> -> memref<16x128xf32, #tpu.memory_space<hbm>>
    %dma_start3A_172 = arith.constant 0 : i32
    %dma_start3A_173 = tpu.memref_slice %arg4[%dma_start3A_172, %multiple_of3A_162] : memref<16x1000000xf32, #tpu.memory_space<hbm>> -> memref<16x128xf32, #tpu.memory_space<hbm>>
    tpu.enqueue_dma source(%dma_start3A_173 : memref<16x128xf32, #tpu.memory_space<hbm>>) target(%arg18 : memref<16x128xf32, #tpu.memory_space<vmem>>) target_semaphore(%arg50 : memref<!tpu.dma_semaphore, #tpu.memory_space<semaphore_mem>>)
    %dma_start3A_174 = arith.constant 0 : i32
    %dma_start3A_175 = tpu.memref_slice %arg5[%dma_start3A_174, %multiple_of3A_169] : memref<16x1000000xf32, #tpu.memory_space<hbm>> -> memref<16x128xf32, #tpu.memory_space<hbm>>
    %dma_start3A_176 = arith.constant 0 : i32
    %dma_start3A_177 = tpu.memref_slice %arg5[%dma_start3A_176, %multiple_of3A_169] : memref<16x1000000xf32, #tpu.memory_space<hbm>> -> memref<16x128xf32, #tpu.memory_space<hbm>>
    tpu.enqueue_dma source(%dma_start3A_177 : memref<16x128xf32, #tpu.memory_space<hbm>>) target(%arg34 : memref<16x128xf32, #tpu.memory_space<vmem>>) target_semaphore(%arg50 : memref<!tpu.dma_semaphore, #tpu.memory_space<semaphore_mem>>)
    %slice3A_178 = vector.extract_strided_slice %get3A_4 {offsets = [8], sizes = [1], strides = [1]} : vector<16xi32> to vector<1xi32>
    %squeeze3A_179 = vector.extract %slice3A_178[0] : i32 from vector<1xi32>
    %shift_right_arithmetic3A_180 = arith.constant 7 : i32
    %shift_right_arithmetic3A_181 = arith.shrsi %squeeze3A_179, %shift_right_arithmetic3A_180 : i32
    %mul3A_182 = arith.constant 128 : i32
    %mul3A_183 = arith.muli %shift_right_arithmetic3A_181, %mul3A_182 : i32
    %multiple_of3A_184 = tpu.assume_multiple %mul3A_183, 128 : i32
    %slice3A_185 = vector.extract_strided_slice %get3A_6 {offsets = [8], sizes = [1], strides = [1]} : vector<16xi32> to vector<1xi32>
    %squeeze3A_186 = vector.extract %slice3A_185[0] : i32 from vector<1xi32>
    %shift_right_arithmetic3A_187 = arith.constant 7 : i32
    %shift_right_arithmetic3A_188 = arith.shrsi %squeeze3A_186, %shift_right_arithmetic3A_187 : i32
    %mul3A_189 = arith.constant 128 : i32
    %mul3A_190 = arith.muli %shift_right_arithmetic3A_188, %mul3A_189 : i32
    %multiple_of3A_191 = tpu.assume_multiple %mul3A_190, 128 : i32
    %dma_start3A_192 = arith.constant 0 : i32
    %dma_start3A_193 = tpu.memref_slice %arg4[%dma_start3A_192, %multiple_of3A_184] : memref<16x1000000xf32, #tpu.memory_space<hbm>> -> memref<16x128xf32, #tpu.memory_space<hbm>>
    %dma_start3A_194 = arith.constant 0 : i32
    %dma_start3A_195 = tpu.memref_slice %arg4[%dma_start3A_194, %multiple_of3A_184] : memref<16x1000000xf32, #tpu.memory_space<hbm>> -> memref<16x128xf32, #tpu.memory_space<hbm>>
    tpu.enqueue_dma source(%dma_start3A_195 : memref<16x128xf32, #tpu.memory_space<hbm>>) target(%arg19 : memref<16x128xf32, #tpu.memory_space<vmem>>) target_semaphore(%arg51 : memref<!tpu.dma_semaphore, #tpu.memory_space<semaphore_mem>>)
    %dma_start3A_196 = arith.constant 0 : i32
    %dma_start3A_197 = tpu.memref_slice %arg5[%dma_start3A_196, %multiple_of3A_191] : memref<16x1000000xf32, #tpu.memory_space<hbm>> -> memref<16x128xf32, #tpu.memory_space<hbm>>
    %dma_start3A_198 = arith.constant 0 : i32
    %dma_start3A_199 = tpu.memref_slice %arg5[%dma_start3A_198, %multiple_of3A_191] : memref<16x1000000xf32, #tpu.memory_space<hbm>> -> memref<16x128xf32, #tpu.memory_space<hbm>>
    tpu.enqueue_dma source(%dma_start3A_199 : memref<16x128xf32, #tpu.memory_space<hbm>>) target(%arg35 : memref<16x128xf32, #tpu.memory_space<vmem>>) target_semaphore(%arg51 : memref<!tpu.dma_semaphore, #tpu.memory_space<semaphore_mem>>)
    %slice3A_200 = vector.extract_strided_slice %get3A_4 {offsets = [9], sizes = [1], strides = [1]} : vector<16xi32> to vector<1xi32>
    %squeeze3A_201 = vector.extract %slice3A_200[0] : i32 from vector<1xi32>
    %shift_right_arithmetic3A_202 = arith.constant 7 : i32
    %shift_right_arithmetic3A_203 = arith.shrsi %squeeze3A_201, %shift_right_arithmetic3A_202 : i32
    %mul3A_204 = arith.constant 128 : i32
    %mul3A_205 = arith.muli %shift_right_arithmetic3A_203, %mul3A_204 : i32
    %multiple_of3A_206 = tpu.assume_multiple %mul3A_205, 128 : i32
    %slice3A_207 = vector.extract_strided_slice %get3A_6 {offsets = [9], sizes = [1], strides = [1]} : vector<16xi32> to vector<1xi32>
    %squeeze3A_208 = vector.extract %slice3A_207[0] : i32 from vector<1xi32>
    %shift_right_arithmetic3A_209 = arith.constant 7 : i32
    %shift_right_arithmetic3A_210 = arith.shrsi %squeeze3A_208, %shift_right_arithmetic3A_209 : i32
    %mul3A_211 = arith.constant 128 : i32
    %mul3A_212 = arith.muli %shift_right_arithmetic3A_210, %mul3A_211 : i32
    %multiple_of3A_213 = tpu.assume_multiple %mul3A_212, 128 : i32
    %dma_start3A_214 = arith.constant 0 : i32
    %dma_start3A_215 = tpu.memref_slice %arg4[%dma_start3A_214, %multiple_of3A_206] : memref<16x1000000xf32, #tpu.memory_space<hbm>> -> memref<16x128xf32, #tpu.memory_space<hbm>>
    %dma_start3A_216 = arith.constant 0 : i32
    %dma_start3A_217 = tpu.memref_slice %arg4[%dma_start3A_216, %multiple_of3A_206] : memref<16x1000000xf32, #tpu.memory_space<hbm>> -> memref<16x128xf32, #tpu.memory_space<hbm>>
    tpu.enqueue_dma source(%dma_start3A_217 : memref<16x128xf32, #tpu.memory_space<hbm>>) target(%arg20 : memref<16x128xf32, #tpu.memory_space<vmem>>) target_semaphore(%arg52 : memref<!tpu.dma_semaphore, #tpu.memory_space<semaphore_mem>>)
    %dma_start3A_218 = arith.constant 0 : i32
    %dma_start3A_219 = tpu.memref_slice %arg5[%dma_start3A_218, %multiple_of3A_213] : memref<16x1000000xf32, #tpu.memory_space<hbm>> -> memref<16x128xf32, #tpu.memory_space<hbm>>
    %dma_start3A_220 = arith.constant 0 : i32
    %dma_start3A_221 = tpu.memref_slice %arg5[%dma_start3A_220, %multiple_of3A_213] : memref<16x1000000xf32, #tpu.memory_space<hbm>> -> memref<16x128xf32, #tpu.memory_space<hbm>>
    tpu.enqueue_dma source(%dma_start3A_221 : memref<16x128xf32, #tpu.memory_space<hbm>>) target(%arg36 : memref<16x128xf32, #tpu.memory_space<vmem>>) target_semaphore(%arg52 : memref<!tpu.dma_semaphore, #tpu.memory_space<semaphore_mem>>)
    %slice3A_222 = vector.extract_strided_slice %get3A_4 {offsets = [10], sizes = [1], strides = [1]} : vector<16xi32> to vector<1xi32>
    %squeeze3A_223 = vector.extract %slice3A_222[0] : i32 from vector<1xi32>
    %shift_right_arithmetic3A_224 = arith.constant 7 : i32
    %shift_right_arithmetic3A_225 = arith.shrsi %squeeze3A_223, %shift_right_arithmetic3A_224 : i32
    %mul3A_226 = arith.constant 128 : i32
    %mul3A_227 = arith.muli %shift_right_arithmetic3A_225, %mul3A_226 : i32
    %multiple_of3A_228 = tpu.assume_multiple %mul3A_227, 128 : i32
    %slice3A_229 = vector.extract_strided_slice %get3A_6 {offsets = [10], sizes = [1], strides = [1]} : vector<16xi32> to vector<1xi32>
    %squeeze3A_230 = vector.extract %slice3A_229[0] : i32 from vector<1xi32>
    %shift_right_arithmetic3A_231 = arith.constant 7 : i32
    %shift_right_arithmetic3A_232 = arith.shrsi %squeeze3A_230, %shift_right_arithmetic3A_231 : i32
    %mul3A_233 = arith.constant 128 : i32
    %mul3A_234 = arith.muli %shift_right_arithmetic3A_232, %mul3A_233 : i32
    %multiple_of3A_235 = tpu.assume_multiple %mul3A_234, 128 : i32
    %dma_start3A_236 = arith.constant 0 : i32
    %dma_start3A_237 = tpu.memref_slice %arg4[%dma_start3A_236, %multiple_of3A_228] : memref<16x1000000xf32, #tpu.memory_space<hbm>> -> memref<16x128xf32, #tpu.memory_space<hbm>>
    %dma_start3A_238 = arith.constant 0 : i32
    %dma_start3A_239 = tpu.memref_slice %arg4[%dma_start3A_238, %multiple_of3A_228] : memref<16x1000000xf32, #tpu.memory_space<hbm>> -> memref<16x128xf32, #tpu.memory_space<hbm>>
    tpu.enqueue_dma source(%dma_start3A_239 : memref<16x128xf32, #tpu.memory_space<hbm>>) target(%arg21 : memref<16x128xf32, #tpu.memory_space<vmem>>) target_semaphore(%arg53 : memref<!tpu.dma_semaphore, #tpu.memory_space<semaphore_mem>>)
    %dma_start3A_240 = arith.constant 0 : i32
    %dma_start3A_241 = tpu.memref_slice %arg5[%dma_start3A_240, %multiple_of3A_235] : memref<16x1000000xf32, #tpu.memory_space<hbm>> -> memref<16x128xf32, #tpu.memory_space<hbm>>
    %dma_start3A_242 = arith.constant 0 : i32
    %dma_start3A_243 = tpu.memref_slice %arg5[%dma_start3A_242, %multiple_of3A_235] : memref<16x1000000xf32, #tpu.memory_space<hbm>> -> memref<16x128xf32, #tpu.memory_space<hbm>>
    tpu.enqueue_dma source(%dma_start3A_243 : memref<16x128xf32, #tpu.memory_space<hbm>>) target(%arg37 : memref<16x128xf32, #tpu.memory_space<vmem>>) target_semaphore(%arg53 : memref<!tpu.dma_semaphore, #tpu.memory_space<semaphore_mem>>)
    %slice3A_244 = vector.extract_strided_slice %get3A_4 {offsets = [11], sizes = [1], strides = [1]} : vector<16xi32> to vector<1xi32>
    %squeeze3A_245 = vector.extract %slice3A_244[0] : i32 from vector<1xi32>
    %shift_right_arithmetic3A_246 = arith.constant 7 : i32
    %shift_right_arithmetic3A_247 = arith.shrsi %squeeze3A_245, %shift_right_arithmetic3A_246 : i32
    %mul3A_248 = arith.constant 128 : i32
    %mul3A_249 = arith.muli %shift_right_arithmetic3A_247, %mul3A_248 : i32
    %multiple_of3A_250 = tpu.assume_multiple %mul3A_249, 128 : i32
    %slice3A_251 = vector.extract_strided_slice %get3A_6 {offsets = [11], sizes = [1], strides = [1]} : vector<16xi32> to vector<1xi32>
    %squeeze3A_252 = vector.extract %slice3A_251[0] : i32 from vector<1xi32>
    %shift_right_arithmetic3A_253 = arith.constant 7 : i32
    %shift_right_arithmetic3A_254 = arith.shrsi %squeeze3A_252, %shift_right_arithmetic3A_253 : i32
    %mul3A_255 = arith.constant 128 : i32
    %mul3A_256 = arith.muli %shift_right_arithmetic3A_254, %mul3A_255 : i32
    %multiple_of3A_257 = tpu.assume_multiple %mul3A_256, 128 : i32
    %dma_start3A_258 = arith.constant 0 : i32
    %dma_start3A_259 = tpu.memref_slice %arg4[%dma_start3A_258, %multiple_of3A_250] : memref<16x1000000xf32, #tpu.memory_space<hbm>> -> memref<16x128xf32, #tpu.memory_space<hbm>>
    %dma_start3A_260 = arith.constant 0 : i32
    %dma_start3A_261 = tpu.memref_slice %arg4[%dma_start3A_260, %multiple_of3A_250] : memref<16x1000000xf32, #tpu.memory_space<hbm>> -> memref<16x128xf32, #tpu.memory_space<hbm>>
    tpu.enqueue_dma source(%dma_start3A_261 : memref<16x128xf32, #tpu.memory_space<hbm>>) target(%arg22 : memref<16x128xf32, #tpu.memory_space<vmem>>) target_semaphore(%arg54 : memref<!tpu.dma_semaphore, #tpu.memory_space<semaphore_mem>>)
    %dma_start3A_262 = arith.constant 0 : i32
    %dma_start3A_263 = tpu.memref_slice %arg5[%dma_start3A_262, %multiple_of3A_257] : memref<16x1000000xf32, #tpu.memory_space<hbm>> -> memref<16x128xf32, #tpu.memory_space<hbm>>
    %dma_start3A_264 = arith.constant 0 : i32
    %dma_start3A_265 = tpu.memref_slice %arg5[%dma_start3A_264, %multiple_of3A_257] : memref<16x1000000xf32, #tpu.memory_space<hbm>> -> memref<16x128xf32, #tpu.memory_space<hbm>>
    tpu.enqueue_dma source(%dma_start3A_265 : memref<16x128xf32, #tpu.memory_space<hbm>>) target(%arg38 : memref<16x128xf32, #tpu.memory_space<vmem>>) target_semaphore(%arg54 : memref<!tpu.dma_semaphore, #tpu.memory_space<semaphore_mem>>)
    %slice3A_266 = vector.extract_strided_slice %get3A_4 {offsets = [12], sizes = [1], strides = [1]} : vector<16xi32> to vector<1xi32>
    %squeeze3A_267 = vector.extract %slice3A_266[0] : i32 from vector<1xi32>
    %shift_right_arithmetic3A_268 = arith.constant 7 : i32
    %shift_right_arithmetic3A_269 = arith.shrsi %squeeze3A_267, %shift_right_arithmetic3A_268 : i32
    %mul3A_270 = arith.constant 128 : i32
    %mul3A_271 = arith.muli %shift_right_arithmetic3A_269, %mul3A_270 : i32
    %multiple_of3A_272 = tpu.assume_multiple %mul3A_271, 128 : i32
    %slice3A_273 = vector.extract_strided_slice %get3A_6 {offsets = [12], sizes = [1], strides = [1]} : vector<16xi32> to vector<1xi32>
    %squeeze3A_274 = vector.extract %slice3A_273[0] : i32 from vector<1xi32>
    %shift_right_arithmetic3A_275 = arith.constant 7 : i32
    %shift_right_arithmetic3A_276 = arith.shrsi %squeeze3A_274, %shift_right_arithmetic3A_275 : i32
    %mul3A_277 = arith.constant 128 : i32
    %mul3A_278 = arith.muli %shift_right_arithmetic3A_276, %mul3A_277 : i32
    %multiple_of3A_279 = tpu.assume_multiple %mul3A_278, 128 : i32
    %dma_start3A_280 = arith.constant 0 : i32
    %dma_start3A_281 = tpu.memref_slice %arg4[%dma_start3A_280, %multiple_of3A_272] : memref<16x1000000xf32, #tpu.memory_space<hbm>> -> memref<16x128xf32, #tpu.memory_space<hbm>>
    %dma_start3A_282 = arith.constant 0 : i32
    %dma_start3A_283 = tpu.memref_slice %arg4[%dma_start3A_282, %multiple_of3A_272] : memref<16x1000000xf32, #tpu.memory_space<hbm>> -> memref<16x128xf32, #tpu.memory_space<hbm>>
    tpu.enqueue_dma source(%dma_start3A_283 : memref<16x128xf32, #tpu.memory_space<hbm>>) target(%arg23 : memref<16x128xf32, #tpu.memory_space<vmem>>) target_semaphore(%arg55 : memref<!tpu.dma_semaphore, #tpu.memory_space<semaphore_mem>>)
    %dma_start3A_284 = arith.constant 0 : i32
    %dma_start3A_285 = tpu.memref_slice %arg5[%dma_start3A_284, %multiple_of3A_279] : memref<16x1000000xf32, #tpu.memory_space<hbm>> -> memref<16x128xf32, #tpu.memory_space<hbm>>
    %dma_start3A_286 = arith.constant 0 : i32
    %dma_start3A_287 = tpu.memref_slice %arg5[%dma_start3A_286, %multiple_of3A_279] : memref<16x1000000xf32, #tpu.memory_space<hbm>> -> memref<16x128xf32, #tpu.memory_space<hbm>>
    tpu.enqueue_dma source(%dma_start3A_287 : memref<16x128xf32, #tpu.memory_space<hbm>>) target(%arg39 : memref<16x128xf32, #tpu.memory_space<vmem>>) target_semaphore(%arg55 : memref<!tpu.dma_semaphore, #tpu.memory_space<semaphore_mem>>)
    %slice3A_288 = vector.extract_strided_slice %get3A_4 {offsets = [13], sizes = [1], strides = [1]} : vector<16xi32> to vector<1xi32>
    %squeeze3A_289 = vector.extract %slice3A_288[0] : i32 from vector<1xi32>
    %shift_right_arithmetic3A_290 = arith.constant 7 : i32
    %shift_right_arithmetic3A_291 = arith.shrsi %squeeze3A_289, %shift_right_arithmetic3A_290 : i32
    %mul3A_292 = arith.constant 128 : i32
    %mul3A_293 = arith.muli %shift_right_arithmetic3A_291, %mul3A_292 : i32
    %multiple_of3A_294 = tpu.assume_multiple %mul3A_293, 128 : i32
    %slice3A_295 = vector.extract_strided_slice %get3A_6 {offsets = [13], sizes = [1], strides = [1]} : vector<16xi32> to vector<1xi32>
    %squeeze3A_296 = vector.extract %slice3A_295[0] : i32 from vector<1xi32>
    %shift_right_arithmetic3A_297 = arith.constant 7 : i32
    %shift_right_arithmetic3A_298 = arith.shrsi %squeeze3A_296, %shift_right_arithmetic3A_297 : i32
    %mul3A_299 = arith.constant 128 : i32
    %mul3A_300 = arith.muli %shift_right_arithmetic3A_298, %mul3A_299 : i32
    %multiple_of3A_301 = tpu.assume_multiple %mul3A_300, 128 : i32
    %dma_start3A_302 = arith.constant 0 : i32
    %dma_start3A_303 = tpu.memref_slice %arg4[%dma_start3A_302, %multiple_of3A_294] : memref<16x1000000xf32, #tpu.memory_space<hbm>> -> memref<16x128xf32, #tpu.memory_space<hbm>>
    %dma_start3A_304 = arith.constant 0 : i32
    %dma_start3A_305 = tpu.memref_slice %arg4[%dma_start3A_304, %multiple_of3A_294] : memref<16x1000000xf32, #tpu.memory_space<hbm>> -> memref<16x128xf32, #tpu.memory_space<hbm>>
    tpu.enqueue_dma source(%dma_start3A_305 : memref<16x128xf32, #tpu.memory_space<hbm>>) target(%arg24 : memref<16x128xf32, #tpu.memory_space<vmem>>) target_semaphore(%arg56 : memref<!tpu.dma_semaphore, #tpu.memory_space<semaphore_mem>>)
    %dma_start3A_306 = arith.constant 0 : i32
    %dma_start3A_307 = tpu.memref_slice %arg5[%dma_start3A_306, %multiple_of3A_301] : memref<16x1000000xf32, #tpu.memory_space<hbm>> -> memref<16x128xf32, #tpu.memory_space<hbm>>
    %dma_start3A_308 = arith.constant 0 : i32
    %dma_start3A_309 = tpu.memref_slice %arg5[%dma_start3A_308, %multiple_of3A_301] : memref<16x1000000xf32, #tpu.memory_space<hbm>> -> memref<16x128xf32, #tpu.memory_space<hbm>>
    tpu.enqueue_dma source(%dma_start3A_309 : memref<16x128xf32, #tpu.memory_space<hbm>>) target(%arg40 : memref<16x128xf32, #tpu.memory_space<vmem>>) target_semaphore(%arg56 : memref<!tpu.dma_semaphore, #tpu.memory_space<semaphore_mem>>)
    %slice3A_310 = vector.extract_strided_slice %get3A_4 {offsets = [14], sizes = [1], strides = [1]} : vector<16xi32> to vector<1xi32>
    %squeeze3A_311 = vector.extract %slice3A_310[0] : i32 from vector<1xi32>
    %shift_right_arithmetic3A_312 = arith.constant 7 : i32
    %shift_right_arithmetic3A_313 = arith.shrsi %squeeze3A_311, %shift_right_arithmetic3A_312 : i32
    %mul3A_314 = arith.constant 128 : i32
    %mul3A_315 = arith.muli %shift_right_arithmetic3A_313, %mul3A_314 : i32
    %multiple_of3A_316 = tpu.assume_multiple %mul3A_315, 128 : i32
    %slice3A_317 = vector.extract_strided_slice %get3A_6 {offsets = [14], sizes = [1], strides = [1]} : vector<16xi32> to vector<1xi32>
    %squeeze3A_318 = vector.extract %slice3A_317[0] : i32 from vector<1xi32>
    %shift_right_arithmetic3A_319 = arith.constant 7 : i32
    %shift_right_arithmetic3A_320 = arith.shrsi %squeeze3A_318, %shift_right_arithmetic3A_319 : i32
    %mul3A_321 = arith.constant 128 : i32
    %mul3A_322 = arith.muli %shift_right_arithmetic3A_320, %mul3A_321 : i32
    %multiple_of3A_323 = tpu.assume_multiple %mul3A_322, 128 : i32
    %dma_start3A_324 = arith.constant 0 : i32
    %dma_start3A_325 = tpu.memref_slice %arg4[%dma_start3A_324, %multiple_of3A_316] : memref<16x1000000xf32, #tpu.memory_space<hbm>> -> memref<16x128xf32, #tpu.memory_space<hbm>>
    %dma_start3A_326 = arith.constant 0 : i32
    %dma_start3A_327 = tpu.memref_slice %arg4[%dma_start3A_326, %multiple_of3A_316] : memref<16x1000000xf32, #tpu.memory_space<hbm>> -> memref<16x128xf32, #tpu.memory_space<hbm>>
    tpu.enqueue_dma source(%dma_start3A_327 : memref<16x128xf32, #tpu.memory_space<hbm>>) target(%arg25 : memref<16x128xf32, #tpu.memory_space<vmem>>) target_semaphore(%arg57 : memref<!tpu.dma_semaphore, #tpu.memory_space<semaphore_mem>>)
    %dma_start3A_328 = arith.constant 0 : i32
    %dma_start3A_329 = tpu.memref_slice %arg5[%dma_start3A_328, %multiple_of3A_323] : memref<16x1000000xf32, #tpu.memory_space<hbm>> -> memref<16x128xf32, #tpu.memory_space<hbm>>
    %dma_start3A_330 = arith.constant 0 : i32
    %dma_start3A_331 = tpu.memref_slice %arg5[%dma_start3A_330, %multiple_of3A_323] : memref<16x1000000xf32, #tpu.memory_space<hbm>> -> memref<16x128xf32, #tpu.memory_space<hbm>>
    tpu.enqueue_dma source(%dma_start3A_331 : memref<16x128xf32, #tpu.memory_space<hbm>>) target(%arg41 : memref<16x128xf32, #tpu.memory_space<vmem>>) target_semaphore(%arg57 : memref<!tpu.dma_semaphore, #tpu.memory_space<semaphore_mem>>)
    %slice3A_332 = vector.extract_strided_slice %get3A_4 {offsets = [15], sizes = [1], strides = [1]} : vector<16xi32> to vector<1xi32>
    %squeeze3A_333 = vector.extract %slice3A_332[0] : i32 from vector<1xi32>
    %shift_right_arithmetic3A_334 = arith.constant 7 : i32
    %shift_right_arithmetic3A_335 = arith.shrsi %squeeze3A_333, %shift_right_arithmetic3A_334 : i32
    %mul3A_336 = arith.constant 128 : i32
    %mul3A_337 = arith.muli %shift_right_arithmetic3A_335, %mul3A_336 : i32
    %multiple_of3A_338 = tpu.assume_multiple %mul3A_337, 128 : i32
    %slice3A_339 = vector.extract_strided_slice %get3A_6 {offsets = [15], sizes = [1], strides = [1]} : vector<16xi32> to vector<1xi32>
    %squeeze3A_340 = vector.extract %slice3A_339[0] : i32 from vector<1xi32>
    %shift_right_arithmetic3A_341 = arith.constant 7 : i32
    %shift_right_arithmetic3A_342 = arith.shrsi %squeeze3A_340, %shift_right_arithmetic3A_341 : i32
    %mul3A_343 = arith.constant 128 : i32
    %mul3A_344 = arith.muli %shift_right_arithmetic3A_342, %mul3A_343 : i32
    %multiple_of3A_345 = tpu.assume_multiple %mul3A_344, 128 : i32
    %dma_start3A_346 = arith.constant 0 : i32
    %dma_start3A_347 = tpu.memref_slice %arg4[%dma_start3A_346, %multiple_of3A_338] : memref<16x1000000xf32, #tpu.memory_space<hbm>> -> memref<16x128xf32, #tpu.memory_space<hbm>>
    %dma_start3A_348 = arith.constant 0 : i32
    %dma_start3A_349 = tpu.memref_slice %arg4[%dma_start3A_348, %multiple_of3A_338] : memref<16x1000000xf32, #tpu.memory_space<hbm>> -> memref<16x128xf32, #tpu.memory_space<hbm>>
    tpu.enqueue_dma source(%dma_start3A_349 : memref<16x128xf32, #tpu.memory_space<hbm>>) target(%arg26 : memref<16x128xf32, #tpu.memory_space<vmem>>) target_semaphore(%arg58 : memref<!tpu.dma_semaphore, #tpu.memory_space<semaphore_mem>>)
    %dma_start3A_350 = arith.constant 0 : i32
    %dma_start3A_351 = tpu.memref_slice %arg5[%dma_start3A_350, %multiple_of3A_345] : memref<16x1000000xf32, #tpu.memory_space<hbm>> -> memref<16x128xf32, #tpu.memory_space<hbm>>
    %dma_start3A_352 = arith.constant 0 : i32
    %dma_start3A_353 = tpu.memref_slice %arg5[%dma_start3A_352, %multiple_of3A_345] : memref<16x1000000xf32, #tpu.memory_space<hbm>> -> memref<16x128xf32, #tpu.memory_space<hbm>>
    tpu.enqueue_dma source(%dma_start3A_353 : memref<16x128xf32, #tpu.memory_space<hbm>>) target(%arg42 : memref<16x128xf32, #tpu.memory_space<vmem>>) target_semaphore(%arg58 : memref<!tpu.dma_semaphore, #tpu.memory_space<semaphore_mem>>)
    %scan3A = arith.constant 0 : i32
    %scan3A_354 = arith.constant 0 : i32
    %scan3A_355 = arith.constant 32 : i32
    %scan3A_356 = arith.addi %scan3A_354, %scan3A_355 : i32
    %scan3A_357 = arith.constant 1 : i32
    scf.for %scan3A_550 = %scan3A_354 to %scan3A_356 step %scan3A_357  : i32 {
      %mul3A_551 = arith.constant 16 : i32
      %mul3A_552 = arith.muli %scan3A_550, %mul3A_551 : i32
      %get3A_553 = arith.index_cast %mul3A_552 : i32 to index
      %get3A_554 = tpu.vector_load %arg7[%get3A_553] {strides = array<i32>} : memref<512xi32, #tpu.memory_space<vmem>>, vector<16xi32>,
      %get3A_555 = arith.index_cast %mul3A_552 : i32 to index
      %get3A_556 = tpu.vector_load %arg8[%get3A_555] {strides = array<i32>} : memref<512xi32, #tpu.memory_space<vmem>>, vector<16xi32>,
      %add3A_557 = arith.constant 1 : i32
      %add3A_558 = arith.addi %scan3A_550, %add3A_557 : i32
      %min3A = arith.constant 31 : i32
      %min3A_559 = arith.minsi %add3A_558, %min3A : i32
      %mul3A_560 = arith.constant 16 : i32
      %mul3A_561 = arith.muli %min3A_559, %mul3A_560 : i32
      %multiple_of3A_562 = tpu.assume_multiple %mul3A_561, 16 : i32
      %get3A_563 = arith.index_cast %multiple_of3A_562 : i32 to index
      %get3A_564 = tpu.vector_load %arg7[%get3A_563] {strides = array<i32>} : memref<512xi32, #tpu.memory_space<vmem>>, vector<16xi32>,
      %get3A_565 = arith.index_cast %multiple_of3A_562 : i32 to index
      %get3A_566 = tpu.vector_load %arg8[%get3A_565] {strides = array<i32>} : memref<512xi32, #tpu.memory_space<vmem>>, vector<16xi32>,
      %dma_wait3A_567 = arith.constant 0 : i32
      %dma_wait3A_568 = arith.constant 0 : i32
      %dma_wait3A_569 = tpu.memref_slice %arg4[%dma_wait3A_567, %dma_wait3A_568] : memref<16x1000000xf32, #tpu.memory_space<hbm>> -> memref<16x128xf32, #tpu.memory_space<hbm>>
      %dma_wait3A_570 = arith.constant 0 : i32
      %dma_wait3A_571 = arith.constant 0 : i32
      %dma_wait3A_572 = tpu.memref_slice %arg4[%dma_wait3A_570, %dma_wait3A_571] : memref<16x1000000xf32, #tpu.memory_space<hbm>> -> memref<16x128xf32, #tpu.memory_space<hbm>>
      tpu.wait_dma2 semaphore(%arg43 : memref<!tpu.dma_semaphore, #tpu.memory_space<semaphore_mem>>) src(%dma_wait3A_572 : memref<16x128xf32, #tpu.memory_space<hbm>>) dst(%arg11 : memref<16x128xf32, #tpu.memory_space<vmem>>)
      %dma_wait3A_573 = arith.constant 0 : i32
      %dma_wait3A_574 = arith.constant 0 : i32
      %dma_wait3A_575 = tpu.memref_slice %arg5[%dma_wait3A_573, %dma_wait3A_574] : memref<16x1000000xf32, #tpu.memory_space<hbm>> -> memref<16x128xf32, #tpu.memory_space<hbm>>
      %dma_wait3A_576 = arith.constant 0 : i32
      %dma_wait3A_577 = arith.constant 0 : i32
      %dma_wait3A_578 = tpu.memref_slice %arg5[%dma_wait3A_576, %dma_wait3A_577] : memref<16x1000000xf32, #tpu.memory_space<hbm>> -> memref<16x128xf32, #tpu.memory_space<hbm>>
      tpu.wait_dma2 semaphore(%arg43 : memref<!tpu.dma_semaphore, #tpu.memory_space<semaphore_mem>>) src(%dma_wait3A_578 : memref<16x128xf32, #tpu.memory_space<hbm>>) dst(%arg27 : memref<16x128xf32, #tpu.memory_space<vmem>>)
      %slice3A_579 = vector.extract_strided_slice %get3A_554 {offsets = [0], sizes = [1], strides = [1]} : vector<16xi32> to vector<1xi32>
      %squeeze3A_580 = vector.extract %slice3A_579[0] : i32 from vector<1xi32>
      %and3A = arith.constant 127 : i32
      %and3A_581 = arith.andi %squeeze3A_580, %and3A : i32
      %add3A_582 = vector.broadcast %and3A_581 : i32 to vector<16xi32>
      %add3A_583 = arith.addi %broadcast_in_dim3A_3, %add3A_582 : vector<16xi32>
      %slice3A_584 = vector.extract_strided_slice %get3A_556 {offsets = [0], sizes = [1], strides = [1]} : vector<16xi32> to vector<1xi32>
      %squeeze3A_585 = vector.extract %slice3A_584[0] : i32 from vector<1xi32>
      %and3A_586 = arith.constant 127 : i32
      %and3A_587 = arith.andi %squeeze3A_585, %and3A_586 : i32
      %add3A_588 = vector.broadcast %and3A_587 : i32 to vector<16xi32>
      %add3A_589 = arith.addi %broadcast_in_dim3A_3, %add3A_588 : vector<16xi32>
      %gather3A = tpu.vector_load_idx %arg11[%iota3A, %add3A_583] : memref<16x128xf32, #tpu.memory_space<vmem>>[vector<16xi32>, vector<16xi32>], vector<16xf32>,
      %gather3A_590 = tpu.vector_load_idx %arg27[%iota3A, %add3A_589] : memref<16x128xf32, #tpu.memory_space<vmem>>[vector<16xi32>, vector<16xi32>], vector<16xf32>,
      %mul3A_591 = arith.mulf %gather3A, %gather3A_590 : vector<16xf32>
      %swap3A = arith.constant 0 : i32
      %swap3A_592 = arith.index_cast %swap3A : i32 to index
      %swap3A_593 = arith.constant 0 : index
      %swap3A_594 = tpu.vector_load %arg10[%swap3A_592, %swap3A_593] {strides = array<i32>} : memref<16x16xf32, #tpu.memory_space<vmem>>, vector<16xf32>,
      tpu.vector_store %arg10[%swap3A_592, %swap3A_593], %mul3A_591 {strides = array<i32>} : memref<16x16xf32, #tpu.memory_space<vmem>>, vector<16xf32>,
      %slice3A_595 = vector.extract_strided_slice %get3A_564 {offsets = [0], sizes = [1], strides = [1]} : vector<16xi32> to vector<1xi32>
      %squeeze3A_596 = vector.extract %slice3A_595[0] : i32 from vector<1xi32>
      %shift_right_arithmetic3A_597 = arith.constant 7 : i32
      %shift_right_arithmetic3A_598 = arith.shrsi %squeeze3A_596, %shift_right_arithmetic3A_597 : i32
      %mul3A_599 = arith.constant 128 : i32
      %mul3A_600 = arith.muli %shift_right_arithmetic3A_598, %mul3A_599 : i32
      %multiple_of3A_601 = tpu.assume_multiple %mul3A_600, 128 : i32
      %slice3A_602 = vector.extract_strided_slice %get3A_566 {offsets = [0], sizes = [1], strides = [1]} : vector<16xi32> to vector<1xi32>
      %squeeze3A_603 = vector.extract %slice3A_602[0] : i32 from vector<1xi32>
      %shift_right_arithmetic3A_604 = arith.constant 7 : i32
      %shift_right_arithmetic3A_605 = arith.shrsi %squeeze3A_603, %shift_right_arithmetic3A_604 : i32
      %mul3A_606 = arith.constant 128 : i32
      %mul3A_607 = arith.muli %shift_right_arithmetic3A_605, %mul3A_606 : i32
      %multiple_of3A_608 = tpu.assume_multiple %mul3A_607, 128 : i32
      %dma_start3A_609 = arith.constant 0 : i32
      %dma_start3A_610 = tpu.memref_slice %arg4[%dma_start3A_609, %multiple_of3A_601] : memref<16x1000000xf32, #tpu.memory_space<hbm>> -> memref<16x128xf32, #tpu.memory_space<hbm>>
      %dma_start3A_611 = arith.constant 0 : i32
      %dma_start3A_612 = tpu.memref_slice %arg4[%dma_start3A_611, %multiple_of3A_601] : memref<16x1000000xf32, #tpu.memory_space<hbm>> -> memref<16x128xf32, #tpu.memory_space<hbm>>
      tpu.enqueue_dma source(%dma_start3A_612 : memref<16x128xf32, #tpu.memory_space<hbm>>) target(%arg11 : memref<16x128xf32, #tpu.memory_space<vmem>>) target_semaphore(%arg43 : memref<!tpu.dma_semaphore, #tpu.memory_space<semaphore_mem>>)
      %dma_start3A_613 = arith.constant 0 : i32
      %dma_start3A_614 = tpu.memref_slice %arg5[%dma_start3A_613, %multiple_of3A_608] : memref<16x1000000xf32, #tpu.memory_space<hbm>> -> memref<16x128xf32, #tpu.memory_space<hbm>>
      %dma_start3A_615 = arith.constant 0 : i32
      %dma_start3A_616 = tpu.memref_slice %arg5[%dma_start3A_615, %multiple_of3A_608] : memref<16x1000000xf32, #tpu.memory_space<hbm>> -> memref<16x128xf32, #tpu.memory_space<hbm>>
      tpu.enqueue_dma source(%dma_start3A_616 : memref<16x128xf32, #tpu.memory_space<hbm>>) target(%arg27 : memref<16x128xf32, #tpu.memory_space<vmem>>) target_semaphore(%arg43 : memref<!tpu.dma_semaphore, #tpu.memory_space<semaphore_mem>>)
      %dma_wait3A_617 = arith.constant 0 : i32
      %dma_wait3A_618 = arith.constant 0 : i32
      %dma_wait3A_619 = tpu.memref_slice %arg4[%dma_wait3A_617, %dma_wait3A_618] : memref<16x1000000xf32, #tpu.memory_space<hbm>> -> memref<16x128xf32, #tpu.memory_space<hbm>>
      %dma_wait3A_620 = arith.constant 0 : i32
      %dma_wait3A_621 = arith.constant 0 : i32
      %dma_wait3A_622 = tpu.memref_slice %arg4[%dma_wait3A_620, %dma_wait3A_621] : memref<16x1000000xf32, #tpu.memory_space<hbm>> -> memref<16x128xf32, #tpu.memory_space<hbm>>
      tpu.wait_dma2 semaphore(%arg44 : memref<!tpu.dma_semaphore, #tpu.memory_space<semaphore_mem>>) src(%dma_wait3A_622 : memref<16x128xf32, #tpu.memory_space<hbm>>) dst(%arg12 : memref<16x128xf32, #tpu.memory_space<vmem>>)
      %dma_wait3A_623 = arith.constant 0 : i32
      %dma_wait3A_624 = arith.constant 0 : i32
      %dma_wait3A_625 = tpu.memref_slice %arg5[%dma_wait3A_623, %dma_wait3A_624] : memref<16x1000000xf32, #tpu.memory_space<hbm>> -> memref<16x128xf32, #tpu.memory_space<hbm>>
      %dma_wait3A_626 = arith.constant 0 : i32
      %dma_wait3A_627 = arith.constant 0 : i32
      %dma_wait3A_628 = tpu.memref_slice %arg5[%dma_wait3A_626, %dma_wait3A_627] : memref<16x1000000xf32, #tpu.memory_space<hbm>> -> memref<16x128xf32, #tpu.memory_space<hbm>>
      tpu.wait_dma2 semaphore(%arg44 : memref<!tpu.dma_semaphore, #tpu.memory_space<semaphore_mem>>) src(%dma_wait3A_628 : memref<16x128xf32, #tpu.memory_space<hbm>>) dst(%arg28 : memref<16x128xf32, #tpu.memory_space<vmem>>)
      %slice3A_629 = vector.extract_strided_slice %get3A_554 {offsets = [1], sizes = [1], strides = [1]} : vector<16xi32> to vector<1xi32>
      %squeeze3A_630 = vector.extract %slice3A_629[0] : i32 from vector<1xi32>
      %and3A_631 = arith.constant 127 : i32
      %and3A_632 = arith.andi %squeeze3A_630, %and3A_631 : i32
      %add3A_633 = vector.broadcast %and3A_632 : i32 to vector<16xi32>
      %add3A_634 = arith.addi %broadcast_in_dim3A_3, %add3A_633 : vector<16xi32>
      %slice3A_635 = vector.extract_strided_slice %get3A_556 {offsets = [1], sizes = [1], strides = [1]} : vector<16xi32> to vector<1xi32>
      %squeeze3A_636 = vector.extract %slice3A_635[0] : i32 from vector<1xi32>
      %and3A_637 = arith.constant 127 : i32
      %and3A_638 = arith.andi %squeeze3A_636, %and3A_637 : i32
      %add3A_639 = vector.broadcast %and3A_638 : i32 to vector<16xi32>
      %add3A_640 = arith.addi %broadcast_in_dim3A_3, %add3A_639 : vector<16xi32>
      %gather3A_641 = tpu.vector_load_idx %arg12[%iota3A, %add3A_634] : memref<16x128xf32, #tpu.memory_space<vmem>>[vector<16xi32>, vector<16xi32>], vector<16xf32>,
      %gather3A_642 = tpu.vector_load_idx %arg28[%iota3A, %add3A_640] : memref<16x128xf32, #tpu.memory_space<vmem>>[vector<16xi32>, vector<16xi32>], vector<16xf32>,
      %mul3A_643 = arith.mulf %gather3A_641, %gather3A_642 : vector<16xf32>
      %swap3A_644 = arith.constant 1 : i32
      %swap3A_645 = arith.index_cast %swap3A_644 : i32 to index
      %swap3A_646 = arith.constant 0 : index
      %swap3A_647 = tpu.vector_load %arg10[%swap3A_645, %swap3A_646] {strides = array<i32>} : memref<16x16xf32, #tpu.memory_space<vmem>>, vector<16xf32>,
      tpu.vector_store %arg10[%swap3A_645, %swap3A_646], %mul3A_643 {strides = array<i32>} : memref<16x16xf32, #tpu.memory_space<vmem>>, vector<16xf32>,
      %slice3A_648 = vector.extract_strided_slice %get3A_564 {offsets = [1], sizes = [1], strides = [1]} : vector<16xi32> to vector<1xi32>
      %squeeze3A_649 = vector.extract %slice3A_648[0] : i32 from vector<1xi32>
      %shift_right_arithmetic3A_650 = arith.constant 7 : i32
      %shift_right_arithmetic3A_651 = arith.shrsi %squeeze3A_649, %shift_right_arithmetic3A_650 : i32
      %mul3A_652 = arith.constant 128 : i32
      %mul3A_653 = arith.muli %shift_right_arithmetic3A_651, %mul3A_652 : i32
      %multiple_of3A_654 = tpu.assume_multiple %mul3A_653, 128 : i32
      %slice3A_655 = vector.extract_strided_slice %get3A_566 {offsets = [1], sizes = [1], strides = [1]} : vector<16xi32> to vector<1xi32>
      %squeeze3A_656 = vector.extract %slice3A_655[0] : i32 from vector<1xi32>
      %shift_right_arithmetic3A_657 = arith.constant 7 : i32
      %shift_right_arithmetic3A_658 = arith.shrsi %squeeze3A_656, %shift_right_arithmetic3A_657 : i32
      %mul3A_659 = arith.constant 128 : i32
      %mul3A_660 = arith.muli %shift_right_arithmetic3A_658, %mul3A_659 : i32
      %multiple_of3A_661 = tpu.assume_multiple %mul3A_660, 128 : i32
      %dma_start3A_662 = arith.constant 0 : i32
      %dma_start3A_663 = tpu.memref_slice %arg4[%dma_start3A_662, %multiple_of3A_654] : memref<16x1000000xf32, #tpu.memory_space<hbm>> -> memref<16x128xf32, #tpu.memory_space<hbm>>
      %dma_start3A_664 = arith.constant 0 : i32
      %dma_start3A_665 = tpu.memref_slice %arg4[%dma_start3A_664, %multiple_of3A_654] : memref<16x1000000xf32, #tpu.memory_space<hbm>> -> memref<16x128xf32, #tpu.memory_space<hbm>>
      tpu.enqueue_dma source(%dma_start3A_665 : memref<16x128xf32, #tpu.memory_space<hbm>>) target(%arg12 : memref<16x128xf32, #tpu.memory_space<vmem>>) target_semaphore(%arg44 : memref<!tpu.dma_semaphore, #tpu.memory_space<semaphore_mem>>)
      %dma_start3A_666 = arith.constant 0 : i32
      %dma_start3A_667 = tpu.memref_slice %arg5[%dma_start3A_666, %multiple_of3A_661] : memref<16x1000000xf32, #tpu.memory_space<hbm>> -> memref<16x128xf32, #tpu.memory_space<hbm>>
      %dma_start3A_668 = arith.constant 0 : i32
      %dma_start3A_669 = tpu.memref_slice %arg5[%dma_start3A_668, %multiple_of3A_661] : memref<16x1000000xf32, #tpu.memory_space<hbm>> -> memref<16x128xf32, #tpu.memory_space<hbm>>
      tpu.enqueue_dma source(%dma_start3A_669 : memref<16x128xf32, #tpu.memory_space<hbm>>) target(%arg28 : memref<16x128xf32, #tpu.memory_space<vmem>>) target_semaphore(%arg44 : memref<!tpu.dma_semaphore, #tpu.memory_space<semaphore_mem>>)
      %dma_wait3A_670 = arith.constant 0 : i32
      %dma_wait3A_671 = arith.constant 0 : i32
      %dma_wait3A_672 = tpu.memref_slice %arg4[%dma_wait3A_670, %dma_wait3A_671] : memref<16x1000000xf32, #tpu.memory_space<hbm>> -> memref<16x128xf32, #tpu.memory_space<hbm>>
      %dma_wait3A_673 = arith.constant 0 : i32
      %dma_wait3A_674 = arith.constant 0 : i32
      %dma_wait3A_675 = tpu.memref_slice %arg4[%dma_wait3A_673, %dma_wait3A_674] : memref<16x1000000xf32, #tpu.memory_space<hbm>> -> memref<16x128xf32, #tpu.memory_space<hbm>>
      tpu.wait_dma2 semaphore(%arg45 : memref<!tpu.dma_semaphore, #tpu.memory_space<semaphore_mem>>) src(%dma_wait3A_675 : memref<16x128xf32, #tpu.memory_space<hbm>>) dst(%arg13 : memref<16x128xf32, #tpu.memory_space<vmem>>)
      %dma_wait3A_676 = arith.constant 0 : i32
      %dma_wait3A_677 = arith.constant 0 : i32
      %dma_wait3A_678 = tpu.memref_slice %arg5[%dma_wait3A_676, %dma_wait3A_677] : memref<16x1000000xf32, #tpu.memory_space<hbm>> -> memref<16x128xf32, #tpu.memory_space<hbm>>
      %dma_wait3A_679 = arith.constant 0 : i32
      %dma_wait3A_680 = arith.constant 0 : i32
      %dma_wait3A_681 = tpu.memref_slice %arg5[%dma_wait3A_679, %dma_wait3A_680] : memref<16x1000000xf32, #tpu.memory_space<hbm>> -> memref<16x128xf32, #tpu.memory_space<hbm>>
      tpu.wait_dma2 semaphore(%arg45 : memref<!tpu.dma_semaphore, #tpu.memory_space<semaphore_mem>>) src(%dma_wait3A_681 : memref<16x128xf32, #tpu.memory_space<hbm>>) dst(%arg29 : memref<16x128xf32, #tpu.memory_space<vmem>>)
      %slice3A_682 = vector.extract_strided_slice %get3A_554 {offsets = [2], sizes = [1], strides = [1]} : vector<16xi32> to vector<1xi32>
      %squeeze3A_683 = vector.extract %slice3A_682[0] : i32 from vector<1xi32>
      %and3A_684 = arith.constant 127 : i32
      %and3A_685 = arith.andi %squeeze3A_683, %and3A_684 : i32
      %add3A_686 = vector.broadcast %and3A_685 : i32 to vector<16xi32>
      %add3A_687 = arith.addi %broadcast_in_dim3A_3, %add3A_686 : vector<16xi32>
      %slice3A_688 = vector.extract_strided_slice %get3A_556 {offsets = [2], sizes = [1], strides = [1]} : vector<16xi32> to vector<1xi32>
      %squeeze3A_689 = vector.extract %slice3A_688[0] : i32 from vector<1xi32>
      %and3A_690 = arith.constant 127 : i32
      %and3A_691 = arith.andi %squeeze3A_689, %and3A_690 : i32
      %add3A_692 = vector.broadcast %and3A_691 : i32 to vector<16xi32>
      %add3A_693 = arith.addi %broadcast_in_dim3A_3, %add3A_692 : vector<16xi32>
      %gather3A_694 = tpu.vector_load_idx %arg13[%iota3A, %add3A_687] : memref<16x128xf32, #tpu.memory_space<vmem>>[vector<16xi32>, vector<16xi32>], vector<16xf32>,
      %gather3A_695 = tpu.vector_load_idx %arg29[%iota3A, %add3A_693] : memref<16x128xf32, #tpu.memory_space<vmem>>[vector<16xi32>, vector<16xi32>], vector<16xf32>,
      %mul3A_696 = arith.mulf %gather3A_694, %gather3A_695 : vector<16xf32>
      %swap3A_697 = arith.constant 2 : i32
      %swap3A_698 = arith.index_cast %swap3A_697 : i32 to index
      %swap3A_699 = arith.constant 0 : index
      %swap3A_700 = tpu.vector_load %arg10[%swap3A_698, %swap3A_699] {strides = array<i32>} : memref<16x16xf32, #tpu.memory_space<vmem>>, vector<16xf32>,
      tpu.vector_store %arg10[%swap3A_698, %swap3A_699], %mul3A_696 {strides = array<i32>} : memref<16x16xf32, #tpu.memory_space<vmem>>, vector<16xf32>,
      %slice3A_701 = vector.extract_strided_slice %get3A_564 {offsets = [2], sizes = [1], strides = [1]} : vector<16xi32> to vector<1xi32>
      %squeeze3A_702 = vector.extract %slice3A_701[0] : i32 from vector<1xi32>
      %shift_right_arithmetic3A_703 = arith.constant 7 : i32
      %shift_right_arithmetic3A_704 = arith.shrsi %squeeze3A_702, %shift_right_arithmetic3A_703 : i32
      %mul3A_705 = arith.constant 128 : i32
      %mul3A_706 = arith.muli %shift_right_arithmetic3A_704, %mul3A_705 : i32
      %multiple_of3A_707 = tpu.assume_multiple %mul3A_706, 128 : i32
      %slice3A_708 = vector.extract_strided_slice %get3A_566 {offsets = [2], sizes = [1], strides = [1]} : vector<16xi32> to vector<1xi32>
      %squeeze3A_709 = vector.extract %slice3A_708[0] : i32 from vector<1xi32>
      %shift_right_arithmetic3A_710 = arith.constant 7 : i32
      %shift_right_arithmetic3A_711 = arith.shrsi %squeeze3A_709, %shift_right_arithmetic3A_710 : i32
      %mul3A_712 = arith.constant 128 : i32
      %mul3A_713 = arith.muli %shift_right_arithmetic3A_711, %mul3A_712 : i32
      %multiple_of3A_714 = tpu.assume_multiple %mul3A_713, 128 : i32
      %dma_start3A_715 = arith.constant 0 : i32
      %dma_start3A_716 = tpu.memref_slice %arg4[%dma_start3A_715, %multiple_of3A_707] : memref<16x1000000xf32, #tpu.memory_space<hbm>> -> memref<16x128xf32, #tpu.memory_space<hbm>>
      %dma_start3A_717 = arith.constant 0 : i32
      %dma_start3A_718 = tpu.memref_slice %arg4[%dma_start3A_717, %multiple_of3A_707] : memref<16x1000000xf32, #tpu.memory_space<hbm>> -> memref<16x128xf32, #tpu.memory_space<hbm>>
      tpu.enqueue_dma source(%dma_start3A_718 : memref<16x128xf32, #tpu.memory_space<hbm>>) target(%arg13 : memref<16x128xf32, #tpu.memory_space<vmem>>) target_semaphore(%arg45 : memref<!tpu.dma_semaphore, #tpu.memory_space<semaphore_mem>>)
      %dma_start3A_719 = arith.constant 0 : i32
      %dma_start3A_720 = tpu.memref_slice %arg5[%dma_start3A_719, %multiple_of3A_714] : memref<16x1000000xf32, #tpu.memory_space<hbm>> -> memref<16x128xf32, #tpu.memory_space<hbm>>
      %dma_start3A_721 = arith.constant 0 : i32
      %dma_start3A_722 = tpu.memref_slice %arg5[%dma_start3A_721, %multiple_of3A_714] : memref<16x1000000xf32, #tpu.memory_space<hbm>> -> memref<16x128xf32, #tpu.memory_space<hbm>>
      tpu.enqueue_dma source(%dma_start3A_722 : memref<16x128xf32, #tpu.memory_space<hbm>>) target(%arg29 : memref<16x128xf32, #tpu.memory_space<vmem>>) target_semaphore(%arg45 : memref<!tpu.dma_semaphore, #tpu.memory_space<semaphore_mem>>)
      %dma_wait3A_723 = arith.constant 0 : i32
      %dma_wait3A_724 = arith.constant 0 : i32
      %dma_wait3A_725 = tpu.memref_slice %arg4[%dma_wait3A_723, %dma_wait3A_724] : memref<16x1000000xf32, #tpu.memory_space<hbm>> -> memref<16x128xf32, #tpu.memory_space<hbm>>
      %dma_wait3A_726 = arith.constant 0 : i32
      %dma_wait3A_727 = arith.constant 0 : i32
      %dma_wait3A_728 = tpu.memref_slice %arg4[%dma_wait3A_726, %dma_wait3A_727] : memref<16x1000000xf32, #tpu.memory_space<hbm>> -> memref<16x128xf32, #tpu.memory_space<hbm>>
      tpu.wait_dma2 semaphore(%arg46 : memref<!tpu.dma_semaphore, #tpu.memory_space<semaphore_mem>>) src(%dma_wait3A_728 : memref<16x128xf32, #tpu.memory_space<hbm>>) dst(%arg14 : memref<16x128xf32, #tpu.memory_space<vmem>>)
      %dma_wait3A_729 = arith.constant 0 : i32
      %dma_wait3A_730 = arith.constant 0 : i32
      %dma_wait3A_731 = tpu.memref_slice %arg5[%dma_wait3A_729, %dma_wait3A_730] : memref<16x1000000xf32, #tpu.memory_space<hbm>> -> memref<16x128xf32, #tpu.memory_space<hbm>>
      %dma_wait3A_732 = arith.constant 0 : i32
      %dma_wait3A_733 = arith.constant 0 : i32
      %dma_wait3A_734 = tpu.memref_slice %arg5[%dma_wait3A_732, %dma_wait3A_733] : memref<16x1000000xf32, #tpu.memory_space<hbm>> -> memref<16x128xf32, #tpu.memory_space<hbm>>
      tpu.wait_dma2 semaphore(%arg46 : memref<!tpu.dma_semaphore, #tpu.memory_space<semaphore_mem>>) src(%dma_wait3A_734 : memref<16x128xf32, #tpu.memory_space<hbm>>) dst(%arg30 : memref<16x128xf32, #tpu.memory_space<vmem>>)
      %slice3A_735 = vector.extract_strided_slice %get3A_554 {offsets = [3], sizes = [1], strides = [1]} : vector<16xi32> to vector<1xi32>
      %squeeze3A_736 = vector.extract %slice3A_735[0] : i32 from vector<1xi32>
      %and3A_737 = arith.constant 127 : i32
      %and3A_738 = arith.andi %squeeze3A_736, %and3A_737 : i32
      %add3A_739 = vector.broadcast %and3A_738 : i32 to vector<16xi32>
      %add3A_740 = arith.addi %broadcast_in_dim3A_3, %add3A_739 : vector<16xi32>
      %slice3A_741 = vector.extract_strided_slice %get3A_556 {offsets = [3], sizes = [1], strides = [1]} : vector<16xi32> to vector<1xi32>
      %squeeze3A_742 = vector.extract %slice3A_741[0] : i32 from vector<1xi32>
      %and3A_743 = arith.constant 127 : i32
      %and3A_744 = arith.andi %squeeze3A_742, %and3A_743 : i32
      %add3A_745 = vector.broadcast %and3A_744 : i32 to vector<16xi32>
      %add3A_746 = arith.addi %broadcast_in_dim3A_3, %add3A_745 : vector<16xi32>
      %gather3A_747 = tpu.vector_load_idx %arg14[%iota3A, %add3A_740] : memref<16x128xf32, #tpu.memory_space<vmem>>[vector<16xi32>, vector<16xi32>], vector<16xf32>,
      %gather3A_748 = tpu.vector_load_idx %arg30[%iota3A, %add3A_746] : memref<16x128xf32, #tpu.memory_space<vmem>>[vector<16xi32>, vector<16xi32>], vector<16xf32>,
      %mul3A_749 = arith.mulf %gather3A_747, %gather3A_748 : vector<16xf32>
      %swap3A_750 = arith.constant 3 : i32
      %swap3A_751 = arith.index_cast %swap3A_750 : i32 to index
      %swap3A_752 = arith.constant 0 : index
      %swap3A_753 = tpu.vector_load %arg10[%swap3A_751, %swap3A_752] {strides = array<i32>} : memref<16x16xf32, #tpu.memory_space<vmem>>, vector<16xf32>,
      tpu.vector_store %arg10[%swap3A_751, %swap3A_752], %mul3A_749 {strides = array<i32>} : memref<16x16xf32, #tpu.memory_space<vmem>>, vector<16xf32>,
      %slice3A_754 = vector.extract_strided_slice %get3A_564 {offsets = [3], sizes = [1], strides = [1]} : vector<16xi32> to vector<1xi32>
      %squeeze3A_755 = vector.extract %slice3A_754[0] : i32 from vector<1xi32>
      %shift_right_arithmetic3A_756 = arith.constant 7 : i32
      %shift_right_arithmetic3A_757 = arith.shrsi %squeeze3A_755, %shift_right_arithmetic3A_756 : i32
      %mul3A_758 = arith.constant 128 : i32
      %mul3A_759 = arith.muli %shift_right_arithmetic3A_757, %mul3A_758 : i32
      %multiple_of3A_760 = tpu.assume_multiple %mul3A_759, 128 : i32
      %slice3A_761 = vector.extract_strided_slice %get3A_566 {offsets = [3], sizes = [1], strides = [1]} : vector<16xi32> to vector<1xi32>
      %squeeze3A_762 = vector.extract %slice3A_761[0] : i32 from vector<1xi32>
      %shift_right_arithmetic3A_763 = arith.constant 7 : i32
      %shift_right_arithmetic3A_764 = arith.shrsi %squeeze3A_762, %shift_right_arithmetic3A_763 : i32
      %mul3A_765 = arith.constant 128 : i32
      %mul3A_766 = arith.muli %shift_right_arithmetic3A_764, %mul3A_765 : i32
      %multiple_of3A_767 = tpu.assume_multiple %mul3A_766, 128 : i32
      %dma_start3A_768 = arith.constant 0 : i32
      %dma_start3A_769 = tpu.memref_slice %arg4[%dma_start3A_768, %multiple_of3A_760] : memref<16x1000000xf32, #tpu.memory_space<hbm>> -> memref<16x128xf32, #tpu.memory_space<hbm>>
      %dma_start3A_770 = arith.constant 0 : i32
      %dma_start3A_771 = tpu.memref_slice %arg4[%dma_start3A_770, %multiple_of3A_760] : memref<16x1000000xf32, #tpu.memory_space<hbm>> -> memref<16x128xf32, #tpu.memory_space<hbm>>
      tpu.enqueue_dma source(%dma_start3A_771 : memref<16x128xf32, #tpu.memory_space<hbm>>) target(%arg14 : memref<16x128xf32, #tpu.memory_space<vmem>>) target_semaphore(%arg46 : memref<!tpu.dma_semaphore, #tpu.memory_space<semaphore_mem>>)
      %dma_start3A_772 = arith.constant 0 : i32
      %dma_start3A_773 = tpu.memref_slice %arg5[%dma_start3A_772, %multiple_of3A_767] : memref<16x1000000xf32, #tpu.memory_space<hbm>> -> memref<16x128xf32, #tpu.memory_space<hbm>>
      %dma_start3A_774 = arith.constant 0 : i32
      %dma_start3A_775 = tpu.memref_slice %arg5[%dma_start3A_774, %multiple_of3A_767] : memref<16x1000000xf32, #tpu.memory_space<hbm>> -> memref<16x128xf32, #tpu.memory_space<hbm>>
      tpu.enqueue_dma source(%dma_start3A_775 : memref<16x128xf32, #tpu.memory_space<hbm>>) target(%arg30 : memref<16x128xf32, #tpu.memory_space<vmem>>) target_semaphore(%arg46 : memref<!tpu.dma_semaphore, #tpu.memory_space<semaphore_mem>>)
      %dma_wait3A_776 = arith.constant 0 : i32
      %dma_wait3A_777 = arith.constant 0 : i32
      %dma_wait3A_778 = tpu.memref_slice %arg4[%dma_wait3A_776, %dma_wait3A_777] : memref<16x1000000xf32, #tpu.memory_space<hbm>> -> memref<16x128xf32, #tpu.memory_space<hbm>>
      %dma_wait3A_779 = arith.constant 0 : i32
      %dma_wait3A_780 = arith.constant 0 : i32
      %dma_wait3A_781 = tpu.memref_slice %arg4[%dma_wait3A_779, %dma_wait3A_780] : memref<16x1000000xf32, #tpu.memory_space<hbm>> -> memref<16x128xf32, #tpu.memory_space<hbm>>
      tpu.wait_dma2 semaphore(%arg47 : memref<!tpu.dma_semaphore, #tpu.memory_space<semaphore_mem>>) src(%dma_wait3A_781 : memref<16x128xf32, #tpu.memory_space<hbm>>) dst(%arg15 : memref<16x128xf32, #tpu.memory_space<vmem>>)
      %dma_wait3A_782 = arith.constant 0 : i32
      %dma_wait3A_783 = arith.constant 0 : i32
      %dma_wait3A_784 = tpu.memref_slice %arg5[%dma_wait3A_782, %dma_wait3A_783] : memref<16x1000000xf32, #tpu.memory_space<hbm>> -> memref<16x128xf32, #tpu.memory_space<hbm>>
      %dma_wait3A_785 = arith.constant 0 : i32
      %dma_wait3A_786 = arith.constant 0 : i32
      %dma_wait3A_787 = tpu.memref_slice %arg5[%dma_wait3A_785, %dma_wait3A_786] : memref<16x1000000xf32, #tpu.memory_space<hbm>> -> memref<16x128xf32, #tpu.memory_space<hbm>>
      tpu.wait_dma2 semaphore(%arg47 : memref<!tpu.dma_semaphore, #tpu.memory_space<semaphore_mem>>) src(%dma_wait3A_787 : memref<16x128xf32, #tpu.memory_space<hbm>>) dst(%arg31 : memref<16x128xf32, #tpu.memory_space<vmem>>)
      %slice3A_788 = vector.extract_strided_slice %get3A_554 {offsets = [4], sizes = [1], strides = [1]} : vector<16xi32> to vector<1xi32>
      %squeeze3A_789 = vector.extract %slice3A_788[0] : i32 from vector<1xi32>
      %and3A_790 = arith.constant 127 : i32
      %and3A_791 = arith.andi %squeeze3A_789, %and3A_790 : i32
      %add3A_792 = vector.broadcast %and3A_791 : i32 to vector<16xi32>
      %add3A_793 = arith.addi %broadcast_in_dim3A_3, %add3A_792 : vector<16xi32>
      %slice3A_794 = vector.extract_strided_slice %get3A_556 {offsets = [4], sizes = [1], strides = [1]} : vector<16xi32> to vector<1xi32>
      %squeeze3A_795 = vector.extract %slice3A_794[0] : i32 from vector<1xi32>
      %and3A_796 = arith.constant 127 : i32
      %and3A_797 = arith.andi %squeeze3A_795, %and3A_796 : i32
      %add3A_798 = vector.broadcast %and3A_797 : i32 to vector<16xi32>
      %add3A_799 = arith.addi %broadcast_in_dim3A_3, %add3A_798 : vector<16xi32>
      %gather3A_800 = tpu.vector_load_idx %arg15[%iota3A, %add3A_793] : memref<16x128xf32, #tpu.memory_space<vmem>>[vector<16xi32>, vector<16xi32>], vector<16xf32>,
      %gather3A_801 = tpu.vector_load_idx %arg31[%iota3A, %add3A_799] : memref<16x128xf32, #tpu.memory_space<vmem>>[vector<16xi32>, vector<16xi32>], vector<16xf32>,
      %mul3A_802 = arith.mulf %gather3A_800, %gather3A_801 : vector<16xf32>
      %swap3A_803 = arith.constant 4 : i32
      %swap3A_804 = arith.index_cast %swap3A_803 : i32 to index
      %swap3A_805 = arith.constant 0 : index
      %swap3A_806 = tpu.vector_load %arg10[%swap3A_804, %swap3A_805] {strides = array<i32>} : memref<16x16xf32, #tpu.memory_space<vmem>>, vector<16xf32>,
      tpu.vector_store %arg10[%swap3A_804, %swap3A_805], %mul3A_802 {strides = array<i32>} : memref<16x16xf32, #tpu.memory_space<vmem>>, vector<16xf32>,
      %slice3A_807 = vector.extract_strided_slice %get3A_564 {offsets = [4], sizes = [1], strides = [1]} : vector<16xi32> to vector<1xi32>
      %squeeze3A_808 = vector.extract %slice3A_807[0] : i32 from vector<1xi32>
      %shift_right_arithmetic3A_809 = arith.constant 7 : i32
      %shift_right_arithmetic3A_810 = arith.shrsi %squeeze3A_808, %shift_right_arithmetic3A_809 : i32
      %mul3A_811 = arith.constant 128 : i32
      %mul3A_812 = arith.muli %shift_right_arithmetic3A_810, %mul3A_811 : i32
      %multiple_of3A_813 = tpu.assume_multiple %mul3A_812, 128 : i32
      %slice3A_814 = vector.extract_strided_slice %get3A_566 {offsets = [4], sizes = [1], strides = [1]} : vector<16xi32> to vector<1xi32>
      %squeeze3A_815 = vector.extract %slice3A_814[0] : i32 from vector<1xi32>
      %shift_right_arithmetic3A_816 = arith.constant 7 : i32
      %shift_right_arithmetic3A_817 = arith.shrsi %squeeze3A_815, %shift_right_arithmetic3A_816 : i32
      %mul3A_818 = arith.constant 128 : i32
      %mul3A_819 = arith.muli %shift_right_arithmetic3A_817, %mul3A_818 : i32
      %multiple_of3A_820 = tpu.assume_multiple %mul3A_819, 128 : i32
      %dma_start3A_821 = arith.constant 0 : i32
      %dma_start3A_822 = tpu.memref_slice %arg4[%dma_start3A_821, %multiple_of3A_813] : memref<16x1000000xf32, #tpu.memory_space<hbm>> -> memref<16x128xf32, #tpu.memory_space<hbm>>
      %dma_start3A_823 = arith.constant 0 : i32
      %dma_start3A_824 = tpu.memref_slice %arg4[%dma_start3A_823, %multiple_of3A_813] : memref<16x1000000xf32, #tpu.memory_space<hbm>> -> memref<16x128xf32, #tpu.memory_space<hbm>>
      tpu.enqueue_dma source(%dma_start3A_824 : memref<16x128xf32, #tpu.memory_space<hbm>>) target(%arg15 : memref<16x128xf32, #tpu.memory_space<vmem>>) target_semaphore(%arg47 : memref<!tpu.dma_semaphore, #tpu.memory_space<semaphore_mem>>)
      %dma_start3A_825 = arith.constant 0 : i32
      %dma_start3A_826 = tpu.memref_slice %arg5[%dma_start3A_825, %multiple_of3A_820] : memref<16x1000000xf32, #tpu.memory_space<hbm>> -> memref<16x128xf32, #tpu.memory_space<hbm>>
      %dma_start3A_827 = arith.constant 0 : i32
      %dma_start3A_828 = tpu.memref_slice %arg5[%dma_start3A_827, %multiple_of3A_820] : memref<16x1000000xf32, #tpu.memory_space<hbm>> -> memref<16x128xf32, #tpu.memory_space<hbm>>
      tpu.enqueue_dma source(%dma_start3A_828 : memref<16x128xf32, #tpu.memory_space<hbm>>) target(%arg31 : memref<16x128xf32, #tpu.memory_space<vmem>>) target_semaphore(%arg47 : memref<!tpu.dma_semaphore, #tpu.memory_space<semaphore_mem>>)
      %dma_wait3A_829 = arith.constant 0 : i32
      %dma_wait3A_830 = arith.constant 0 : i32
      %dma_wait3A_831 = tpu.memref_slice %arg4[%dma_wait3A_829, %dma_wait3A_830] : memref<16x1000000xf32, #tpu.memory_space<hbm>> -> memref<16x128xf32, #tpu.memory_space<hbm>>
      %dma_wait3A_832 = arith.constant 0 : i32
      %dma_wait3A_833 = arith.constant 0 : i32
      %dma_wait3A_834 = tpu.memref_slice %arg4[%dma_wait3A_832, %dma_wait3A_833] : memref<16x1000000xf32, #tpu.memory_space<hbm>> -> memref<16x128xf32, #tpu.memory_space<hbm>>
      tpu.wait_dma2 semaphore(%arg48 : memref<!tpu.dma_semaphore, #tpu.memory_space<semaphore_mem>>) src(%dma_wait3A_834 : memref<16x128xf32, #tpu.memory_space<hbm>>) dst(%arg16 : memref<16x128xf32, #tpu.memory_space<vmem>>)
      %dma_wait3A_835 = arith.constant 0 : i32
      %dma_wait3A_836 = arith.constant 0 : i32
      %dma_wait3A_837 = tpu.memref_slice %arg5[%dma_wait3A_835, %dma_wait3A_836] : memref<16x1000000xf32, #tpu.memory_space<hbm>> -> memref<16x128xf32, #tpu.memory_space<hbm>>
      %dma_wait3A_838 = arith.constant 0 : i32
      %dma_wait3A_839 = arith.constant 0 : i32
      %dma_wait3A_840 = tpu.memref_slice %arg5[%dma_wait3A_838, %dma_wait3A_839] : memref<16x1000000xf32, #tpu.memory_space<hbm>> -> memref<16x128xf32, #tpu.memory_space<hbm>>
      tpu.wait_dma2 semaphore(%arg48 : memref<!tpu.dma_semaphore, #tpu.memory_space<semaphore_mem>>) src(%dma_wait3A_840 : memref<16x128xf32, #tpu.memory_space<hbm>>) dst(%arg32 : memref<16x128xf32, #tpu.memory_space<vmem>>)
      %slice3A_841 = vector.extract_strided_slice %get3A_554 {offsets = [5], sizes = [1], strides = [1]} : vector<16xi32> to vector<1xi32>
      %squeeze3A_842 = vector.extract %slice3A_841[0] : i32 from vector<1xi32>
      %and3A_843 = arith.constant 127 : i32
      %and3A_844 = arith.andi %squeeze3A_842, %and3A_843 : i32
      %add3A_845 = vector.broadcast %and3A_844 : i32 to vector<16xi32>
      %add3A_846 = arith.addi %broadcast_in_dim3A_3, %add3A_845 : vector<16xi32>
      %slice3A_847 = vector.extract_strided_slice %get3A_556 {offsets = [5], sizes = [1], strides = [1]} : vector<16xi32> to vector<1xi32>
      %squeeze3A_848 = vector.extract %slice3A_847[0] : i32 from vector<1xi32>
      %and3A_849 = arith.constant 127 : i32
      %and3A_850 = arith.andi %squeeze3A_848, %and3A_849 : i32
      %add3A_851 = vector.broadcast %and3A_850 : i32 to vector<16xi32>
      %add3A_852 = arith.addi %broadcast_in_dim3A_3, %add3A_851 : vector<16xi32>
      %gather3A_853 = tpu.vector_load_idx %arg16[%iota3A, %add3A_846] : memref<16x128xf32, #tpu.memory_space<vmem>>[vector<16xi32>, vector<16xi32>], vector<16xf32>,
      %gather3A_854 = tpu.vector_load_idx %arg32[%iota3A, %add3A_852] : memref<16x128xf32, #tpu.memory_space<vmem>>[vector<16xi32>, vector<16xi32>], vector<16xf32>,
      %mul3A_855 = arith.mulf %gather3A_853, %gather3A_854 : vector<16xf32>
      %swap3A_856 = arith.constant 5 : i32
      %swap3A_857 = arith.index_cast %swap3A_856 : i32 to index
      %swap3A_858 = arith.constant 0 : index
      %swap3A_859 = tpu.vector_load %arg10[%swap3A_857, %swap3A_858] {strides = array<i32>} : memref<16x16xf32, #tpu.memory_space<vmem>>, vector<16xf32>,
      tpu.vector_store %arg10[%swap3A_857, %swap3A_858], %mul3A_855 {strides = array<i32>} : memref<16x16xf32, #tpu.memory_space<vmem>>, vector<16xf32>,
      %slice3A_860 = vector.extract_strided_slice %get3A_564 {offsets = [5], sizes = [1], strides = [1]} : vector<16xi32> to vector<1xi32>
      %squeeze3A_861 = vector.extract %slice3A_860[0] : i32 from vector<1xi32>
      %shift_right_arithmetic3A_862 = arith.constant 7 : i32
      %shift_right_arithmetic3A_863 = arith.shrsi %squeeze3A_861, %shift_right_arithmetic3A_862 : i32
      %mul3A_864 = arith.constant 128 : i32
      %mul3A_865 = arith.muli %shift_right_arithmetic3A_863, %mul3A_864 : i32
      %multiple_of3A_866 = tpu.assume_multiple %mul3A_865, 128 : i32
      %slice3A_867 = vector.extract_strided_slice %get3A_566 {offsets = [5], sizes = [1], strides = [1]} : vector<16xi32> to vector<1xi32>
      %squeeze3A_868 = vector.extract %slice3A_867[0] : i32 from vector<1xi32>
      %shift_right_arithmetic3A_869 = arith.constant 7 : i32
      %shift_right_arithmetic3A_870 = arith.shrsi %squeeze3A_868, %shift_right_arithmetic3A_869 : i32
      %mul3A_871 = arith.constant 128 : i32
      %mul3A_872 = arith.muli %shift_right_arithmetic3A_870, %mul3A_871 : i32
      %multiple_of3A_873 = tpu.assume_multiple %mul3A_872, 128 : i32
      %dma_start3A_874 = arith.constant 0 : i32
      %dma_start3A_875 = tpu.memref_slice %arg4[%dma_start3A_874, %multiple_of3A_866] : memref<16x1000000xf32, #tpu.memory_space<hbm>> -> memref<16x128xf32, #tpu.memory_space<hbm>>
      %dma_start3A_876 = arith.constant 0 : i32
      %dma_start3A_877 = tpu.memref_slice %arg4[%dma_start3A_876, %multiple_of3A_866] : memref<16x1000000xf32, #tpu.memory_space<hbm>> -> memref<16x128xf32, #tpu.memory_space<hbm>>
      tpu.enqueue_dma source(%dma_start3A_877 : memref<16x128xf32, #tpu.memory_space<hbm>>) target(%arg16 : memref<16x128xf32, #tpu.memory_space<vmem>>) target_semaphore(%arg48 : memref<!tpu.dma_semaphore, #tpu.memory_space<semaphore_mem>>)
      %dma_start3A_878 = arith.constant 0 : i32
      %dma_start3A_879 = tpu.memref_slice %arg5[%dma_start3A_878, %multiple_of3A_873] : memref<16x1000000xf32, #tpu.memory_space<hbm>> -> memref<16x128xf32, #tpu.memory_space<hbm>>
      %dma_start3A_880 = arith.constant 0 : i32
      %dma_start3A_881 = tpu.memref_slice %arg5[%dma_start3A_880, %multiple_of3A_873] : memref<16x1000000xf32, #tpu.memory_space<hbm>> -> memref<16x128xf32, #tpu.memory_space<hbm>>
      tpu.enqueue_dma source(%dma_start3A_881 : memref<16x128xf32, #tpu.memory_space<hbm>>) target(%arg32 : memref<16x128xf32, #tpu.memory_space<vmem>>) target_semaphore(%arg48 : memref<!tpu.dma_semaphore, #tpu.memory_space<semaphore_mem>>)
      %dma_wait3A_882 = arith.constant 0 : i32
      %dma_wait3A_883 = arith.constant 0 : i32
      %dma_wait3A_884 = tpu.memref_slice %arg4[%dma_wait3A_882, %dma_wait3A_883] : memref<16x1000000xf32, #tpu.memory_space<hbm>> -> memref<16x128xf32, #tpu.memory_space<hbm>>
      %dma_wait3A_885 = arith.constant 0 : i32
      %dma_wait3A_886 = arith.constant 0 : i32
      %dma_wait3A_887 = tpu.memref_slice %arg4[%dma_wait3A_885, %dma_wait3A_886] : memref<16x1000000xf32, #tpu.memory_space<hbm>> -> memref<16x128xf32, #tpu.memory_space<hbm>>
      tpu.wait_dma2 semaphore(%arg49 : memref<!tpu.dma_semaphore, #tpu.memory_space<semaphore_mem>>) src(%dma_wait3A_887 : memref<16x128xf32, #tpu.memory_space<hbm>>) dst(%arg17 : memref<16x128xf32, #tpu.memory_space<vmem>>)
      %dma_wait3A_888 = arith.constant 0 : i32
      %dma_wait3A_889 = arith.constant 0 : i32
      %dma_wait3A_890 = tpu.memref_slice %arg5[%dma_wait3A_888, %dma_wait3A_889] : memref<16x1000000xf32, #tpu.memory_space<hbm>> -> memref<16x128xf32, #tpu.memory_space<hbm>>
      %dma_wait3A_891 = arith.constant 0 : i32
      %dma_wait3A_892 = arith.constant 0 : i32
      %dma_wait3A_893 = tpu.memref_slice %arg5[%dma_wait3A_891, %dma_wait3A_892] : memref<16x1000000xf32, #tpu.memory_space<hbm>> -> memref<16x128xf32, #tpu.memory_space<hbm>>
      tpu.wait_dma2 semaphore(%arg49 : memref<!tpu.dma_semaphore, #tpu.memory_space<semaphore_mem>>) src(%dma_wait3A_893 : memref<16x128xf32, #tpu.memory_space<hbm>>) dst(%arg33 : memref<16x128xf32, #tpu.memory_space<vmem>>)
      %slice3A_894 = vector.extract_strided_slice %get3A_554 {offsets = [6], sizes = [1], strides = [1]} : vector<16xi32> to vector<1xi32>
      %squeeze3A_895 = vector.extract %slice3A_894[0] : i32 from vector<1xi32>
      %and3A_896 = arith.constant 127 : i32
      %and3A_897 = arith.andi %squeeze3A_895, %and3A_896 : i32
      %add3A_898 = vector.broadcast %and3A_897 : i32 to vector<16xi32>
      %add3A_899 = arith.addi %broadcast_in_dim3A_3, %add3A_898 : vector<16xi32>
      %slice3A_900 = vector.extract_strided_slice %get3A_556 {offsets = [6], sizes = [1], strides = [1]} : vector<16xi32> to vector<1xi32>
      %squeeze3A_901 = vector.extract %slice3A_900[0] : i32 from vector<1xi32>
      %and3A_902 = arith.constant 127 : i32
      %and3A_903 = arith.andi %squeeze3A_901, %and3A_902 : i32
      %add3A_904 = vector.broadcast %and3A_903 : i32 to vector<16xi32>
      %add3A_905 = arith.addi %broadcast_in_dim3A_3, %add3A_904 : vector<16xi32>
      %gather3A_906 = tpu.vector_load_idx %arg17[%iota3A, %add3A_899] : memref<16x128xf32, #tpu.memory_space<vmem>>[vector<16xi32>, vector<16xi32>], vector<16xf32>,
      %gather3A_907 = tpu.vector_load_idx %arg33[%iota3A, %add3A_905] : memref<16x128xf32, #tpu.memory_space<vmem>>[vector<16xi32>, vector<16xi32>], vector<16xf32>,
      %mul3A_908 = arith.mulf %gather3A_906, %gather3A_907 : vector<16xf32>
      %swap3A_909 = arith.constant 6 : i32
      %swap3A_910 = arith.index_cast %swap3A_909 : i32 to index
      %swap3A_911 = arith.constant 0 : index
      %swap3A_912 = tpu.vector_load %arg10[%swap3A_910, %swap3A_911] {strides = array<i32>} : memref<16x16xf32, #tpu.memory_space<vmem>>, vector<16xf32>,
      tpu.vector_store %arg10[%swap3A_910, %swap3A_911], %mul3A_908 {strides = array<i32>} : memref<16x16xf32, #tpu.memory_space<vmem>>, vector<16xf32>,
      %slice3A_913 = vector.extract_strided_slice %get3A_564 {offsets = [6], sizes = [1], strides = [1]} : vector<16xi32> to vector<1xi32>
      %squeeze3A_914 = vector.extract %slice3A_913[0] : i32 from vector<1xi32>
      %shift_right_arithmetic3A_915 = arith.constant 7 : i32
      %shift_right_arithmetic3A_916 = arith.shrsi %squeeze3A_914, %shift_right_arithmetic3A_915 : i32
      %mul3A_917 = arith.constant 128 : i32
      %mul3A_918 = arith.muli %shift_right_arithmetic3A_916, %mul3A_917 : i32
      %multiple_of3A_919 = tpu.assume_multiple %mul3A_918, 128 : i32
      %slice3A_920 = vector.extract_strided_slice %get3A_566 {offsets = [6], sizes = [1], strides = [1]} : vector<16xi32> to vector<1xi32>
      %squeeze3A_921 = vector.extract %slice3A_920[0] : i32 from vector<1xi32>
      %shift_right_arithmetic3A_922 = arith.constant 7 : i32
      %shift_right_arithmetic3A_923 = arith.shrsi %squeeze3A_921, %shift_right_arithmetic3A_922 : i32
      %mul3A_924 = arith.constant 128 : i32
      %mul3A_925 = arith.muli %shift_right_arithmetic3A_923, %mul3A_924 : i32
      %multiple_of3A_926 = tpu.assume_multiple %mul3A_925, 128 : i32
      %dma_start3A_927 = arith.constant 0 : i32
      %dma_start3A_928 = tpu.memref_slice %arg4[%dma_start3A_927, %multiple_of3A_919] : memref<16x1000000xf32, #tpu.memory_space<hbm>> -> memref<16x128xf32, #tpu.memory_space<hbm>>
      %dma_start3A_929 = arith.constant 0 : i32
      %dma_start3A_930 = tpu.memref_slice %arg4[%dma_start3A_929, %multiple_of3A_919] : memref<16x1000000xf32, #tpu.memory_space<hbm>> -> memref<16x128xf32, #tpu.memory_space<hbm>>
      tpu.enqueue_dma source(%dma_start3A_930 : memref<16x128xf32, #tpu.memory_space<hbm>>) target(%arg17 : memref<16x128xf32, #tpu.memory_space<vmem>>) target_semaphore(%arg49 : memref<!tpu.dma_semaphore, #tpu.memory_space<semaphore_mem>>)
      %dma_start3A_931 = arith.constant 0 : i32
      %dma_start3A_932 = tpu.memref_slice %arg5[%dma_start3A_931, %multiple_of3A_926] : memref<16x1000000xf32, #tpu.memory_space<hbm>> -> memref<16x128xf32, #tpu.memory_space<hbm>>
      %dma_start3A_933 = arith.constant 0 : i32
      %dma_start3A_934 = tpu.memref_slice %arg5[%dma_start3A_933, %multiple_of3A_926] : memref<16x1000000xf32, #tpu.memory_space<hbm>> -> memref<16x128xf32, #tpu.memory_space<hbm>>
      tpu.enqueue_dma source(%dma_start3A_934 : memref<16x128xf32, #tpu.memory_space<hbm>>) target(%arg33 : memref<16x128xf32, #tpu.memory_space<vmem>>) target_semaphore(%arg49 : memref<!tpu.dma_semaphore, #tpu.memory_space<semaphore_mem>>)
      %dma_wait3A_935 = arith.constant 0 : i32
      %dma_wait3A_936 = arith.constant 0 : i32
      %dma_wait3A_937 = tpu.memref_slice %arg4[%dma_wait3A_935, %dma_wait3A_936] : memref<16x1000000xf32, #tpu.memory_space<hbm>> -> memref<16x128xf32, #tpu.memory_space<hbm>>
      %dma_wait3A_938 = arith.constant 0 : i32
      %dma_wait3A_939 = arith.constant 0 : i32
      %dma_wait3A_940 = tpu.memref_slice %arg4[%dma_wait3A_938, %dma_wait3A_939] : memref<16x1000000xf32, #tpu.memory_space<hbm>> -> memref<16x128xf32, #tpu.memory_space<hbm>>
      tpu.wait_dma2 semaphore(%arg50 : memref<!tpu.dma_semaphore, #tpu.memory_space<semaphore_mem>>) src(%dma_wait3A_940 : memref<16x128xf32, #tpu.memory_space<hbm>>) dst(%arg18 : memref<16x128xf32, #tpu.memory_space<vmem>>)
      %dma_wait3A_941 = arith.constant 0 : i32
      %dma_wait3A_942 = arith.constant 0 : i32
      %dma_wait3A_943 = tpu.memref_slice %arg5[%dma_wait3A_941, %dma_wait3A_942] : memref<16x1000000xf32, #tpu.memory_space<hbm>> -> memref<16x128xf32, #tpu.memory_space<hbm>>
      %dma_wait3A_944 = arith.constant 0 : i32
      %dma_wait3A_945 = arith.constant 0 : i32
      %dma_wait3A_946 = tpu.memref_slice %arg5[%dma_wait3A_944, %dma_wait3A_945] : memref<16x1000000xf32, #tpu.memory_space<hbm>> -> memref<16x128xf32, #tpu.memory_space<hbm>>
      tpu.wait_dma2 semaphore(%arg50 : memref<!tpu.dma_semaphore, #tpu.memory_space<semaphore_mem>>) src(%dma_wait3A_946 : memref<16x128xf32, #tpu.memory_space<hbm>>) dst(%arg34 : memref<16x128xf32, #tpu.memory_space<vmem>>)
      %slice3A_947 = vector.extract_strided_slice %get3A_554 {offsets = [7], sizes = [1], strides = [1]} : vector<16xi32> to vector<1xi32>
      %squeeze3A_948 = vector.extract %slice3A_947[0] : i32 from vector<1xi32>
      %and3A_949 = arith.constant 127 : i32
      %and3A_950 = arith.andi %squeeze3A_948, %and3A_949 : i32
      %add3A_951 = vector.broadcast %and3A_950 : i32 to vector<16xi32>
      %add3A_952 = arith.addi %broadcast_in_dim3A_3, %add3A_951 : vector<16xi32>
      %slice3A_953 = vector.extract_strided_slice %get3A_556 {offsets = [7], sizes = [1], strides = [1]} : vector<16xi32> to vector<1xi32>
      %squeeze3A_954 = vector.extract %slice3A_953[0] : i32 from vector<1xi32>
      %and3A_955 = arith.constant 127 : i32
      %and3A_956 = arith.andi %squeeze3A_954, %and3A_955 : i32
      %add3A_957 = vector.broadcast %and3A_956 : i32 to vector<16xi32>
      %add3A_958 = arith.addi %broadcast_in_dim3A_3, %add3A_957 : vector<16xi32>
      %gather3A_959 = tpu.vector_load_idx %arg18[%iota3A, %add3A_952] : memref<16x128xf32, #tpu.memory_space<vmem>>[vector<16xi32>, vector<16xi32>], vector<16xf32>,
      %gather3A_960 = tpu.vector_load_idx %arg34[%iota3A, %add3A_958] : memref<16x128xf32, #tpu.memory_space<vmem>>[vector<16xi32>, vector<16xi32>], vector<16xf32>,
      %mul3A_961 = arith.mulf %gather3A_959, %gather3A_960 : vector<16xf32>
      %swap3A_962 = arith.constant 7 : i32
      %swap3A_963 = arith.index_cast %swap3A_962 : i32 to index
      %swap3A_964 = arith.constant 0 : index
      %swap3A_965 = tpu.vector_load %arg10[%swap3A_963, %swap3A_964] {strides = array<i32>} : memref<16x16xf32, #tpu.memory_space<vmem>>, vector<16xf32>,
      tpu.vector_store %arg10[%swap3A_963, %swap3A_964], %mul3A_961 {strides = array<i32>} : memref<16x16xf32, #tpu.memory_space<vmem>>, vector<16xf32>,
      %slice3A_966 = vector.extract_strided_slice %get3A_564 {offsets = [7], sizes = [1], strides = [1]} : vector<16xi32> to vector<1xi32>
      %squeeze3A_967 = vector.extract %slice3A_966[0] : i32 from vector<1xi32>
      %shift_right_arithmetic3A_968 = arith.constant 7 : i32
      %shift_right_arithmetic3A_969 = arith.shrsi %squeeze3A_967, %shift_right_arithmetic3A_968 : i32
      %mul3A_970 = arith.constant 128 : i32
      %mul3A_971 = arith.muli %shift_right_arithmetic3A_969, %mul3A_970 : i32
      %multiple_of3A_972 = tpu.assume_multiple %mul3A_971, 128 : i32
      %slice3A_973 = vector.extract_strided_slice %get3A_566 {offsets = [7], sizes = [1], strides = [1]} : vector<16xi32> to vector<1xi32>
      %squeeze3A_974 = vector.extract %slice3A_973[0] : i32 from vector<1xi32>
      %shift_right_arithmetic3A_975 = arith.constant 7 : i32
      %shift_right_arithmetic3A_976 = arith.shrsi %squeeze3A_974, %shift_right_arithmetic3A_975 : i32
      %mul3A_977 = arith.constant 128 : i32
      %mul3A_978 = arith.muli %shift_right_arithmetic3A_976, %mul3A_977 : i32
      %multiple_of3A_979 = tpu.assume_multiple %mul3A_978, 128 : i32
      %dma_start3A_980 = arith.constant 0 : i32
      %dma_start3A_981 = tpu.memref_slice %arg4[%dma_start3A_980, %multiple_of3A_972] : memref<16x1000000xf32, #tpu.memory_space<hbm>> -> memref<16x128xf32, #tpu.memory_space<hbm>>
      %dma_start3A_982 = arith.constant 0 : i32
      %dma_start3A_983 = tpu.memref_slice %arg4[%dma_start3A_982, %multiple_of3A_972] : memref<16x1000000xf32, #tpu.memory_space<hbm>> -> memref<16x128xf32, #tpu.memory_space<hbm>>
      tpu.enqueue_dma source(%dma_start3A_983 : memref<16x128xf32, #tpu.memory_space<hbm>>) target(%arg18 : memref<16x128xf32, #tpu.memory_space<vmem>>) target_semaphore(%arg50 : memref<!tpu.dma_semaphore, #tpu.memory_space<semaphore_mem>>)
      %dma_start3A_984 = arith.constant 0 : i32
      %dma_start3A_985 = tpu.memref_slice %arg5[%dma_start3A_984, %multiple_of3A_979] : memref<16x1000000xf32, #tpu.memory_space<hbm>> -> memref<16x128xf32, #tpu.memory_space<hbm>>
      %dma_start3A_986 = arith.constant 0 : i32
      %dma_start3A_987 = tpu.memref_slice %arg5[%dma_start3A_986, %multiple_of3A_979] : memref<16x1000000xf32, #tpu.memory_space<hbm>> -> memref<16x128xf32, #tpu.memory_space<hbm>>
      tpu.enqueue_dma source(%dma_start3A_987 : memref<16x128xf32, #tpu.memory_space<hbm>>) target(%arg34 : memref<16x128xf32, #tpu.memory_space<vmem>>) target_semaphore(%arg50 : memref<!tpu.dma_semaphore, #tpu.memory_space<semaphore_mem>>)
      %dma_wait3A_988 = arith.constant 0 : i32
      %dma_wait3A_989 = arith.constant 0 : i32
      %dma_wait3A_990 = tpu.memref_slice %arg4[%dma_wait3A_988, %dma_wait3A_989] : memref<16x1000000xf32, #tpu.memory_space<hbm>> -> memref<16x128xf32, #tpu.memory_space<hbm>>
      %dma_wait3A_991 = arith.constant 0 : i32
      %dma_wait3A_992 = arith.constant 0 : i32
      %dma_wait3A_993 = tpu.memref_slice %arg4[%dma_wait3A_991, %dma_wait3A_992] : memref<16x1000000xf32, #tpu.memory_space<hbm>> -> memref<16x128xf32, #tpu.memory_space<hbm>>
      tpu.wait_dma2 semaphore(%arg51 : memref<!tpu.dma_semaphore, #tpu.memory_space<semaphore_mem>>) src(%dma_wait3A_993 : memref<16x128xf32, #tpu.memory_space<hbm>>) dst(%arg19 : memref<16x128xf32, #tpu.memory_space<vmem>>)
      %dma_wait3A_994 = arith.constant 0 : i32
      %dma_wait3A_995 = arith.constant 0 : i32
      %dma_wait3A_996 = tpu.memref_slice %arg5[%dma_wait3A_994, %dma_wait3A_995] : memref<16x1000000xf32, #tpu.memory_space<hbm>> -> memref<16x128xf32, #tpu.memory_space<hbm>>
      %dma_wait3A_997 = arith.constant 0 : i32
      %dma_wait3A_998 = arith.constant 0 : i32
      %dma_wait3A_999 = tpu.memref_slice %arg5[%dma_wait3A_997, %dma_wait3A_998] : memref<16x1000000xf32, #tpu.memory_space<hbm>> -> memref<16x128xf32, #tpu.memory_space<hbm>>
      tpu.wait_dma2 semaphore(%arg51 : memref<!tpu.dma_semaphore, #tpu.memory_space<semaphore_mem>>) src(%dma_wait3A_999 : memref<16x128xf32, #tpu.memory_space<hbm>>) dst(%arg35 : memref<16x128xf32, #tpu.memory_space<vmem>>)
      %slice3A_1000 = vector.extract_strided_slice %get3A_554 {offsets = [8], sizes = [1], strides = [1]} : vector<16xi32> to vector<1xi32>
      %squeeze3A_1001 = vector.extract %slice3A_1000[0] : i32 from vector<1xi32>
      %and3A_1002 = arith.constant 127 : i32
      %and3A_1003 = arith.andi %squeeze3A_1001, %and3A_1002 : i32
      %add3A_1004 = vector.broadcast %and3A_1003 : i32 to vector<16xi32>
      %add3A_1005 = arith.addi %broadcast_in_dim3A_3, %add3A_1004 : vector<16xi32>
      %slice3A_1006 = vector.extract_strided_slice %get3A_556 {offsets = [8], sizes = [1], strides = [1]} : vector<16xi32> to vector<1xi32>
      %squeeze3A_1007 = vector.extract %slice3A_1006[0] : i32 from vector<1xi32>
      %and3A_1008 = arith.constant 127 : i32
      %and3A_1009 = arith.andi %squeeze3A_1007, %and3A_1008 : i32
      %add3A_1010 = vector.broadcast %and3A_1009 : i32 to vector<16xi32>
      %add3A_1011 = arith.addi %broadcast_in_dim3A_3, %add3A_1010 : vector<16xi32>
      %gather3A_1012 = tpu.vector_load_idx %arg19[%iota3A, %add3A_1005] : memref<16x128xf32, #tpu.memory_space<vmem>>[vector<16xi32>, vector<16xi32>], vector<16xf32>,
      %gather3A_1013 = tpu.vector_load_idx %arg35[%iota3A, %add3A_1011] : memref<16x128xf32, #tpu.memory_space<vmem>>[vector<16xi32>, vector<16xi32>], vector<16xf32>,
      %mul3A_1014 = arith.mulf %gather3A_1012, %gather3A_1013 : vector<16xf32>
      %swap3A_1015 = arith.constant 8 : i32
      %swap3A_1016 = arith.index_cast %swap3A_1015 : i32 to index
      %swap3A_1017 = arith.constant 0 : index
      %swap3A_1018 = tpu.vector_load %arg10[%swap3A_1016, %swap3A_1017] {strides = array<i32>} : memref<16x16xf32, #tpu.memory_space<vmem>>, vector<16xf32>,
      tpu.vector_store %arg10[%swap3A_1016, %swap3A_1017], %mul3A_1014 {strides = array<i32>} : memref<16x16xf32, #tpu.memory_space<vmem>>, vector<16xf32>,
      %slice3A_1019 = vector.extract_strided_slice %get3A_564 {offsets = [8], sizes = [1], strides = [1]} : vector<16xi32> to vector<1xi32>
      %squeeze3A_1020 = vector.extract %slice3A_1019[0] : i32 from vector<1xi32>
      %shift_right_arithmetic3A_1021 = arith.constant 7 : i32
      %shift_right_arithmetic3A_1022 = arith.shrsi %squeeze3A_1020, %shift_right_arithmetic3A_1021 : i32
      %mul3A_1023 = arith.constant 128 : i32
      %mul3A_1024 = arith.muli %shift_right_arithmetic3A_1022, %mul3A_1023 : i32
      %multiple_of3A_1025 = tpu.assume_multiple %mul3A_1024, 128 : i32
      %slice3A_1026 = vector.extract_strided_slice %get3A_566 {offsets = [8], sizes = [1], strides = [1]} : vector<16xi32> to vector<1xi32>
      %squeeze3A_1027 = vector.extract %slice3A_1026[0] : i32 from vector<1xi32>
      %shift_right_arithmetic3A_1028 = arith.constant 7 : i32
      %shift_right_arithmetic3A_1029 = arith.shrsi %squeeze3A_1027, %shift_right_arithmetic3A_1028 : i32
      %mul3A_1030 = arith.constant 128 : i32
      %mul3A_1031 = arith.muli %shift_right_arithmetic3A_1029, %mul3A_1030 : i32
      %multiple_of3A_1032 = tpu.assume_multiple %mul3A_1031, 128 : i32
      %dma_start3A_1033 = arith.constant 0 : i32
      %dma_start3A_1034 = tpu.memref_slice %arg4[%dma_start3A_1033, %multiple_of3A_1025] : memref<16x1000000xf32, #tpu.memory_space<hbm>> -> memref<16x128xf32, #tpu.memory_space<hbm>>
      %dma_start3A_1035 = arith.constant 0 : i32
      %dma_start3A_1036 = tpu.memref_slice %arg4[%dma_start3A_1035, %multiple_of3A_1025] : memref<16x1000000xf32, #tpu.memory_space<hbm>> -> memref<16x128xf32, #tpu.memory_space<hbm>>
      tpu.enqueue_dma source(%dma_start3A_1036 : memref<16x128xf32, #tpu.memory_space<hbm>>) target(%arg19 : memref<16x128xf32, #tpu.memory_space<vmem>>) target_semaphore(%arg51 : memref<!tpu.dma_semaphore, #tpu.memory_space<semaphore_mem>>)
      %dma_start3A_1037 = arith.constant 0 : i32
      %dma_start3A_1038 = tpu.memref_slice %arg5[%dma_start3A_1037, %multiple_of3A_1032] : memref<16x1000000xf32, #tpu.memory_space<hbm>> -> memref<16x128xf32, #tpu.memory_space<hbm>>
      %dma_start3A_1039 = arith.constant 0 : i32
      %dma_start3A_1040 = tpu.memref_slice %arg5[%dma_start3A_1039, %multiple_of3A_1032] : memref<16x1000000xf32, #tpu.memory_space<hbm>> -> memref<16x128xf32, #tpu.memory_space<hbm>>
      tpu.enqueue_dma source(%dma_start3A_1040 : memref<16x128xf32, #tpu.memory_space<hbm>>) target(%arg35 : memref<16x128xf32, #tpu.memory_space<vmem>>) target_semaphore(%arg51 : memref<!tpu.dma_semaphore, #tpu.memory_space<semaphore_mem>>)
      %dma_wait3A_1041 = arith.constant 0 : i32
      %dma_wait3A_1042 = arith.constant 0 : i32
      %dma_wait3A_1043 = tpu.memref_slice %arg4[%dma_wait3A_1041, %dma_wait3A_1042] : memref<16x1000000xf32, #tpu.memory_space<hbm>> -> memref<16x128xf32, #tpu.memory_space<hbm>>
      %dma_wait3A_1044 = arith.constant 0 : i32
      %dma_wait3A_1045 = arith.constant 0 : i32
      %dma_wait3A_1046 = tpu.memref_slice %arg4[%dma_wait3A_1044, %dma_wait3A_1045] : memref<16x1000000xf32, #tpu.memory_space<hbm>> -> memref<16x128xf32, #tpu.memory_space<hbm>>
      tpu.wait_dma2 semaphore(%arg52 : memref<!tpu.dma_semaphore, #tpu.memory_space<semaphore_mem>>) src(%dma_wait3A_1046 : memref<16x128xf32, #tpu.memory_space<hbm>>) dst(%arg20 : memref<16x128xf32, #tpu.memory_space<vmem>>)
      %dma_wait3A_1047 = arith.constant 0 : i32
      %dma_wait3A_1048 = arith.constant 0 : i32
      %dma_wait3A_1049 = tpu.memref_slice %arg5[%dma_wait3A_1047, %dma_wait3A_1048] : memref<16x1000000xf32, #tpu.memory_space<hbm>> -> memref<16x128xf32, #tpu.memory_space<hbm>>
      %dma_wait3A_1050 = arith.constant 0 : i32
      %dma_wait3A_1051 = arith.constant 0 : i32
      %dma_wait3A_1052 = tpu.memref_slice %arg5[%dma_wait3A_1050, %dma_wait3A_1051] : memref<16x1000000xf32, #tpu.memory_space<hbm>> -> memref<16x128xf32, #tpu.memory_space<hbm>>
      tpu.wait_dma2 semaphore(%arg52 : memref<!tpu.dma_semaphore, #tpu.memory_space<semaphore_mem>>) src(%dma_wait3A_1052 : memref<16x128xf32, #tpu.memory_space<hbm>>) dst(%arg36 : memref<16x128xf32, #tpu.memory_space<vmem>>)
      %slice3A_1053 = vector.extract_strided_slice %get3A_554 {offsets = [9], sizes = [1], strides = [1]} : vector<16xi32> to vector<1xi32>
      %squeeze3A_1054 = vector.extract %slice3A_1053[0] : i32 from vector<1xi32>
      %and3A_1055 = arith.constant 127 : i32
      %and3A_1056 = arith.andi %squeeze3A_1054, %and3A_1055 : i32
      %add3A_1057 = vector.broadcast %and3A_1056 : i32 to vector<16xi32>
      %add3A_1058 = arith.addi %broadcast_in_dim3A_3, %add3A_1057 : vector<16xi32>
      %slice3A_1059 = vector.extract_strided_slice %get3A_556 {offsets = [9], sizes = [1], strides = [1]} : vector<16xi32> to vector<1xi32>
      %squeeze3A_1060 = vector.extract %slice3A_1059[0] : i32 from vector<1xi32>
      %and3A_1061 = arith.constant 127 : i32
      %and3A_1062 = arith.andi %squeeze3A_1060, %and3A_1061 : i32
      %add3A_1063 = vector.broadcast %and3A_1062 : i32 to vector<16xi32>
      %add3A_1064 = arith.addi %broadcast_in_dim3A_3, %add3A_1063 : vector<16xi32>
      %gather3A_1065 = tpu.vector_load_idx %arg20[%iota3A, %add3A_1058] : memref<16x128xf32, #tpu.memory_space<vmem>>[vector<16xi32>, vector<16xi32>], vector<16xf32>,
      %gather3A_1066 = tpu.vector_load_idx %arg36[%iota3A, %add3A_1064] : memref<16x128xf32, #tpu.memory_space<vmem>>[vector<16xi32>, vector<16xi32>], vector<16xf32>,
      %mul3A_1067 = arith.mulf %gather3A_1065, %gather3A_1066 : vector<16xf32>
      %swap3A_1068 = arith.constant 9 : i32
      %swap3A_1069 = arith.index_cast %swap3A_1068 : i32 to index
      %swap3A_1070 = arith.constant 0 : index
      %swap3A_1071 = tpu.vector_load %arg10[%swap3A_1069, %swap3A_1070] {strides = array<i32>} : memref<16x16xf32, #tpu.memory_space<vmem>>, vector<16xf32>,
      tpu.vector_store %arg10[%swap3A_1069, %swap3A_1070], %mul3A_1067 {strides = array<i32>} : memref<16x16xf32, #tpu.memory_space<vmem>>, vector<16xf32>,
      %slice3A_1072 = vector.extract_strided_slice %get3A_564 {offsets = [9], sizes = [1], strides = [1]} : vector<16xi32> to vector<1xi32>
      %squeeze3A_1073 = vector.extract %slice3A_1072[0] : i32 from vector<1xi32>
      %shift_right_arithmetic3A_1074 = arith.constant 7 : i32
      %shift_right_arithmetic3A_1075 = arith.shrsi %squeeze3A_1073, %shift_right_arithmetic3A_1074 : i32
      %mul3A_1076 = arith.constant 128 : i32
      %mul3A_1077 = arith.muli %shift_right_arithmetic3A_1075, %mul3A_1076 : i32
      %multiple_of3A_1078 = tpu.assume_multiple %mul3A_1077, 128 : i32
      %slice3A_1079 = vector.extract_strided_slice %get3A_566 {offsets = [9], sizes = [1], strides = [1]} : vector<16xi32> to vector<1xi32>
      %squeeze3A_1080 = vector.extract %slice3A_1079[0] : i32 from vector<1xi32>
      %shift_right_arithmetic3A_1081 = arith.constant 7 : i32
      %shift_right_arithmetic3A_1082 = arith.shrsi %squeeze3A_1080, %shift_right_arithmetic3A_1081 : i32
      %mul3A_1083 = arith.constant 128 : i32
      %mul3A_1084 = arith.muli %shift_right_arithmetic3A_1082, %mul3A_1083 : i32
      %multiple_of3A_1085 = tpu.assume_multiple %mul3A_1084, 128 : i32
      %dma_start3A_1086 = arith.constant 0 : i32
      %dma_start3A_1087 = tpu.memref_slice %arg4[%dma_start3A_1086, %multiple_of3A_1078] : memref<16x1000000xf32, #tpu.memory_space<hbm>> -> memref<16x128xf32, #tpu.memory_space<hbm>>
      %dma_start3A_1088 = arith.constant 0 : i32
      %dma_start3A_1089 = tpu.memref_slice %arg4[%dma_start3A_1088, %multiple_of3A_1078] : memref<16x1000000xf32, #tpu.memory_space<hbm>> -> memref<16x128xf32, #tpu.memory_space<hbm>>
      tpu.enqueue_dma source(%dma_start3A_1089 : memref<16x128xf32, #tpu.memory_space<hbm>>) target(%arg20 : memref<16x128xf32, #tpu.memory_space<vmem>>) target_semaphore(%arg52 : memref<!tpu.dma_semaphore, #tpu.memory_space<semaphore_mem>>)
      %dma_start3A_1090 = arith.constant 0 : i32
      %dma_start3A_1091 = tpu.memref_slice %arg5[%dma_start3A_1090, %multiple_of3A_1085] : memref<16x1000000xf32, #tpu.memory_space<hbm>> -> memref<16x128xf32, #tpu.memory_space<hbm>>
      %dma_start3A_1092 = arith.constant 0 : i32
      %dma_start3A_1093 = tpu.memref_slice %arg5[%dma_start3A_1092, %multiple_of3A_1085] : memref<16x1000000xf32, #tpu.memory_space<hbm>> -> memref<16x128xf32, #tpu.memory_space<hbm>>
      tpu.enqueue_dma source(%dma_start3A_1093 : memref<16x128xf32, #tpu.memory_space<hbm>>) target(%arg36 : memref<16x128xf32, #tpu.memory_space<vmem>>) target_semaphore(%arg52 : memref<!tpu.dma_semaphore, #tpu.memory_space<semaphore_mem>>)
      %dma_wait3A_1094 = arith.constant 0 : i32
      %dma_wait3A_1095 = arith.constant 0 : i32
      %dma_wait3A_1096 = tpu.memref_slice %arg4[%dma_wait3A_1094, %dma_wait3A_1095] : memref<16x1000000xf32, #tpu.memory_space<hbm>> -> memref<16x128xf32, #tpu.memory_space<hbm>>
      %dma_wait3A_1097 = arith.constant 0 : i32
      %dma_wait3A_1098 = arith.constant 0 : i32
      %dma_wait3A_1099 = tpu.memref_slice %arg4[%dma_wait3A_1097, %dma_wait3A_1098] : memref<16x1000000xf32, #tpu.memory_space<hbm>> -> memref<16x128xf32, #tpu.memory_space<hbm>>
      tpu.wait_dma2 semaphore(%arg53 : memref<!tpu.dma_semaphore, #tpu.memory_space<semaphore_mem>>) src(%dma_wait3A_1099 : memref<16x128xf32, #tpu.memory_space<hbm>>) dst(%arg21 : memref<16x128xf32, #tpu.memory_space<vmem>>)
      %dma_wait3A_1100 = arith.constant 0 : i32
      %dma_wait3A_1101 = arith.constant 0 : i32
      %dma_wait3A_1102 = tpu.memref_slice %arg5[%dma_wait3A_1100, %dma_wait3A_1101] : memref<16x1000000xf32, #tpu.memory_space<hbm>> -> memref<16x128xf32, #tpu.memory_space<hbm>>
      %dma_wait3A_1103 = arith.constant 0 : i32
      %dma_wait3A_1104 = arith.constant 0 : i32
      %dma_wait3A_1105 = tpu.memref_slice %arg5[%dma_wait3A_1103, %dma_wait3A_1104] : memref<16x1000000xf32, #tpu.memory_space<hbm>> -> memref<16x128xf32, #tpu.memory_space<hbm>>
      tpu.wait_dma2 semaphore(%arg53 : memref<!tpu.dma_semaphore, #tpu.memory_space<semaphore_mem>>) src(%dma_wait3A_1105 : memref<16x128xf32, #tpu.memory_space<hbm>>) dst(%arg37 : memref<16x128xf32, #tpu.memory_space<vmem>>)
      %slice3A_1106 = vector.extract_strided_slice %get3A_554 {offsets = [10], sizes = [1], strides = [1]} : vector<16xi32> to vector<1xi32>
      %squeeze3A_1107 = vector.extract %slice3A_1106[0] : i32 from vector<1xi32>
      %and3A_1108 = arith.constant 127 : i32
      %and3A_1109 = arith.andi %squeeze3A_1107, %and3A_1108 : i32
      %add3A_1110 = vector.broadcast %and3A_1109 : i32 to vector<16xi32>
      %add3A_1111 = arith.addi %broadcast_in_dim3A_3, %add3A_1110 : vector<16xi32>
      %slice3A_1112 = vector.extract_strided_slice %get3A_556 {offsets = [10], sizes = [1], strides = [1]} : vector<16xi32> to vector<1xi32>
      %squeeze3A_1113 = vector.extract %slice3A_1112[0] : i32 from vector<1xi32>
      %and3A_1114 = arith.constant 127 : i32
      %and3A_1115 = arith.andi %squeeze3A_1113, %and3A_1114 : i32
      %add3A_1116 = vector.broadcast %and3A_1115 : i32 to vector<16xi32>
      %add3A_1117 = arith.addi %broadcast_in_dim3A_3, %add3A_1116 : vector<16xi32>
      %gather3A_1118 = tpu.vector_load_idx %arg21[%iota3A, %add3A_1111] : memref<16x128xf32, #tpu.memory_space<vmem>>[vector<16xi32>, vector<16xi32>], vector<16xf32>,
      %gather3A_1119 = tpu.vector_load_idx %arg37[%iota3A, %add3A_1117] : memref<16x128xf32, #tpu.memory_space<vmem>>[vector<16xi32>, vector<16xi32>], vector<16xf32>,
      %mul3A_1120 = arith.mulf %gather3A_1118, %gather3A_1119 : vector<16xf32>
      %swap3A_1121 = arith.constant 10 : i32
      %swap3A_1122 = arith.index_cast %swap3A_1121 : i32 to index
      %swap3A_1123 = arith.constant 0 : index
      %swap3A_1124 = tpu.vector_load %arg10[%swap3A_1122, %swap3A_1123] {strides = array<i32>} : memref<16x16xf32, #tpu.memory_space<vmem>>, vector<16xf32>,
      tpu.vector_store %arg10[%swap3A_1122, %swap3A_1123], %mul3A_1120 {strides = array<i32>} : memref<16x16xf32, #tpu.memory_space<vmem>>, vector<16xf32>,
      %slice3A_1125 = vector.extract_strided_slice %get3A_564 {offsets = [10], sizes = [1], strides = [1]} : vector<16xi32> to vector<1xi32>
      %squeeze3A_1126 = vector.extract %slice3A_1125[0] : i32 from vector<1xi32>
      %shift_right_arithmetic3A_1127 = arith.constant 7 : i32
      %shift_right_arithmetic3A_1128 = arith.shrsi %squeeze3A_1126, %shift_right_arithmetic3A_1127 : i32
      %mul3A_1129 = arith.constant 128 : i32
      %mul3A_1130 = arith.muli %shift_right_arithmetic3A_1128, %mul3A_1129 : i32
      %multiple_of3A_1131 = tpu.assume_multiple %mul3A_1130, 128 : i32
      %slice3A_1132 = vector.extract_strided_slice %get3A_566 {offsets = [10], sizes = [1], strides = [1]} : vector<16xi32> to vector<1xi32>
      %squeeze3A_1133 = vector.extract %slice3A_1132[0] : i32 from vector<1xi32>
      %shift_right_arithmetic3A_1134 = arith.constant 7 : i32
      %shift_right_arithmetic3A_1135 = arith.shrsi %squeeze3A_1133, %shift_right_arithmetic3A_1134 : i32
      %mul3A_1136 = arith.constant 128 : i32
      %mul3A_1137 = arith.muli %shift_right_arithmetic3A_1135, %mul3A_1136 : i32
      %multiple_of3A_1138 = tpu.assume_multiple %mul3A_1137, 128 : i32
      %dma_start3A_1139 = arith.constant 0 : i32
      %dma_start3A_1140 = tpu.memref_slice %arg4[%dma_start3A_1139, %multiple_of3A_1131] : memref<16x1000000xf32, #tpu.memory_space<hbm>> -> memref<16x128xf32, #tpu.memory_space<hbm>>
      %dma_start3A_1141 = arith.constant 0 : i32
      %dma_start3A_1142 = tpu.memref_slice %arg4[%dma_start3A_1141, %multiple_of3A_1131] : memref<16x1000000xf32, #tpu.memory_space<hbm>> -> memref<16x128xf32, #tpu.memory_space<hbm>>
      tpu.enqueue_dma source(%dma_start3A_1142 : memref<16x128xf32, #tpu.memory_space<hbm>>) target(%arg21 : memref<16x128xf32, #tpu.memory_space<vmem>>) target_semaphore(%arg53 : memref<!tpu.dma_semaphore, #tpu.memory_space<semaphore_mem>>)
      %dma_start3A_1143 = arith.constant 0 : i32
      %dma_start3A_1144 = tpu.memref_slice %arg5[%dma_start3A_1143, %multiple_of3A_1138] : memref<16x1000000xf32, #tpu.memory_space<hbm>> -> memref<16x128xf32, #tpu.memory_space<hbm>>
      %dma_start3A_1145 = arith.constant 0 : i32
      %dma_start3A_1146 = tpu.memref_slice %arg5[%dma_start3A_1145, %multiple_of3A_1138] : memref<16x1000000xf32, #tpu.memory_space<hbm>> -> memref<16x128xf32, #tpu.memory_space<hbm>>
      tpu.enqueue_dma source(%dma_start3A_1146 : memref<16x128xf32, #tpu.memory_space<hbm>>) target(%arg37 : memref<16x128xf32, #tpu.memory_space<vmem>>) target_semaphore(%arg53 : memref<!tpu.dma_semaphore, #tpu.memory_space<semaphore_mem>>)
      %dma_wait3A_1147 = arith.constant 0 : i32
      %dma_wait3A_1148 = arith.constant 0 : i32
      %dma_wait3A_1149 = tpu.memref_slice %arg4[%dma_wait3A_1147, %dma_wait3A_1148] : memref<16x1000000xf32, #tpu.memory_space<hbm>> -> memref<16x128xf32, #tpu.memory_space<hbm>>
      %dma_wait3A_1150 = arith.constant 0 : i32
      %dma_wait3A_1151 = arith.constant 0 : i32
      %dma_wait3A_1152 = tpu.memref_slice %arg4[%dma_wait3A_1150, %dma_wait3A_1151] : memref<16x1000000xf32, #tpu.memory_space<hbm>> -> memref<16x128xf32, #tpu.memory_space<hbm>>
      tpu.wait_dma2 semaphore(%arg54 : memref<!tpu.dma_semaphore, #tpu.memory_space<semaphore_mem>>) src(%dma_wait3A_1152 : memref<16x128xf32, #tpu.memory_space<hbm>>) dst(%arg22 : memref<16x128xf32, #tpu.memory_space<vmem>>)
      %dma_wait3A_1153 = arith.constant 0 : i32
      %dma_wait3A_1154 = arith.constant 0 : i32
      %dma_wait3A_1155 = tpu.memref_slice %arg5[%dma_wait3A_1153, %dma_wait3A_1154] : memref<16x1000000xf32, #tpu.memory_space<hbm>> -> memref<16x128xf32, #tpu.memory_space<hbm>>
      %dma_wait3A_1156 = arith.constant 0 : i32
      %dma_wait3A_1157 = arith.constant 0 : i32
      %dma_wait3A_1158 = tpu.memref_slice %arg5[%dma_wait3A_1156, %dma_wait3A_1157] : memref<16x1000000xf32, #tpu.memory_space<hbm>> -> memref<16x128xf32, #tpu.memory_space<hbm>>
      tpu.wait_dma2 semaphore(%arg54 : memref<!tpu.dma_semaphore, #tpu.memory_space<semaphore_mem>>) src(%dma_wait3A_1158 : memref<16x128xf32, #tpu.memory_space<hbm>>) dst(%arg38 : memref<16x128xf32, #tpu.memory_space<vmem>>)
      %slice3A_1159 = vector.extract_strided_slice %get3A_554 {offsets = [11], sizes = [1], strides = [1]} : vector<16xi32> to vector<1xi32>
      %squeeze3A_1160 = vector.extract %slice3A_1159[0] : i32 from vector<1xi32>
      %and3A_1161 = arith.constant 127 : i32
      %and3A_1162 = arith.andi %squeeze3A_1160, %and3A_1161 : i32
      %add3A_1163 = vector.broadcast %and3A_1162 : i32 to vector<16xi32>
      %add3A_1164 = arith.addi %broadcast_in_dim3A_3, %add3A_1163 : vector<16xi32>
      %slice3A_1165 = vector.extract_strided_slice %get3A_556 {offsets = [11], sizes = [1], strides = [1]} : vector<16xi32> to vector<1xi32>
      %squeeze3A_1166 = vector.extract %slice3A_1165[0] : i32 from vector<1xi32>
      %and3A_1167 = arith.constant 127 : i32
      %and3A_1168 = arith.andi %squeeze3A_1166, %and3A_1167 : i32
      %add3A_1169 = vector.broadcast %and3A_1168 : i32 to vector<16xi32>
      %add3A_1170 = arith.addi %broadcast_in_dim3A_3, %add3A_1169 : vector<16xi32>
      %gather3A_1171 = tpu.vector_load_idx %arg22[%iota3A, %add3A_1164] : memref<16x128xf32, #tpu.memory_space<vmem>>[vector<16xi32>, vector<16xi32>], vector<16xf32>,
      %gather3A_1172 = tpu.vector_load_idx %arg38[%iota3A, %add3A_1170] : memref<16x128xf32, #tpu.memory_space<vmem>>[vector<16xi32>, vector<16xi32>], vector<16xf32>,
      %mul3A_1173 = arith.mulf %gather3A_1171, %gather3A_1172 : vector<16xf32>
      %swap3A_1174 = arith.constant 11 : i32
      %swap3A_1175 = arith.index_cast %swap3A_1174 : i32 to index
      %swap3A_1176 = arith.constant 0 : index
      %swap3A_1177 = tpu.vector_load %arg10[%swap3A_1175, %swap3A_1176] {strides = array<i32>} : memref<16x16xf32, #tpu.memory_space<vmem>>, vector<16xf32>,
      tpu.vector_store %arg10[%swap3A_1175, %swap3A_1176], %mul3A_1173 {strides = array<i32>} : memref<16x16xf32, #tpu.memory_space<vmem>>, vector<16xf32>,
      %slice3A_1178 = vector.extract_strided_slice %get3A_564 {offsets = [11], sizes = [1], strides = [1]} : vector<16xi32> to vector<1xi32>
      %squeeze3A_1179 = vector.extract %slice3A_1178[0] : i32 from vector<1xi32>
      %shift_right_arithmetic3A_1180 = arith.constant 7 : i32
      %shift_right_arithmetic3A_1181 = arith.shrsi %squeeze3A_1179, %shift_right_arithmetic3A_1180 : i32
      %mul3A_1182 = arith.constant 128 : i32
      %mul3A_1183 = arith.muli %shift_right_arithmetic3A_1181, %mul3A_1182 : i32
      %multiple_of3A_1184 = tpu.assume_multiple %mul3A_1183, 128 : i32
      %slice3A_1185 = vector.extract_strided_slice %get3A_566 {offsets = [11], sizes = [1], strides = [1]} : vector<16xi32> to vector<1xi32>
      %squeeze3A_1186 = vector.extract %slice3A_1185[0] : i32 from vector<1xi32>
      %shift_right_arithmetic3A_1187 = arith.constant 7 : i32
      %shift_right_arithmetic3A_1188 = arith.shrsi %squeeze3A_1186, %shift_right_arithmetic3A_1187 : i32
      %mul3A_1189 = arith.constant 128 : i32
      %mul3A_1190 = arith.muli %shift_right_arithmetic3A_1188, %mul3A_1189 : i32
      %multiple_of3A_1191 = tpu.assume_multiple %mul3A_1190, 128 : i32
      %dma_start3A_1192 = arith.constant 0 : i32
      %dma_start3A_1193 = tpu.memref_slice %arg4[%dma_start3A_1192, %multiple_of3A_1184] : memref<16x1000000xf32, #tpu.memory_space<hbm>> -> memref<16x128xf32, #tpu.memory_space<hbm>>
      %dma_start3A_1194 = arith.constant 0 : i32
      %dma_start3A_1195 = tpu.memref_slice %arg4[%dma_start3A_1194, %multiple_of3A_1184] : memref<16x1000000xf32, #tpu.memory_space<hbm>> -> memref<16x128xf32, #tpu.memory_space<hbm>>
      tpu.enqueue_dma source(%dma_start3A_1195 : memref<16x128xf32, #tpu.memory_space<hbm>>) target(%arg22 : memref<16x128xf32, #tpu.memory_space<vmem>>) target_semaphore(%arg54 : memref<!tpu.dma_semaphore, #tpu.memory_space<semaphore_mem>>)
      %dma_start3A_1196 = arith.constant 0 : i32
      %dma_start3A_1197 = tpu.memref_slice %arg5[%dma_start3A_1196, %multiple_of3A_1191] : memref<16x1000000xf32, #tpu.memory_space<hbm>> -> memref<16x128xf32, #tpu.memory_space<hbm>>
      %dma_start3A_1198 = arith.constant 0 : i32
      %dma_start3A_1199 = tpu.memref_slice %arg5[%dma_start3A_1198, %multiple_of3A_1191] : memref<16x1000000xf32, #tpu.memory_space<hbm>> -> memref<16x128xf32, #tpu.memory_space<hbm>>
      tpu.enqueue_dma source(%dma_start3A_1199 : memref<16x128xf32, #tpu.memory_space<hbm>>) target(%arg38 : memref<16x128xf32, #tpu.memory_space<vmem>>) target_semaphore(%arg54 : memref<!tpu.dma_semaphore, #tpu.memory_space<semaphore_mem>>)
      %dma_wait3A_1200 = arith.constant 0 : i32
      %dma_wait3A_1201 = arith.constant 0 : i32
      %dma_wait3A_1202 = tpu.memref_slice %arg4[%dma_wait3A_1200, %dma_wait3A_1201] : memref<16x1000000xf32, #tpu.memory_space<hbm>> -> memref<16x128xf32, #tpu.memory_space<hbm>>
      %dma_wait3A_1203 = arith.constant 0 : i32
      %dma_wait3A_1204 = arith.constant 0 : i32
      %dma_wait3A_1205 = tpu.memref_slice %arg4[%dma_wait3A_1203, %dma_wait3A_1204] : memref<16x1000000xf32, #tpu.memory_space<hbm>> -> memref<16x128xf32, #tpu.memory_space<hbm>>
      tpu.wait_dma2 semaphore(%arg55 : memref<!tpu.dma_semaphore, #tpu.memory_space<semaphore_mem>>) src(%dma_wait3A_1205 : memref<16x128xf32, #tpu.memory_space<hbm>>) dst(%arg23 : memref<16x128xf32, #tpu.memory_space<vmem>>)
      %dma_wait3A_1206 = arith.constant 0 : i32
      %dma_wait3A_1207 = arith.constant 0 : i32
      %dma_wait3A_1208 = tpu.memref_slice %arg5[%dma_wait3A_1206, %dma_wait3A_1207] : memref<16x1000000xf32, #tpu.memory_space<hbm>> -> memref<16x128xf32, #tpu.memory_space<hbm>>
      %dma_wait3A_1209 = arith.constant 0 : i32
      %dma_wait3A_1210 = arith.constant 0 : i32
      %dma_wait3A_1211 = tpu.memref_slice %arg5[%dma_wait3A_1209, %dma_wait3A_1210] : memref<16x1000000xf32, #tpu.memory_space<hbm>> -> memref<16x128xf32, #tpu.memory_space<hbm>>
      tpu.wait_dma2 semaphore(%arg55 : memref<!tpu.dma_semaphore, #tpu.memory_space<semaphore_mem>>) src(%dma_wait3A_1211 : memref<16x128xf32, #tpu.memory_space<hbm>>) dst(%arg39 : memref<16x128xf32, #tpu.memory_space<vmem>>)
      %slice3A_1212 = vector.extract_strided_slice %get3A_554 {offsets = [12], sizes = [1], strides = [1]} : vector<16xi32> to vector<1xi32>
      %squeeze3A_1213 = vector.extract %slice3A_1212[0] : i32 from vector<1xi32>
      %and3A_1214 = arith.constant 127 : i32
      %and3A_1215 = arith.andi %squeeze3A_1213, %and3A_1214 : i32
      %add3A_1216 = vector.broadcast %and3A_1215 : i32 to vector<16xi32>
      %add3A_1217 = arith.addi %broadcast_in_dim3A_3, %add3A_1216 : vector<16xi32>
      %slice3A_1218 = vector.extract_strided_slice %get3A_556 {offsets = [12], sizes = [1], strides = [1]} : vector<16xi32> to vector<1xi32>
      %squeeze3A_1219 = vector.extract %slice3A_1218[0] : i32 from vector<1xi32>
      %and3A_1220 = arith.constant 127 : i32
      %and3A_1221 = arith.andi %squeeze3A_1219, %and3A_1220 : i32
      %add3A_1222 = vector.broadcast %and3A_1221 : i32 to vector<16xi32>
      %add3A_1223 = arith.addi %broadcast_in_dim3A_3, %add3A_1222 : vector<16xi32>
      %gather3A_1224 = tpu.vector_load_idx %arg23[%iota3A, %add3A_1217] : memref<16x128xf32, #tpu.memory_space<vmem>>[vector<16xi32>, vector<16xi32>], vector<16xf32>,
      %gather3A_1225 = tpu.vector_load_idx %arg39[%iota3A, %add3A_1223] : memref<16x128xf32, #tpu.memory_space<vmem>>[vector<16xi32>, vector<16xi32>], vector<16xf32>,
      %mul3A_1226 = arith.mulf %gather3A_1224, %gather3A_1225 : vector<16xf32>
      %swap3A_1227 = arith.constant 12 : i32
      %swap3A_1228 = arith.index_cast %swap3A_1227 : i32 to index
      %swap3A_1229 = arith.constant 0 : index
      %swap3A_1230 = tpu.vector_load %arg10[%swap3A_1228, %swap3A_1229] {strides = array<i32>} : memref<16x16xf32, #tpu.memory_space<vmem>>, vector<16xf32>,
      tpu.vector_store %arg10[%swap3A_1228, %swap3A_1229], %mul3A_1226 {strides = array<i32>} : memref<16x16xf32, #tpu.memory_space<vmem>>, vector<16xf32>,
      %slice3A_1231 = vector.extract_strided_slice %get3A_564 {offsets = [12], sizes = [1], strides = [1]} : vector<16xi32> to vector<1xi32>
      %squeeze3A_1232 = vector.extract %slice3A_1231[0] : i32 from vector<1xi32>
      %shift_right_arithmetic3A_1233 = arith.constant 7 : i32
      %shift_right_arithmetic3A_1234 = arith.shrsi %squeeze3A_1232, %shift_right_arithmetic3A_1233 : i32
      %mul3A_1235 = arith.constant 128 : i32
      %mul3A_1236 = arith.muli %shift_right_arithmetic3A_1234, %mul3A_1235 : i32
      %multiple_of3A_1237 = tpu.assume_multiple %mul3A_1236, 128 : i32
      %slice3A_1238 = vector.extract_strided_slice %get3A_566 {offsets = [12], sizes = [1], strides = [1]} : vector<16xi32> to vector<1xi32>
      %squeeze3A_1239 = vector.extract %slice3A_1238[0] : i32 from vector<1xi32>
      %shift_right_arithmetic3A_1240 = arith.constant 7 : i32
      %shift_right_arithmetic3A_1241 = arith.shrsi %squeeze3A_1239, %shift_right_arithmetic3A_1240 : i32
      %mul3A_1242 = arith.constant 128 : i32
      %mul3A_1243 = arith.muli %shift_right_arithmetic3A_1241, %mul3A_1242 : i32
      %multiple_of3A_1244 = tpu.assume_multiple %mul3A_1243, 128 : i32
      %dma_start3A_1245 = arith.constant 0 : i32
      %dma_start3A_1246 = tpu.memref_slice %arg4[%dma_start3A_1245, %multiple_of3A_1237] : memref<16x1000000xf32, #tpu.memory_space<hbm>> -> memref<16x128xf32, #tpu.memory_space<hbm>>
      %dma_start3A_1247 = arith.constant 0 : i32
      %dma_start3A_1248 = tpu.memref_slice %arg4[%dma_start3A_1247, %multiple_of3A_1237] : memref<16x1000000xf32, #tpu.memory_space<hbm>> -> memref<16x128xf32, #tpu.memory_space<hbm>>
      tpu.enqueue_dma source(%dma_start3A_1248 : memref<16x128xf32, #tpu.memory_space<hbm>>) target(%arg23 : memref<16x128xf32, #tpu.memory_space<vmem>>) target_semaphore(%arg55 : memref<!tpu.dma_semaphore, #tpu.memory_space<semaphore_mem>>)
      %dma_start3A_1249 = arith.constant 0 : i32
      %dma_start3A_1250 = tpu.memref_slice %arg5[%dma_start3A_1249, %multiple_of3A_1244] : memref<16x1000000xf32, #tpu.memory_space<hbm>> -> memref<16x128xf32, #tpu.memory_space<hbm>>
      %dma_start3A_1251 = arith.constant 0 : i32
      %dma_start3A_1252 = tpu.memref_slice %arg5[%dma_start3A_1251, %multiple_of3A_1244] : memref<16x1000000xf32, #tpu.memory_space<hbm>> -> memref<16x128xf32, #tpu.memory_space<hbm>>
      tpu.enqueue_dma source(%dma_start3A_1252 : memref<16x128xf32, #tpu.memory_space<hbm>>) target(%arg39 : memref<16x128xf32, #tpu.memory_space<vmem>>) target_semaphore(%arg55 : memref<!tpu.dma_semaphore, #tpu.memory_space<semaphore_mem>>)
      %dma_wait3A_1253 = arith.constant 0 : i32
      %dma_wait3A_1254 = arith.constant 0 : i32
      %dma_wait3A_1255 = tpu.memref_slice %arg4[%dma_wait3A_1253, %dma_wait3A_1254] : memref<16x1000000xf32, #tpu.memory_space<hbm>> -> memref<16x128xf32, #tpu.memory_space<hbm>>
      %dma_wait3A_1256 = arith.constant 0 : i32
      %dma_wait3A_1257 = arith.constant 0 : i32
      %dma_wait3A_1258 = tpu.memref_slice %arg4[%dma_wait3A_1256, %dma_wait3A_1257] : memref<16x1000000xf32, #tpu.memory_space<hbm>> -> memref<16x128xf32, #tpu.memory_space<hbm>>
      tpu.wait_dma2 semaphore(%arg56 : memref<!tpu.dma_semaphore, #tpu.memory_space<semaphore_mem>>) src(%dma_wait3A_1258 : memref<16x128xf32, #tpu.memory_space<hbm>>) dst(%arg24 : memref<16x128xf32, #tpu.memory_space<vmem>>)
      %dma_wait3A_1259 = arith.constant 0 : i32
      %dma_wait3A_1260 = arith.constant 0 : i32
      %dma_wait3A_1261 = tpu.memref_slice %arg5[%dma_wait3A_1259, %dma_wait3A_1260] : memref<16x1000000xf32, #tpu.memory_space<hbm>> -> memref<16x128xf32, #tpu.memory_space<hbm>>
      %dma_wait3A_1262 = arith.constant 0 : i32
      %dma_wait3A_1263 = arith.constant 0 : i32
      %dma_wait3A_1264 = tpu.memref_slice %arg5[%dma_wait3A_1262, %dma_wait3A_1263] : memref<16x1000000xf32, #tpu.memory_space<hbm>> -> memref<16x128xf32, #tpu.memory_space<hbm>>
      tpu.wait_dma2 semaphore(%arg56 : memref<!tpu.dma_semaphore, #tpu.memory_space<semaphore_mem>>) src(%dma_wait3A_1264 : memref<16x128xf32, #tpu.memory_space<hbm>>) dst(%arg40 : memref<16x128xf32, #tpu.memory_space<vmem>>)
      %slice3A_1265 = vector.extract_strided_slice %get3A_554 {offsets = [13], sizes = [1], strides = [1]} : vector<16xi32> to vector<1xi32>
      %squeeze3A_1266 = vector.extract %slice3A_1265[0] : i32 from vector<1xi32>
      %and3A_1267 = arith.constant 127 : i32
      %and3A_1268 = arith.andi %squeeze3A_1266, %and3A_1267 : i32
      %add3A_1269 = vector.broadcast %and3A_1268 : i32 to vector<16xi32>
      %add3A_1270 = arith.addi %broadcast_in_dim3A_3, %add3A_1269 : vector<16xi32>
      %slice3A_1271 = vector.extract_strided_slice %get3A_556 {offsets = [13], sizes = [1], strides = [1]} : vector<16xi32> to vector<1xi32>
      %squeeze3A_1272 = vector.extract %slice3A_1271[0] : i32 from vector<1xi32>
      %and3A_1273 = arith.constant 127 : i32
      %and3A_1274 = arith.andi %squeeze3A_1272, %and3A_1273 : i32
      %add3A_1275 = vector.broadcast %and3A_1274 : i32 to vector<16xi32>
      %add3A_1276 = arith.addi %broadcast_in_dim3A_3, %add3A_1275 : vector<16xi32>
      %gather3A_1277 = tpu.vector_load_idx %arg24[%iota3A, %add3A_1270] : memref<16x128xf32, #tpu.memory_space<vmem>>[vector<16xi32>, vector<16xi32>], vector<16xf32>,
      %gather3A_1278 = tpu.vector_load_idx %arg40[%iota3A, %add3A_1276] : memref<16x128xf32, #tpu.memory_space<vmem>>[vector<16xi32>, vector<16xi32>], vector<16xf32>,
      %mul3A_1279 = arith.mulf %gather3A_1277, %gather3A_1278 : vector<16xf32>
      %swap3A_1280 = arith.constant 13 : i32
      %swap3A_1281 = arith.index_cast %swap3A_1280 : i32 to index
      %swap3A_1282 = arith.constant 0 : index
      %swap3A_1283 = tpu.vector_load %arg10[%swap3A_1281, %swap3A_1282] {strides = array<i32>} : memref<16x16xf32, #tpu.memory_space<vmem>>, vector<16xf32>,
      tpu.vector_store %arg10[%swap3A_1281, %swap3A_1282], %mul3A_1279 {strides = array<i32>} : memref<16x16xf32, #tpu.memory_space<vmem>>, vector<16xf32>,
      %slice3A_1284 = vector.extract_strided_slice %get3A_564 {offsets = [13], sizes = [1], strides = [1]} : vector<16xi32> to vector<1xi32>
      %squeeze3A_1285 = vector.extract %slice3A_1284[0] : i32 from vector<1xi32>
      %shift_right_arithmetic3A_1286 = arith.constant 7 : i32
      %shift_right_arithmetic3A_1287 = arith.shrsi %squeeze3A_1285, %shift_right_arithmetic3A_1286 : i32
      %mul3A_1288 = arith.constant 128 : i32
      %mul3A_1289 = arith.muli %shift_right_arithmetic3A_1287, %mul3A_1288 : i32
      %multiple_of3A_1290 = tpu.assume_multiple %mul3A_1289, 128 : i32
      %slice3A_1291 = vector.extract_strided_slice %get3A_566 {offsets = [13], sizes = [1], strides = [1]} : vector<16xi32> to vector<1xi32>
      %squeeze3A_1292 = vector.extract %slice3A_1291[0] : i32 from vector<1xi32>
      %shift_right_arithmetic3A_1293 = arith.constant 7 : i32
      %shift_right_arithmetic3A_1294 = arith.shrsi %squeeze3A_1292, %shift_right_arithmetic3A_1293 : i32
      %mul3A_1295 = arith.constant 128 : i32
      %mul3A_1296 = arith.muli %shift_right_arithmetic3A_1294, %mul3A_1295 : i32
      %multiple_of3A_1297 = tpu.assume_multiple %mul3A_1296, 128 : i32
      %dma_start3A_1298 = arith.constant 0 : i32
      %dma_start3A_1299 = tpu.memref_slice %arg4[%dma_start3A_1298, %multiple_of3A_1290] : memref<16x1000000xf32, #tpu.memory_space<hbm>> -> memref<16x128xf32, #tpu.memory_space<hbm>>
      %dma_start3A_1300 = arith.constant 0 : i32
      %dma_start3A_1301 = tpu.memref_slice %arg4[%dma_start3A_1300, %multiple_of3A_1290] : memref<16x1000000xf32, #tpu.memory_space<hbm>> -> memref<16x128xf32, #tpu.memory_space<hbm>>
      tpu.enqueue_dma source(%dma_start3A_1301 : memref<16x128xf32, #tpu.memory_space<hbm>>) target(%arg24 : memref<16x128xf32, #tpu.memory_space<vmem>>) target_semaphore(%arg56 : memref<!tpu.dma_semaphore, #tpu.memory_space<semaphore_mem>>)
      %dma_start3A_1302 = arith.constant 0 : i32
      %dma_start3A_1303 = tpu.memref_slice %arg5[%dma_start3A_1302, %multiple_of3A_1297] : memref<16x1000000xf32, #tpu.memory_space<hbm>> -> memref<16x128xf32, #tpu.memory_space<hbm>>
      %dma_start3A_1304 = arith.constant 0 : i32
      %dma_start3A_1305 = tpu.memref_slice %arg5[%dma_start3A_1304, %multiple_of3A_1297] : memref<16x1000000xf32, #tpu.memory_space<hbm>> -> memref<16x128xf32, #tpu.memory_space<hbm>>
      tpu.enqueue_dma source(%dma_start3A_1305 : memref<16x128xf32, #tpu.memory_space<hbm>>) target(%arg40 : memref<16x128xf32, #tpu.memory_space<vmem>>) target_semaphore(%arg56 : memref<!tpu.dma_semaphore, #tpu.memory_space<semaphore_mem>>)
      %dma_wait3A_1306 = arith.constant 0 : i32
      %dma_wait3A_1307 = arith.constant 0 : i32
      %dma_wait3A_1308 = tpu.memref_slice %arg4[%dma_wait3A_1306, %dma_wait3A_1307] : memref<16x1000000xf32, #tpu.memory_space<hbm>> -> memref<16x128xf32, #tpu.memory_space<hbm>>
      %dma_wait3A_1309 = arith.constant 0 : i32
      %dma_wait3A_1310 = arith.constant 0 : i32
      %dma_wait3A_1311 = tpu.memref_slice %arg4[%dma_wait3A_1309, %dma_wait3A_1310] : memref<16x1000000xf32, #tpu.memory_space<hbm>> -> memref<16x128xf32, #tpu.memory_space<hbm>>
      tpu.wait_dma2 semaphore(%arg57 : memref<!tpu.dma_semaphore, #tpu.memory_space<semaphore_mem>>) src(%dma_wait3A_1311 : memref<16x128xf32, #tpu.memory_space<hbm>>) dst(%arg25 : memref<16x128xf32, #tpu.memory_space<vmem>>)
      %dma_wait3A_1312 = arith.constant 0 : i32
      %dma_wait3A_1313 = arith.constant 0 : i32
      %dma_wait3A_1314 = tpu.memref_slice %arg5[%dma_wait3A_1312, %dma_wait3A_1313] : memref<16x1000000xf32, #tpu.memory_space<hbm>> -> memref<16x128xf32, #tpu.memory_space<hbm>>
      %dma_wait3A_1315 = arith.constant 0 : i32
      %dma_wait3A_1316 = arith.constant 0 : i32
      %dma_wait3A_1317 = tpu.memref_slice %arg5[%dma_wait3A_1315, %dma_wait3A_1316] : memref<16x1000000xf32, #tpu.memory_space<hbm>> -> memref<16x128xf32, #tpu.memory_space<hbm>>
      tpu.wait_dma2 semaphore(%arg57 : memref<!tpu.dma_semaphore, #tpu.memory_space<semaphore_mem>>) src(%dma_wait3A_1317 : memref<16x128xf32, #tpu.memory_space<hbm>>) dst(%arg41 : memref<16x128xf32, #tpu.memory_space<vmem>>)
      %slice3A_1318 = vector.extract_strided_slice %get3A_554 {offsets = [14], sizes = [1], strides = [1]} : vector<16xi32> to vector<1xi32>
      %squeeze3A_1319 = vector.extract %slice3A_1318[0] : i32 from vector<1xi32>
      %and3A_1320 = arith.constant 127 : i32
      %and3A_1321 = arith.andi %squeeze3A_1319, %and3A_1320 : i32
      %add3A_1322 = vector.broadcast %and3A_1321 : i32 to vector<16xi32>
      %add3A_1323 = arith.addi %broadcast_in_dim3A_3, %add3A_1322 : vector<16xi32>
      %slice3A_1324 = vector.extract_strided_slice %get3A_556 {offsets = [14], sizes = [1], strides = [1]} : vector<16xi32> to vector<1xi32>
      %squeeze3A_1325 = vector.extract %slice3A_1324[0] : i32 from vector<1xi32>
      %and3A_1326 = arith.constant 127 : i32
      %and3A_1327 = arith.andi %squeeze3A_1325, %and3A_1326 : i32
      %add3A_1328 = vector.broadcast %and3A_1327 : i32 to vector<16xi32>
      %add3A_1329 = arith.addi %broadcast_in_dim3A_3, %add3A_1328 : vector<16xi32>
      %gather3A_1330 = tpu.vector_load_idx %arg25[%iota3A, %add3A_1323] : memref<16x128xf32, #tpu.memory_space<vmem>>[vector<16xi32>, vector<16xi32>], vector<16xf32>,
      %gather3A_1331 = tpu.vector_load_idx %arg41[%iota3A, %add3A_1329] : memref<16x128xf32, #tpu.memory_space<vmem>>[vector<16xi32>, vector<16xi32>], vector<16xf32>,
      %mul3A_1332 = arith.mulf %gather3A_1330, %gather3A_1331 : vector<16xf32>
      %swap3A_1333 = arith.constant 14 : i32
      %swap3A_1334 = arith.index_cast %swap3A_1333 : i32 to index
      %swap3A_1335 = arith.constant 0 : index
      %swap3A_1336 = tpu.vector_load %arg10[%swap3A_1334, %swap3A_1335] {strides = array<i32>} : memref<16x16xf32, #tpu.memory_space<vmem>>, vector<16xf32>,
      tpu.vector_store %arg10[%swap3A_1334, %swap3A_1335], %mul3A_1332 {strides = array<i32>} : memref<16x16xf32, #tpu.memory_space<vmem>>, vector<16xf32>,
      %slice3A_1337 = vector.extract_strided_slice %get3A_564 {offsets = [14], sizes = [1], strides = [1]} : vector<16xi32> to vector<1xi32>
      %squeeze3A_1338 = vector.extract %slice3A_1337[0] : i32 from vector<1xi32>
      %shift_right_arithmetic3A_1339 = arith.constant 7 : i32
      %shift_right_arithmetic3A_1340 = arith.shrsi %squeeze3A_1338, %shift_right_arithmetic3A_1339 : i32
      %mul3A_1341 = arith.constant 128 : i32
      %mul3A_1342 = arith.muli %shift_right_arithmetic3A_1340, %mul3A_1341 : i32
      %multiple_of3A_1343 = tpu.assume_multiple %mul3A_1342, 128 : i32
      %slice3A_1344 = vector.extract_strided_slice %get3A_566 {offsets = [14], sizes = [1], strides = [1]} : vector<16xi32> to vector<1xi32>
      %squeeze3A_1345 = vector.extract %slice3A_1344[0] : i32 from vector<1xi32>
      %shift_right_arithmetic3A_1346 = arith.constant 7 : i32
      %shift_right_arithmetic3A_1347 = arith.shrsi %squeeze3A_1345, %shift_right_arithmetic3A_1346 : i32
      %mul3A_1348 = arith.constant 128 : i32
      %mul3A_1349 = arith.muli %shift_right_arithmetic3A_1347, %mul3A_1348 : i32
      %multiple_of3A_1350 = tpu.assume_multiple %mul3A_1349, 128 : i32
      %dma_start3A_1351 = arith.constant 0 : i32
      %dma_start3A_1352 = tpu.memref_slice %arg4[%dma_start3A_1351, %multiple_of3A_1343] : memref<16x1000000xf32, #tpu.memory_space<hbm>> -> memref<16x128xf32, #tpu.memory_space<hbm>>
      %dma_start3A_1353 = arith.constant 0 : i32
      %dma_start3A_1354 = tpu.memref_slice %arg4[%dma_start3A_1353, %multiple_of3A_1343] : memref<16x1000000xf32, #tpu.memory_space<hbm>> -> memref<16x128xf32, #tpu.memory_space<hbm>>
      tpu.enqueue_dma source(%dma_start3A_1354 : memref<16x128xf32, #tpu.memory_space<hbm>>) target(%arg25 : memref<16x128xf32, #tpu.memory_space<vmem>>) target_semaphore(%arg57 : memref<!tpu.dma_semaphore, #tpu.memory_space<semaphore_mem>>)
      %dma_start3A_1355 = arith.constant 0 : i32
      %dma_start3A_1356 = tpu.memref_slice %arg5[%dma_start3A_1355, %multiple_of3A_1350] : memref<16x1000000xf32, #tpu.memory_space<hbm>> -> memref<16x128xf32, #tpu.memory_space<hbm>>
      %dma_start3A_1357 = arith.constant 0 : i32
      %dma_start3A_1358 = tpu.memref_slice %arg5[%dma_start3A_1357, %multiple_of3A_1350] : memref<16x1000000xf32, #tpu.memory_space<hbm>> -> memref<16x128xf32, #tpu.memory_space<hbm>>
      tpu.enqueue_dma source(%dma_start3A_1358 : memref<16x128xf32, #tpu.memory_space<hbm>>) target(%arg41 : memref<16x128xf32, #tpu.memory_space<vmem>>) target_semaphore(%arg57 : memref<!tpu.dma_semaphore, #tpu.memory_space<semaphore_mem>>)
      %dma_wait3A_1359 = arith.constant 0 : i32
      %dma_wait3A_1360 = arith.constant 0 : i32
      %dma_wait3A_1361 = tpu.memref_slice %arg4[%dma_wait3A_1359, %dma_wait3A_1360] : memref<16x1000000xf32, #tpu.memory_space<hbm>> -> memref<16x128xf32, #tpu.memory_space<hbm>>
      %dma_wait3A_1362 = arith.constant 0 : i32
      %dma_wait3A_1363 = arith.constant 0 : i32
      %dma_wait3A_1364 = tpu.memref_slice %arg4[%dma_wait3A_1362, %dma_wait3A_1363] : memref<16x1000000xf32, #tpu.memory_space<hbm>> -> memref<16x128xf32, #tpu.memory_space<hbm>>
      tpu.wait_dma2 semaphore(%arg58 : memref<!tpu.dma_semaphore, #tpu.memory_space<semaphore_mem>>) src(%dma_wait3A_1364 : memref<16x128xf32, #tpu.memory_space<hbm>>) dst(%arg26 : memref<16x128xf32, #tpu.memory_space<vmem>>)
      %dma_wait3A_1365 = arith.constant 0 : i32
      %dma_wait3A_1366 = arith.constant 0 : i32
      %dma_wait3A_1367 = tpu.memref_slice %arg5[%dma_wait3A_1365, %dma_wait3A_1366] : memref<16x1000000xf32, #tpu.memory_space<hbm>> -> memref<16x128xf32, #tpu.memory_space<hbm>>
      %dma_wait3A_1368 = arith.constant 0 : i32
      %dma_wait3A_1369 = arith.constant 0 : i32
      %dma_wait3A_1370 = tpu.memref_slice %arg5[%dma_wait3A_1368, %dma_wait3A_1369] : memref<16x1000000xf32, #tpu.memory_space<hbm>> -> memref<16x128xf32, #tpu.memory_space<hbm>>
      tpu.wait_dma2 semaphore(%arg58 : memref<!tpu.dma_semaphore, #tpu.memory_space<semaphore_mem>>) src(%dma_wait3A_1370 : memref<16x128xf32, #tpu.memory_space<hbm>>) dst(%arg42 : memref<16x128xf32, #tpu.memory_space<vmem>>)
      %slice3A_1371 = vector.extract_strided_slice %get3A_554 {offsets = [15], sizes = [1], strides = [1]} : vector<16xi32> to vector<1xi32>
      %squeeze3A_1372 = vector.extract %slice3A_1371[0] : i32 from vector<1xi32>
      %and3A_1373 = arith.constant 127 : i32
      %and3A_1374 = arith.andi %squeeze3A_1372, %and3A_1373 : i32
      %add3A_1375 = vector.broadcast %and3A_1374 : i32 to vector<16xi32>
      %add3A_1376 = arith.addi %broadcast_in_dim3A_3, %add3A_1375 : vector<16xi32>
      %slice3A_1377 = vector.extract_strided_slice %get3A_556 {offsets = [15], sizes = [1], strides = [1]} : vector<16xi32> to vector<1xi32>
      %squeeze3A_1378 = vector.extract %slice3A_1377[0] : i32 from vector<1xi32>
      %and3A_1379 = arith.constant 127 : i32
      %and3A_1380 = arith.andi %squeeze3A_1378, %and3A_1379 : i32
      %add3A_1381 = vector.broadcast %and3A_1380 : i32 to vector<16xi32>
      %add3A_1382 = arith.addi %broadcast_in_dim3A_3, %add3A_1381 : vector<16xi32>
      %gather3A_1383 = tpu.vector_load_idx %arg26[%iota3A, %add3A_1376] : memref<16x128xf32, #tpu.memory_space<vmem>>[vector<16xi32>, vector<16xi32>], vector<16xf32>,
      %gather3A_1384 = tpu.vector_load_idx %arg42[%iota3A, %add3A_1382] : memref<16x128xf32, #tpu.memory_space<vmem>>[vector<16xi32>, vector<16xi32>], vector<16xf32>,
      %mul3A_1385 = arith.mulf %gather3A_1383, %gather3A_1384 : vector<16xf32>
      %swap3A_1386 = arith.constant 15 : i32
      %swap3A_1387 = arith.index_cast %swap3A_1386 : i32 to index
      %swap3A_1388 = arith.constant 0 : index
      %swap3A_1389 = tpu.vector_load %arg10[%swap3A_1387, %swap3A_1388] {strides = array<i32>} : memref<16x16xf32, #tpu.memory_space<vmem>>, vector<16xf32>,
      tpu.vector_store %arg10[%swap3A_1387, %swap3A_1388], %mul3A_1385 {strides = array<i32>} : memref<16x16xf32, #tpu.memory_space<vmem>>, vector<16xf32>,
      %slice3A_1390 = vector.extract_strided_slice %get3A_564 {offsets = [15], sizes = [1], strides = [1]} : vector<16xi32> to vector<1xi32>
      %squeeze3A_1391 = vector.extract %slice3A_1390[0] : i32 from vector<1xi32>
      %shift_right_arithmetic3A_1392 = arith.constant 7 : i32
      %shift_right_arithmetic3A_1393 = arith.shrsi %squeeze3A_1391, %shift_right_arithmetic3A_1392 : i32
      %mul3A_1394 = arith.constant 128 : i32
      %mul3A_1395 = arith.muli %shift_right_arithmetic3A_1393, %mul3A_1394 : i32
      %multiple_of3A_1396 = tpu.assume_multiple %mul3A_1395, 128 : i32
      %slice3A_1397 = vector.extract_strided_slice %get3A_566 {offsets = [15], sizes = [1], strides = [1]} : vector<16xi32> to vector<1xi32>
      %squeeze3A_1398 = vector.extract %slice3A_1397[0] : i32 from vector<1xi32>
      %shift_right_arithmetic3A_1399 = arith.constant 7 : i32
      %shift_right_arithmetic3A_1400 = arith.shrsi %squeeze3A_1398, %shift_right_arithmetic3A_1399 : i32
      %mul3A_1401 = arith.constant 128 : i32
      %mul3A_1402 = arith.muli %shift_right_arithmetic3A_1400, %mul3A_1401 : i32
      %multiple_of3A_1403 = tpu.assume_multiple %mul3A_1402, 128 : i32
      %dma_start3A_1404 = arith.constant 0 : i32
      %dma_start3A_1405 = tpu.memref_slice %arg4[%dma_start3A_1404, %multiple_of3A_1396] : memref<16x1000000xf32, #tpu.memory_space<hbm>> -> memref<16x128xf32, #tpu.memory_space<hbm>>
      %dma_start3A_1406 = arith.constant 0 : i32
      %dma_start3A_1407 = tpu.memref_slice %arg4[%dma_start3A_1406, %multiple_of3A_1396] : memref<16x1000000xf32, #tpu.memory_space<hbm>> -> memref<16x128xf32, #tpu.memory_space<hbm>>
      tpu.enqueue_dma source(%dma_start3A_1407 : memref<16x128xf32, #tpu.memory_space<hbm>>) target(%arg26 : memref<16x128xf32, #tpu.memory_space<vmem>>) target_semaphore(%arg58 : memref<!tpu.dma_semaphore, #tpu.memory_space<semaphore_mem>>)
      %dma_start3A_1408 = arith.constant 0 : i32
      %dma_start3A_1409 = tpu.memref_slice %arg5[%dma_start3A_1408, %multiple_of3A_1403] : memref<16x1000000xf32, #tpu.memory_space<hbm>> -> memref<16x128xf32, #tpu.memory_space<hbm>>
      %dma_start3A_1410 = arith.constant 0 : i32
      %dma_start3A_1411 = tpu.memref_slice %arg5[%dma_start3A_1410, %multiple_of3A_1403] : memref<16x1000000xf32, #tpu.memory_space<hbm>> -> memref<16x128xf32, #tpu.memory_space<hbm>>
      tpu.enqueue_dma source(%dma_start3A_1411 : memref<16x128xf32, #tpu.memory_space<hbm>>) target(%arg42 : memref<16x128xf32, #tpu.memory_space<vmem>>) target_semaphore(%arg58 : memref<!tpu.dma_semaphore, #tpu.memory_space<semaphore_mem>>)
      %gather3A_1412 = tpu.vector_load_idx %arg10[%iota3A, %broadcast_in_dim3A_3] : memref<16x16xf32, #tpu.memory_space<vmem>>[vector<16xi32>, vector<16xi32>], vector<16xf32>,
      %add3A_1413 = arith.constant 1 : i32
      %add3A_1414 = vector.broadcast %add3A_1413 : i32 to vector<16xi32>
      %add3A_1415 = arith.addi %broadcast_in_dim3A_3, %add3A_1414 : vector<16xi32>
      %gather3A_1416 = tpu.vector_load_idx %arg10[%iota3A, %add3A_1415] : memref<16x16xf32, #tpu.memory_space<vmem>>[vector<16xi32>, vector<16xi32>], vector<16xf32>,
      %add3A_1417 = arith.addf %gather3A_1412, %gather3A_1416 : vector<16xf32>
      %add3A_1418 = arith.constant 2 : i32
      %add3A_1419 = vector.broadcast %add3A_1418 : i32 to vector<16xi32>
      %add3A_1420 = arith.addi %broadcast_in_dim3A_3, %add3A_1419 : vector<16xi32>
      %gather3A_1421 = tpu.vector_load_idx %arg10[%iota3A, %add3A_1420] : memref<16x16xf32, #tpu.memory_space<vmem>>[vector<16xi32>, vector<16xi32>], vector<16xf32>,
      %add3A_1422 = arith.addf %add3A_1417, %gather3A_1421 : vector<16xf32>
      %add3A_1423 = arith.constant 3 : i32
      %add3A_1424 = vector.broadcast %add3A_1423 : i32 to vector<16xi32>
      %add3A_1425 = arith.addi %broadcast_in_dim3A_3, %add3A_1424 : vector<16xi32>
      %gather3A_1426 = tpu.vector_load_idx %arg10[%iota3A, %add3A_1425] : memref<16x16xf32, #tpu.memory_space<vmem>>[vector<16xi32>, vector<16xi32>], vector<16xf32>,
      %add3A_1427 = arith.addf %add3A_1422, %gather3A_1426 : vector<16xf32>
      %add3A_1428 = arith.constant 4 : i32
      %add3A_1429 = vector.broadcast %add3A_1428 : i32 to vector<16xi32>
      %add3A_1430 = arith.addi %broadcast_in_dim3A_3, %add3A_1429 : vector<16xi32>
      %gather3A_1431 = tpu.vector_load_idx %arg10[%iota3A, %add3A_1430] : memref<16x16xf32, #tpu.memory_space<vmem>>[vector<16xi32>, vector<16xi32>], vector<16xf32>,
      %add3A_1432 = arith.addf %add3A_1427, %gather3A_1431 : vector<16xf32>
      %add3A_1433 = arith.constant 5 : i32
      %add3A_1434 = vector.broadcast %add3A_1433 : i32 to vector<16xi32>
      %add3A_1435 = arith.addi %broadcast_in_dim3A_3, %add3A_1434 : vector<16xi32>
      %gather3A_1436 = tpu.vector_load_idx %arg10[%iota3A, %add3A_1435] : memref<16x16xf32, #tpu.memory_space<vmem>>[vector<16xi32>, vector<16xi32>], vector<16xf32>,
      %add3A_1437 = arith.addf %add3A_1432, %gather3A_1436 : vector<16xf32>
      %add3A_1438 = arith.constant 6 : i32
      %add3A_1439 = vector.broadcast %add3A_1438 : i32 to vector<16xi32>
      %add3A_1440 = arith.addi %broadcast_in_dim3A_3, %add3A_1439 : vector<16xi32>
      %gather3A_1441 = tpu.vector_load_idx %arg10[%iota3A, %add3A_1440] : memref<16x16xf32, #tpu.memory_space<vmem>>[vector<16xi32>, vector<16xi32>], vector<16xf32>,
      %add3A_1442 = arith.addf %add3A_1437, %gather3A_1441 : vector<16xf32>
      %add3A_1443 = arith.constant 7 : i32
      %add3A_1444 = vector.broadcast %add3A_1443 : i32 to vector<16xi32>
      %add3A_1445 = arith.addi %broadcast_in_dim3A_3, %add3A_1444 : vector<16xi32>
      %gather3A_1446 = tpu.vector_load_idx %arg10[%iota3A, %add3A_1445] : memref<16x16xf32, #tpu.memory_space<vmem>>[vector<16xi32>, vector<16xi32>], vector<16xf32>,
      %add3A_1447 = arith.addf %add3A_1442, %gather3A_1446 : vector<16xf32>
      %add3A_1448 = arith.constant 8 : i32
      %add3A_1449 = vector.broadcast %add3A_1448 : i32 to vector<16xi32>
      %add3A_1450 = arith.addi %broadcast_in_dim3A_3, %add3A_1449 : vector<16xi32>
      %gather3A_1451 = tpu.vector_load_idx %arg10[%iota3A, %add3A_1450] : memref<16x16xf32, #tpu.memory_space<vmem>>[vector<16xi32>, vector<16xi32>], vector<16xf32>,
      %add3A_1452 = arith.addf %add3A_1447, %gather3A_1451 : vector<16xf32>
      %add3A_1453 = arith.constant 9 : i32
      %add3A_1454 = vector.broadcast %add3A_1453 : i32 to vector<16xi32>
      %add3A_1455 = arith.addi %broadcast_in_dim3A_3, %add3A_1454 : vector<16xi32>
      %gather3A_1456 = tpu.vector_load_idx %arg10[%iota3A, %add3A_1455] : memref<16x16xf32, #tpu.memory_space<vmem>>[vector<16xi32>, vector<16xi32>], vector<16xf32>,
      %add3A_1457 = arith.addf %add3A_1452, %gather3A_1456 : vector<16xf32>
      %add3A_1458 = arith.constant 10 : i32
      %add3A_1459 = vector.broadcast %add3A_1458 : i32 to vector<16xi32>
      %add3A_1460 = arith.addi %broadcast_in_dim3A_3, %add3A_1459 : vector<16xi32>
      %gather3A_1461 = tpu.vector_load_idx %arg10[%iota3A, %add3A_1460] : memref<16x16xf32, #tpu.memory_space<vmem>>[vector<16xi32>, vector<16xi32>], vector<16xf32>,
      %add3A_1462 = arith.addf %add3A_1457, %gather3A_1461 : vector<16xf32>
      %add3A_1463 = arith.constant 11 : i32
      %add3A_1464 = vector.broadcast %add3A_1463 : i32 to vector<16xi32>
      %add3A_1465 = arith.addi %broadcast_in_dim3A_3, %add3A_1464 : vector<16xi32>
      %gather3A_1466 = tpu.vector_load_idx %arg10[%iota3A, %add3A_1465] : memref<16x16xf32, #tpu.memory_space<vmem>>[vector<16xi32>, vector<16xi32>], vector<16xf32>,
      %add3A_1467 = arith.addf %add3A_1462, %gather3A_1466 : vector<16xf32>
      %add3A_1468 = arith.constant 12 : i32
      %add3A_1469 = vector.broadcast %add3A_1468 : i32 to vector<16xi32>
      %add3A_1470 = arith.addi %broadcast_in_dim3A_3, %add3A_1469 : vector<16xi32>
      %gather3A_1471 = tpu.vector_load_idx %arg10[%iota3A, %add3A_1470] : memref<16x16xf32, #tpu.memory_space<vmem>>[vector<16xi32>, vector<16xi32>], vector<16xf32>,
      %add3A_1472 = arith.addf %add3A_1467, %gather3A_1471 : vector<16xf32>
      %add3A_1473 = arith.constant 13 : i32
      %add3A_1474 = vector.broadcast %add3A_1473 : i32 to vector<16xi32>
      %add3A_1475 = arith.addi %broadcast_in_dim3A_3, %add3A_1474 : vector<16xi32>
      %gather3A_1476 = tpu.vector_load_idx %arg10[%iota3A, %add3A_1475] : memref<16x16xf32, #tpu.memory_space<vmem>>[vector<16xi32>, vector<16xi32>], vector<16xf32>,
      %add3A_1477 = arith.addf %add3A_1472, %gather3A_1476 : vector<16xf32>
      %add3A_1478 = arith.constant 14 : i32
      %add3A_1479 = vector.broadcast %add3A_1478 : i32 to vector<16xi32>
      %add3A_1480 = arith.addi %broadcast_in_dim3A_3, %add3A_1479 : vector<16xi32>
      %gather3A_1481 = tpu.vector_load_idx %arg10[%iota3A, %add3A_1480] : memref<16x16xf32, #tpu.memory_space<vmem>>[vector<16xi32>, vector<16xi32>], vector<16xf32>,
      %add3A_1482 = arith.addf %add3A_1477, %gather3A_1481 : vector<16xf32>
      %add3A_1483 = arith.constant 15 : i32
      %add3A_1484 = vector.broadcast %add3A_1483 : i32 to vector<16xi32>
      %add3A_1485 = arith.addi %broadcast_in_dim3A_3, %add3A_1484 : vector<16xi32>
      %gather3A_1486 = tpu.vector_load_idx %arg10[%iota3A, %add3A_1485] : memref<16x16xf32, #tpu.memory_space<vmem>>[vector<16xi32>, vector<16xi32>], vector<16xf32>,
      %add3A_1487 = arith.addf %add3A_1482, %gather3A_1486 : vector<16xf32>
      %swap3A_1488 = arith.index_cast %mul3A_552 : i32 to index
      %swap3A_1489 = tpu.vector_load %arg9[%swap3A_1488] {strides = array<i32>} : memref<512xf32, #tpu.memory_space<vmem>>, vector<16xf32>,
      tpu.vector_store %arg9[%swap3A_1488], %add3A_1487 {strides = array<i32>} : memref<512xf32, #tpu.memory_space<vmem>>, vector<16xf32>,
    }
    %scan3A_358 = arith.constant 32 : i32
    %dma_wait3A = arith.constant 0 : i32
    %dma_wait3A_359 = arith.constant 0 : i32
    %dma_wait3A_360 = tpu.memref_slice %arg4[%dma_wait3A, %dma_wait3A_359] : memref<16x1000000xf32, #tpu.memory_space<hbm>> -> memref<16x128xf32, #tpu.memory_space<hbm>>
    %dma_wait3A_361 = arith.constant 0 : i32
    %dma_wait3A_362 = arith.constant 0 : i32
    %dma_wait3A_363 = tpu.memref_slice %arg4[%dma_wait3A_361, %dma_wait3A_362] : memref<16x1000000xf32, #tpu.memory_space<hbm>> -> memref<16x128xf32, #tpu.memory_space<hbm>>
    tpu.wait_dma2 semaphore(%arg43 : memref<!tpu.dma_semaphore, #tpu.memory_space<semaphore_mem>>) src(%dma_wait3A_363 : memref<16x128xf32, #tpu.memory_space<hbm>>) dst(%arg11 : memref<16x128xf32, #tpu.memory_space<vmem>>)
    %dma_wait3A_364 = arith.constant 0 : i32
    %dma_wait3A_365 = arith.constant 0 : i32
    %dma_wait3A_366 = tpu.memref_slice %arg5[%dma_wait3A_364, %dma_wait3A_365] : memref<16x1000000xf32, #tpu.memory_space<hbm>> -> memref<16x128xf32, #tpu.memory_space<hbm>>
    %dma_wait3A_367 = arith.constant 0 : i32
    %dma_wait3A_368 = arith.constant 0 : i32
    %dma_wait3A_369 = tpu.memref_slice %arg5[%dma_wait3A_367, %dma_wait3A_368] : memref<16x1000000xf32, #tpu.memory_space<hbm>> -> memref<16x128xf32, #tpu.memory_space<hbm>>
    tpu.wait_dma2 semaphore(%arg43 : memref<!tpu.dma_semaphore, #tpu.memory_space<semaphore_mem>>) src(%dma_wait3A_369 : memref<16x128xf32, #tpu.memory_space<hbm>>) dst(%arg27 : memref<16x128xf32, #tpu.memory_space<vmem>>)
    %dma_wait3A_370 = arith.constant 0 : i32
    %dma_wait3A_371 = arith.constant 0 : i32
    %dma_wait3A_372 = tpu.memref_slice %arg4[%dma_wait3A_370, %dma_wait3A_371] : memref<16x1000000xf32, #tpu.memory_space<hbm>> -> memref<16x128xf32, #tpu.memory_space<hbm>>
    %dma_wait3A_373 = arith.constant 0 : i32
    %dma_wait3A_374 = arith.constant 0 : i32
    %dma_wait3A_375 = tpu.memref_slice %arg4[%dma_wait3A_373, %dma_wait3A_374] : memref<16x1000000xf32, #tpu.memory_space<hbm>> -> memref<16x128xf32, #tpu.memory_space<hbm>>
    tpu.wait_dma2 semaphore(%arg44 : memref<!tpu.dma_semaphore, #tpu.memory_space<semaphore_mem>>) src(%dma_wait3A_375 : memref<16x128xf32, #tpu.memory_space<hbm>>) dst(%arg12 : memref<16x128xf32, #tpu.memory_space<vmem>>)
    %dma_wait3A_376 = arith.constant 0 : i32
    %dma_wait3A_377 = arith.constant 0 : i32
    %dma_wait3A_378 = tpu.memref_slice %arg5[%dma_wait3A_376, %dma_wait3A_377] : memref<16x1000000xf32, #tpu.memory_space<hbm>> -> memref<16x128xf32, #tpu.memory_space<hbm>>
    %dma_wait3A_379 = arith.constant 0 : i32
    %dma_wait3A_380 = arith.constant 0 : i32
    %dma_wait3A_381 = tpu.memref_slice %arg5[%dma_wait3A_379, %dma_wait3A_380] : memref<16x1000000xf32, #tpu.memory_space<hbm>> -> memref<16x128xf32, #tpu.memory_space<hbm>>
    tpu.wait_dma2 semaphore(%arg44 : memref<!tpu.dma_semaphore, #tpu.memory_space<semaphore_mem>>) src(%dma_wait3A_381 : memref<16x128xf32, #tpu.memory_space<hbm>>) dst(%arg28 : memref<16x128xf32, #tpu.memory_space<vmem>>)
    %dma_wait3A_382 = arith.constant 0 : i32
    %dma_wait3A_383 = arith.constant 0 : i32
    %dma_wait3A_384 = tpu.memref_slice %arg4[%dma_wait3A_382, %dma_wait3A_383] : memref<16x1000000xf32, #tpu.memory_space<hbm>> -> memref<16x128xf32, #tpu.memory_space<hbm>>
    %dma_wait3A_385 = arith.constant 0 : i32
    %dma_wait3A_386 = arith.constant 0 : i32
    %dma_wait3A_387 = tpu.memref_slice %arg4[%dma_wait3A_385, %dma_wait3A_386] : memref<16x1000000xf32, #tpu.memory_space<hbm>> -> memref<16x128xf32, #tpu.memory_space<hbm>>
    tpu.wait_dma2 semaphore(%arg45 : memref<!tpu.dma_semaphore, #tpu.memory_space<semaphore_mem>>) src(%dma_wait3A_387 : memref<16x128xf32, #tpu.memory_space<hbm>>) dst(%arg13 : memref<16x128xf32, #tpu.memory_space<vmem>>)
    %dma_wait3A_388 = arith.constant 0 : i32
    %dma_wait3A_389 = arith.constant 0 : i32
    %dma_wait3A_390 = tpu.memref_slice %arg5[%dma_wait3A_388, %dma_wait3A_389] : memref<16x1000000xf32, #tpu.memory_space<hbm>> -> memref<16x128xf32, #tpu.memory_space<hbm>>
    %dma_wait3A_391 = arith.constant 0 : i32
    %dma_wait3A_392 = arith.constant 0 : i32
    %dma_wait3A_393 = tpu.memref_slice %arg5[%dma_wait3A_391, %dma_wait3A_392] : memref<16x1000000xf32, #tpu.memory_space<hbm>> -> memref<16x128xf32, #tpu.memory_space<hbm>>
    tpu.wait_dma2 semaphore(%arg45 : memref<!tpu.dma_semaphore, #tpu.memory_space<semaphore_mem>>) src(%dma_wait3A_393 : memref<16x128xf32, #tpu.memory_space<hbm>>) dst(%arg29 : memref<16x128xf32, #tpu.memory_space<vmem>>)
    %dma_wait3A_394 = arith.constant 0 : i32
    %dma_wait3A_395 = arith.constant 0 : i32
    %dma_wait3A_396 = tpu.memref_slice %arg4[%dma_wait3A_394, %dma_wait3A_395] : memref<16x1000000xf32, #tpu.memory_space<hbm>> -> memref<16x128xf32, #tpu.memory_space<hbm>>
    %dma_wait3A_397 = arith.constant 0 : i32
    %dma_wait3A_398 = arith.constant 0 : i32
    %dma_wait3A_399 = tpu.memref_slice %arg4[%dma_wait3A_397, %dma_wait3A_398] : memref<16x1000000xf32, #tpu.memory_space<hbm>> -> memref<16x128xf32, #tpu.memory_space<hbm>>
    tpu.wait_dma2 semaphore(%arg46 : memref<!tpu.dma_semaphore, #tpu.memory_space<semaphore_mem>>) src(%dma_wait3A_399 : memref<16x128xf32, #tpu.memory_space<hbm>>) dst(%arg14 : memref<16x128xf32, #tpu.memory_space<vmem>>)
    %dma_wait3A_400 = arith.constant 0 : i32
    %dma_wait3A_401 = arith.constant 0 : i32
    %dma_wait3A_402 = tpu.memref_slice %arg5[%dma_wait3A_400, %dma_wait3A_401] : memref<16x1000000xf32, #tpu.memory_space<hbm>> -> memref<16x128xf32, #tpu.memory_space<hbm>>
    %dma_wait3A_403 = arith.constant 0 : i32
    %dma_wait3A_404 = arith.constant 0 : i32
    %dma_wait3A_405 = tpu.memref_slice %arg5[%dma_wait3A_403, %dma_wait3A_404] : memref<16x1000000xf32, #tpu.memory_space<hbm>> -> memref<16x128xf32, #tpu.memory_space<hbm>>
    tpu.wait_dma2 semaphore(%arg46 : memref<!tpu.dma_semaphore, #tpu.memory_space<semaphore_mem>>) src(%dma_wait3A_405 : memref<16x128xf32, #tpu.memory_space<hbm>>) dst(%arg30 : memref<16x128xf32, #tpu.memory_space<vmem>>)
    %dma_wait3A_406 = arith.constant 0 : i32
    %dma_wait3A_407 = arith.constant 0 : i32
    %dma_wait3A_408 = tpu.memref_slice %arg4[%dma_wait3A_406, %dma_wait3A_407] : memref<16x1000000xf32, #tpu.memory_space<hbm>> -> memref<16x128xf32, #tpu.memory_space<hbm>>
    %dma_wait3A_409 = arith.constant 0 : i32
    %dma_wait3A_410 = arith.constant 0 : i32
    %dma_wait3A_411 = tpu.memref_slice %arg4[%dma_wait3A_409, %dma_wait3A_410] : memref<16x1000000xf32, #tpu.memory_space<hbm>> -> memref<16x128xf32, #tpu.memory_space<hbm>>
    tpu.wait_dma2 semaphore(%arg47 : memref<!tpu.dma_semaphore, #tpu.memory_space<semaphore_mem>>) src(%dma_wait3A_411 : memref<16x128xf32, #tpu.memory_space<hbm>>) dst(%arg15 : memref<16x128xf32, #tpu.memory_space<vmem>>)
    %dma_wait3A_412 = arith.constant 0 : i32
    %dma_wait3A_413 = arith.constant 0 : i32
    %dma_wait3A_414 = tpu.memref_slice %arg5[%dma_wait3A_412, %dma_wait3A_413] : memref<16x1000000xf32, #tpu.memory_space<hbm>> -> memref<16x128xf32, #tpu.memory_space<hbm>>
    %dma_wait3A_415 = arith.constant 0 : i32
    %dma_wait3A_416 = arith.constant 0 : i32
    %dma_wait3A_417 = tpu.memref_slice %arg5[%dma_wait3A_415, %dma_wait3A_416] : memref<16x1000000xf32, #tpu.memory_space<hbm>> -> memref<16x128xf32, #tpu.memory_space<hbm>>
    tpu.wait_dma2 semaphore(%arg47 : memref<!tpu.dma_semaphore, #tpu.memory_space<semaphore_mem>>) src(%dma_wait3A_417 : memref<16x128xf32, #tpu.memory_space<hbm>>) dst(%arg31 : memref<16x128xf32, #tpu.memory_space<vmem>>)
    %dma_wait3A_418 = arith.constant 0 : i32
    %dma_wait3A_419 = arith.constant 0 : i32
    %dma_wait3A_420 = tpu.memref_slice %arg4[%dma_wait3A_418, %dma_wait3A_419] : memref<16x1000000xf32, #tpu.memory_space<hbm>> -> memref<16x128xf32, #tpu.memory_space<hbm>>
    %dma_wait3A_421 = arith.constant 0 : i32
    %dma_wait3A_422 = arith.constant 0 : i32
    %dma_wait3A_423 = tpu.memref_slice %arg4[%dma_wait3A_421, %dma_wait3A_422] : memref<16x1000000xf32, #tpu.memory_space<hbm>> -> memref<16x128xf32, #tpu.memory_space<hbm>>
    tpu.wait_dma2 semaphore(%arg48 : memref<!tpu.dma_semaphore, #tpu.memory_space<semaphore_mem>>) src(%dma_wait3A_423 : memref<16x128xf32, #tpu.memory_space<hbm>>) dst(%arg16 : memref<16x128xf32, #tpu.memory_space<vmem>>)
    %dma_wait3A_424 = arith.constant 0 : i32
    %dma_wait3A_425 = arith.constant 0 : i32
    %dma_wait3A_426 = tpu.memref_slice %arg5[%dma_wait3A_424, %dma_wait3A_425] : memref<16x1000000xf32, #tpu.memory_space<hbm>> -> memref<16x128xf32, #tpu.memory_space<hbm>>
    %dma_wait3A_427 = arith.constant 0 : i32
    %dma_wait3A_428 = arith.constant 0 : i32
    %dma_wait3A_429 = tpu.memref_slice %arg5[%dma_wait3A_427, %dma_wait3A_428] : memref<16x1000000xf32, #tpu.memory_space<hbm>> -> memref<16x128xf32, #tpu.memory_space<hbm>>
    tpu.wait_dma2 semaphore(%arg48 : memref<!tpu.dma_semaphore, #tpu.memory_space<semaphore_mem>>) src(%dma_wait3A_429 : memref<16x128xf32, #tpu.memory_space<hbm>>) dst(%arg32 : memref<16x128xf32, #tpu.memory_space<vmem>>)
    %dma_wait3A_430 = arith.constant 0 : i32
    %dma_wait3A_431 = arith.constant 0 : i32
    %dma_wait3A_432 = tpu.memref_slice %arg4[%dma_wait3A_430, %dma_wait3A_431] : memref<16x1000000xf32, #tpu.memory_space<hbm>> -> memref<16x128xf32, #tpu.memory_space<hbm>>
    %dma_wait3A_433 = arith.constant 0 : i32
    %dma_wait3A_434 = arith.constant 0 : i32
    %dma_wait3A_435 = tpu.memref_slice %arg4[%dma_wait3A_433, %dma_wait3A_434] : memref<16x1000000xf32, #tpu.memory_space<hbm>> -> memref<16x128xf32, #tpu.memory_space<hbm>>
    tpu.wait_dma2 semaphore(%arg49 : memref<!tpu.dma_semaphore, #tpu.memory_space<semaphore_mem>>) src(%dma_wait3A_435 : memref<16x128xf32, #tpu.memory_space<hbm>>) dst(%arg17 : memref<16x128xf32, #tpu.memory_space<vmem>>)
    %dma_wait3A_436 = arith.constant 0 : i32
    %dma_wait3A_437 = arith.constant 0 : i32
    %dma_wait3A_438 = tpu.memref_slice %arg5[%dma_wait3A_436, %dma_wait3A_437] : memref<16x1000000xf32, #tpu.memory_space<hbm>> -> memref<16x128xf32, #tpu.memory_space<hbm>>
    %dma_wait3A_439 = arith.constant 0 : i32
    %dma_wait3A_440 = arith.constant 0 : i32
    %dma_wait3A_441 = tpu.memref_slice %arg5[%dma_wait3A_439, %dma_wait3A_440] : memref<16x1000000xf32, #tpu.memory_space<hbm>> -> memref<16x128xf32, #tpu.memory_space<hbm>>
    tpu.wait_dma2 semaphore(%arg49 : memref<!tpu.dma_semaphore, #tpu.memory_space<semaphore_mem>>) src(%dma_wait3A_441 : memref<16x128xf32, #tpu.memory_space<hbm>>) dst(%arg33 : memref<16x128xf32, #tpu.memory_space<vmem>>)
    %dma_wait3A_442 = arith.constant 0 : i32
    %dma_wait3A_443 = arith.constant 0 : i32
    %dma_wait3A_444 = tpu.memref_slice %arg4[%dma_wait3A_442, %dma_wait3A_443] : memref<16x1000000xf32, #tpu.memory_space<hbm>> -> memref<16x128xf32, #tpu.memory_space<hbm>>
    %dma_wait3A_445 = arith.constant 0 : i32
    %dma_wait3A_446 = arith.constant 0 : i32
    %dma_wait3A_447 = tpu.memref_slice %arg4[%dma_wait3A_445, %dma_wait3A_446] : memref<16x1000000xf32, #tpu.memory_space<hbm>> -> memref<16x128xf32, #tpu.memory_space<hbm>>
    tpu.wait_dma2 semaphore(%arg50 : memref<!tpu.dma_semaphore, #tpu.memory_space<semaphore_mem>>) src(%dma_wait3A_447 : memref<16x128xf32, #tpu.memory_space<hbm>>) dst(%arg18 : memref<16x128xf32, #tpu.memory_space<vmem>>)
    %dma_wait3A_448 = arith.constant 0 : i32
    %dma_wait3A_449 = arith.constant 0 : i32
    %dma_wait3A_450 = tpu.memref_slice %arg5[%dma_wait3A_448, %dma_wait3A_449] : memref<16x1000000xf32, #tpu.memory_space<hbm>> -> memref<16x128xf32, #tpu.memory_space<hbm>>
    %dma_wait3A_451 = arith.constant 0 : i32
    %dma_wait3A_452 = arith.constant 0 : i32
    %dma_wait3A_453 = tpu.memref_slice %arg5[%dma_wait3A_451, %dma_wait3A_452] : memref<16x1000000xf32, #tpu.memory_space<hbm>> -> memref<16x128xf32, #tpu.memory_space<hbm>>
    tpu.wait_dma2 semaphore(%arg50 : memref<!tpu.dma_semaphore, #tpu.memory_space<semaphore_mem>>) src(%dma_wait3A_453 : memref<16x128xf32, #tpu.memory_space<hbm>>) dst(%arg34 : memref<16x128xf32, #tpu.memory_space<vmem>>)
    %dma_wait3A_454 = arith.constant 0 : i32
    %dma_wait3A_455 = arith.constant 0 : i32
    %dma_wait3A_456 = tpu.memref_slice %arg4[%dma_wait3A_454, %dma_wait3A_455] : memref<16x1000000xf32, #tpu.memory_space<hbm>> -> memref<16x128xf32, #tpu.memory_space<hbm>>
    %dma_wait3A_457 = arith.constant 0 : i32
    %dma_wait3A_458 = arith.constant 0 : i32
    %dma_wait3A_459 = tpu.memref_slice %arg4[%dma_wait3A_457, %dma_wait3A_458] : memref<16x1000000xf32, #tpu.memory_space<hbm>> -> memref<16x128xf32, #tpu.memory_space<hbm>>
    tpu.wait_dma2 semaphore(%arg51 : memref<!tpu.dma_semaphore, #tpu.memory_space<semaphore_mem>>) src(%dma_wait3A_459 : memref<16x128xf32, #tpu.memory_space<hbm>>) dst(%arg19 : memref<16x128xf32, #tpu.memory_space<vmem>>)
    %dma_wait3A_460 = arith.constant 0 : i32
    %dma_wait3A_461 = arith.constant 0 : i32
    %dma_wait3A_462 = tpu.memref_slice %arg5[%dma_wait3A_460, %dma_wait3A_461] : memref<16x1000000xf32, #tpu.memory_space<hbm>> -> memref<16x128xf32, #tpu.memory_space<hbm>>
    %dma_wait3A_463 = arith.constant 0 : i32
    %dma_wait3A_464 = arith.constant 0 : i32
    %dma_wait3A_465 = tpu.memref_slice %arg5[%dma_wait3A_463, %dma_wait3A_464] : memref<16x1000000xf32, #tpu.memory_space<hbm>> -> memref<16x128xf32, #tpu.memory_space<hbm>>
    tpu.wait_dma2 semaphore(%arg51 : memref<!tpu.dma_semaphore, #tpu.memory_space<semaphore_mem>>) src(%dma_wait3A_465 : memref<16x128xf32, #tpu.memory_space<hbm>>) dst(%arg35 : memref<16x128xf32, #tpu.memory_space<vmem>>)
    %dma_wait3A_466 = arith.constant 0 : i32
    %dma_wait3A_467 = arith.constant 0 : i32
    %dma_wait3A_468 = tpu.memref_slice %arg4[%dma_wait3A_466, %dma_wait3A_467] : memref<16x1000000xf32, #tpu.memory_space<hbm>> -> memref<16x128xf32, #tpu.memory_space<hbm>>
    %dma_wait3A_469 = arith.constant 0 : i32
    %dma_wait3A_470 = arith.constant 0 : i32
    %dma_wait3A_471 = tpu.memref_slice %arg4[%dma_wait3A_469, %dma_wait3A_470] : memref<16x1000000xf32, #tpu.memory_space<hbm>> -> memref<16x128xf32, #tpu.memory_space<hbm>>
    tpu.wait_dma2 semaphore(%arg52 : memref<!tpu.dma_semaphore, #tpu.memory_space<semaphore_mem>>) src(%dma_wait3A_471 : memref<16x128xf32, #tpu.memory_space<hbm>>) dst(%arg20 : memref<16x128xf32, #tpu.memory_space<vmem>>)
    %dma_wait3A_472 = arith.constant 0 : i32
    %dma_wait3A_473 = arith.constant 0 : i32
    %dma_wait3A_474 = tpu.memref_slice %arg5[%dma_wait3A_472, %dma_wait3A_473] : memref<16x1000000xf32, #tpu.memory_space<hbm>> -> memref<16x128xf32, #tpu.memory_space<hbm>>
    %dma_wait3A_475 = arith.constant 0 : i32
    %dma_wait3A_476 = arith.constant 0 : i32
    %dma_wait3A_477 = tpu.memref_slice %arg5[%dma_wait3A_475, %dma_wait3A_476] : memref<16x1000000xf32, #tpu.memory_space<hbm>> -> memref<16x128xf32, #tpu.memory_space<hbm>>
    tpu.wait_dma2 semaphore(%arg52 : memref<!tpu.dma_semaphore, #tpu.memory_space<semaphore_mem>>) src(%dma_wait3A_477 : memref<16x128xf32, #tpu.memory_space<hbm>>) dst(%arg36 : memref<16x128xf32, #tpu.memory_space<vmem>>)
    %dma_wait3A_478 = arith.constant 0 : i32
    %dma_wait3A_479 = arith.constant 0 : i32
    %dma_wait3A_480 = tpu.memref_slice %arg4[%dma_wait3A_478, %dma_wait3A_479] : memref<16x1000000xf32, #tpu.memory_space<hbm>> -> memref<16x128xf32, #tpu.memory_space<hbm>>
    %dma_wait3A_481 = arith.constant 0 : i32
    %dma_wait3A_482 = arith.constant 0 : i32
    %dma_wait3A_483 = tpu.memref_slice %arg4[%dma_wait3A_481, %dma_wait3A_482] : memref<16x1000000xf32, #tpu.memory_space<hbm>> -> memref<16x128xf32, #tpu.memory_space<hbm>>
    tpu.wait_dma2 semaphore(%arg53 : memref<!tpu.dma_semaphore, #tpu.memory_space<semaphore_mem>>) src(%dma_wait3A_483 : memref<16x128xf32, #tpu.memory_space<hbm>>) dst(%arg21 : memref<16x128xf32, #tpu.memory_space<vmem>>)
    %dma_wait3A_484 = arith.constant 0 : i32
    %dma_wait3A_485 = arith.constant 0 : i32
    %dma_wait3A_486 = tpu.memref_slice %arg5[%dma_wait3A_484, %dma_wait3A_485] : memref<16x1000000xf32, #tpu.memory_space<hbm>> -> memref<16x128xf32, #tpu.memory_space<hbm>>
    %dma_wait3A_487 = arith.constant 0 : i32
    %dma_wait3A_488 = arith.constant 0 : i32
    %dma_wait3A_489 = tpu.memref_slice %arg5[%dma_wait3A_487, %dma_wait3A_488] : memref<16x1000000xf32, #tpu.memory_space<hbm>> -> memref<16x128xf32, #tpu.memory_space<hbm>>
    tpu.wait_dma2 semaphore(%arg53 : memref<!tpu.dma_semaphore, #tpu.memory_space<semaphore_mem>>) src(%dma_wait3A_489 : memref<16x128xf32, #tpu.memory_space<hbm>>) dst(%arg37 : memref<16x128xf32, #tpu.memory_space<vmem>>)
    %dma_wait3A_490 = arith.constant 0 : i32
    %dma_wait3A_491 = arith.constant 0 : i32
    %dma_wait3A_492 = tpu.memref_slice %arg4[%dma_wait3A_490, %dma_wait3A_491] : memref<16x1000000xf32, #tpu.memory_space<hbm>> -> memref<16x128xf32, #tpu.memory_space<hbm>>
    %dma_wait3A_493 = arith.constant 0 : i32
    %dma_wait3A_494 = arith.constant 0 : i32
    %dma_wait3A_495 = tpu.memref_slice %arg4[%dma_wait3A_493, %dma_wait3A_494] : memref<16x1000000xf32, #tpu.memory_space<hbm>> -> memref<16x128xf32, #tpu.memory_space<hbm>>
    tpu.wait_dma2 semaphore(%arg54 : memref<!tpu.dma_semaphore, #tpu.memory_space<semaphore_mem>>) src(%dma_wait3A_495 : memref<16x128xf32, #tpu.memory_space<hbm>>) dst(%arg22 : memref<16x128xf32, #tpu.memory_space<vmem>>)
    %dma_wait3A_496 = arith.constant 0 : i32
    %dma_wait3A_497 = arith.constant 0 : i32
    %dma_wait3A_498 = tpu.memref_slice %arg5[%dma_wait3A_496, %dma_wait3A_497] : memref<16x1000000xf32, #tpu.memory_space<hbm>> -> memref<16x128xf32, #tpu.memory_space<hbm>>
    %dma_wait3A_499 = arith.constant 0 : i32
    %dma_wait3A_500 = arith.constant 0 : i32
    %dma_wait3A_501 = tpu.memref_slice %arg5[%dma_wait3A_499, %dma_wait3A_500] : memref<16x1000000xf32, #tpu.memory_space<hbm>> -> memref<16x128xf32, #tpu.memory_space<hbm>>
    tpu.wait_dma2 semaphore(%arg54 : memref<!tpu.dma_semaphore, #tpu.memory_space<semaphore_mem>>) src(%dma_wait3A_501 : memref<16x128xf32, #tpu.memory_space<hbm>>) dst(%arg38 : memref<16x128xf32, #tpu.memory_space<vmem>>)
    %dma_wait3A_502 = arith.constant 0 : i32
    %dma_wait3A_503 = arith.constant 0 : i32
    %dma_wait3A_504 = tpu.memref_slice %arg4[%dma_wait3A_502, %dma_wait3A_503] : memref<16x1000000xf32, #tpu.memory_space<hbm>> -> memref<16x128xf32, #tpu.memory_space<hbm>>
    %dma_wait3A_505 = arith.constant 0 : i32
    %dma_wait3A_506 = arith.constant 0 : i32
    %dma_wait3A_507 = tpu.memref_slice %arg4[%dma_wait3A_505, %dma_wait3A_506] : memref<16x1000000xf32, #tpu.memory_space<hbm>> -> memref<16x128xf32, #tpu.memory_space<hbm>>
    tpu.wait_dma2 semaphore(%arg55 : memref<!tpu.dma_semaphore, #tpu.memory_space<semaphore_mem>>) src(%dma_wait3A_507 : memref<16x128xf32, #tpu.memory_space<hbm>>) dst(%arg23 : memref<16x128xf32, #tpu.memory_space<vmem>>)
    %dma_wait3A_508 = arith.constant 0 : i32
    %dma_wait3A_509 = arith.constant 0 : i32
    %dma_wait3A_510 = tpu.memref_slice %arg5[%dma_wait3A_508, %dma_wait3A_509] : memref<16x1000000xf32, #tpu.memory_space<hbm>> -> memref<16x128xf32, #tpu.memory_space<hbm>>
    %dma_wait3A_511 = arith.constant 0 : i32
    %dma_wait3A_512 = arith.constant 0 : i32
    %dma_wait3A_513 = tpu.memref_slice %arg5[%dma_wait3A_511, %dma_wait3A_512] : memref<16x1000000xf32, #tpu.memory_space<hbm>> -> memref<16x128xf32, #tpu.memory_space<hbm>>
    tpu.wait_dma2 semaphore(%arg55 : memref<!tpu.dma_semaphore, #tpu.memory_space<semaphore_mem>>) src(%dma_wait3A_513 : memref<16x128xf32, #tpu.memory_space<hbm>>) dst(%arg39 : memref<16x128xf32, #tpu.memory_space<vmem>>)
    %dma_wait3A_514 = arith.constant 0 : i32
    %dma_wait3A_515 = arith.constant 0 : i32
    %dma_wait3A_516 = tpu.memref_slice %arg4[%dma_wait3A_514, %dma_wait3A_515] : memref<16x1000000xf32, #tpu.memory_space<hbm>> -> memref<16x128xf32, #tpu.memory_space<hbm>>
    %dma_wait3A_517 = arith.constant 0 : i32
    %dma_wait3A_518 = arith.constant 0 : i32
    %dma_wait3A_519 = tpu.memref_slice %arg4[%dma_wait3A_517, %dma_wait3A_518] : memref<16x1000000xf32, #tpu.memory_space<hbm>> -> memref<16x128xf32, #tpu.memory_space<hbm>>
    tpu.wait_dma2 semaphore(%arg56 : memref<!tpu.dma_semaphore, #tpu.memory_space<semaphore_mem>>) src(%dma_wait3A_519 : memref<16x128xf32, #tpu.memory_space<hbm>>) dst(%arg24 : memref<16x128xf32, #tpu.memory_space<vmem>>)
    %dma_wait3A_520 = arith.constant 0 : i32
    %dma_wait3A_521 = arith.constant 0 : i32
    %dma_wait3A_522 = tpu.memref_slice %arg5[%dma_wait3A_520, %dma_wait3A_521] : memref<16x1000000xf32, #tpu.memory_space<hbm>> -> memref<16x128xf32, #tpu.memory_space<hbm>>
    %dma_wait3A_523 = arith.constant 0 : i32
    %dma_wait3A_524 = arith.constant 0 : i32
    %dma_wait3A_525 = tpu.memref_slice %arg5[%dma_wait3A_523, %dma_wait3A_524] : memref<16x1000000xf32, #tpu.memory_space<hbm>> -> memref<16x128xf32, #tpu.memory_space<hbm>>
    tpu.wait_dma2 semaphore(%arg56 : memref<!tpu.dma_semaphore, #tpu.memory_space<semaphore_mem>>) src(%dma_wait3A_525 : memref<16x128xf32, #tpu.memory_space<hbm>>) dst(%arg40 : memref<16x128xf32, #tpu.memory_space<vmem>>)
    %dma_wait3A_526 = arith.constant 0 : i32
    %dma_wait3A_527 = arith.constant 0 : i32
    %dma_wait3A_528 = tpu.memref_slice %arg4[%dma_wait3A_526, %dma_wait3A_527] : memref<16x1000000xf32, #tpu.memory_space<hbm>> -> memref<16x128xf32, #tpu.memory_space<hbm>>
    %dma_wait3A_529 = arith.constant 0 : i32
    %dma_wait3A_530 = arith.constant 0 : i32
    %dma_wait3A_531 = tpu.memref_slice %arg4[%dma_wait3A_529, %dma_wait3A_530] : memref<16x1000000xf32, #tpu.memory_space<hbm>> -> memref<16x128xf32, #tpu.memory_space<hbm>>
    tpu.wait_dma2 semaphore(%arg57 : memref<!tpu.dma_semaphore, #tpu.memory_space<semaphore_mem>>) src(%dma_wait3A_531 : memref<16x128xf32, #tpu.memory_space<hbm>>) dst(%arg25 : memref<16x128xf32, #tpu.memory_space<vmem>>)
    %dma_wait3A_532 = arith.constant 0 : i32
    %dma_wait3A_533 = arith.constant 0 : i32
    %dma_wait3A_534 = tpu.memref_slice %arg5[%dma_wait3A_532, %dma_wait3A_533] : memref<16x1000000xf32, #tpu.memory_space<hbm>> -> memref<16x128xf32, #tpu.memory_space<hbm>>
    %dma_wait3A_535 = arith.constant 0 : i32
    %dma_wait3A_536 = arith.constant 0 : i32
    %dma_wait3A_537 = tpu.memref_slice %arg5[%dma_wait3A_535, %dma_wait3A_536] : memref<16x1000000xf32, #tpu.memory_space<hbm>> -> memref<16x128xf32, #tpu.memory_space<hbm>>
    tpu.wait_dma2 semaphore(%arg57 : memref<!tpu.dma_semaphore, #tpu.memory_space<semaphore_mem>>) src(%dma_wait3A_537 : memref<16x128xf32, #tpu.memory_space<hbm>>) dst(%arg41 : memref<16x128xf32, #tpu.memory_space<vmem>>)
    %dma_wait3A_538 = arith.constant 0 : i32
    %dma_wait3A_539 = arith.constant 0 : i32
    %dma_wait3A_540 = tpu.memref_slice %arg4[%dma_wait3A_538, %dma_wait3A_539] : memref<16x1000000xf32, #tpu.memory_space<hbm>> -> memref<16x128xf32, #tpu.memory_space<hbm>>
    %dma_wait3A_541 = arith.constant 0 : i32
    %dma_wait3A_542 = arith.constant 0 : i32
    %dma_wait3A_543 = tpu.memref_slice %arg4[%dma_wait3A_541, %dma_wait3A_542] : memref<16x1000000xf32, #tpu.memory_space<hbm>> -> memref<16x128xf32, #tpu.memory_space<hbm>>
    tpu.wait_dma2 semaphore(%arg58 : memref<!tpu.dma_semaphore, #tpu.memory_space<semaphore_mem>>) src(%dma_wait3A_543 : memref<16x128xf32, #tpu.memory_space<hbm>>) dst(%arg26 : memref<16x128xf32, #tpu.memory_space<vmem>>)
    %dma_wait3A_544 = arith.constant 0 : i32
    %dma_wait3A_545 = arith.constant 0 : i32
    %dma_wait3A_546 = tpu.memref_slice %arg5[%dma_wait3A_544, %dma_wait3A_545] : memref<16x1000000xf32, #tpu.memory_space<hbm>> -> memref<16x128xf32, #tpu.memory_space<hbm>>
    %dma_wait3A_547 = arith.constant 0 : i32
    %dma_wait3A_548 = arith.constant 0 : i32
    %dma_wait3A_549 = tpu.memref_slice %arg5[%dma_wait3A_547, %dma_wait3A_548] : memref<16x1000000xf32, #tpu.memory_space<hbm>> -> memref<16x128xf32, #tpu.memory_space<hbm>>
    tpu.wait_dma2 semaphore(%arg58 : memref<!tpu.dma_semaphore, #tpu.memory_space<semaphore_mem>>) src(%dma_wait3A_549 : memref<16x128xf32, #tpu.memory_space<hbm>>) dst(%arg42 : memref<16x128xf32, #tpu.memory_space<vmem>>)
    "tpu.region"() ({
      %run_scoped3A = tpu.sem_alloc : memref<!tpu.dma_semaphore, #tpu.memory_space<semaphore_mem>>
      %dma_start3A_550 = tpu.memref_slice %arg6[%mul3A_2] : memref<16384xf32, #tpu.memory_space<hbm>> -> memref<512xf32, #tpu.memory_space<hbm>>
      %dma_start3A_551 = tpu.memref_slice %arg6[%mul3A_2] : memref<16384xf32, #tpu.memory_space<hbm>> -> memref<512xf32, #tpu.memory_space<hbm>>
      tpu.enqueue_dma source(%arg9 : memref<512xf32, #tpu.memory_space<vmem>>) target(%dma_start3A_551 : memref<512xf32, #tpu.memory_space<hbm>>) target_semaphore(%run_scoped3A : memref<!tpu.dma_semaphore, #tpu.memory_space<semaphore_mem>>)
      %dma_wait3A_552 = tpu.memref_slice %arg6[%mul3A_2] : memref<16384xf32, #tpu.memory_space<hbm>> -> memref<512xf32, #tpu.memory_space<hbm>>
      %dma_wait3A_553 = tpu.memref_slice %arg6[%mul3A_2] : memref<16384xf32, #tpu.memory_space<hbm>> -> memref<512xf32, #tpu.memory_space<hbm>>
      tpu.wait_dma2 semaphore(%run_scoped3A : memref<!tpu.dma_semaphore, #tpu.memory_space<semaphore_mem>>) src(%arg9 : memref<512xf32, #tpu.memory_space<vmem>>) dst(%dma_wait3A_553 : memref<512xf32, #tpu.memory_space<hbm>>)
      tpu.yield
    }) : () -> ()
    return
  }
}

</mosaic_0001>

<sc_bundles>
// kernel: kernel.3.cloned.1.call-start
scs
__scs_entry_jumppad:
0x0: {  	(pc) =	sbr.rel $0x88, $3  }
0x1: {  	(tag) =	ssettag $0x0;
	lr =	simm.s32 $0x1  }
0x2: {  	[smem:$0x3F9D] =	sst lr;
	_ =	strace $0xD0000000  }
0x3: {  	_ = 	snop  }
0x4: {  	_ = 	snop  }
0x5: {  	_ = 	snop  }
0x6: {  	_ = 	snop  }
0x7: {  	_ = 	snop  }
__scs_overlays_trampoline_lowered:
0x8: {  	[smem:$0x3FAC] =	sst s0  }
0x9: {  	[smem:$0x3FAD] =	sst s1  }
0xa: {  	[smem:$0x3FAE] =	sst s2  }
0xb: {  	[smem:$0x3FAF] =	sst s3  }
0xc: {  	[smem:$0x3FB0] =	sst s4  }
0xd: {  	[smem:$0x3FB1] =	sst s5  }
0xe: {  	[smem:$0x3FB2] =	sst s6  }
0xf: {  	[smem:$0x3FB3] =	sst s7  }
0x10: {  	[smem:$0x3FB4] =	sst s8  }
0x11: {  	[smem:$0x3FB5] =	sst s9;
	s0 =	simm.s32 @!p0 $0x0  }
0x12: {  	s1 =	sld [smem:$0x3F9B];
	s0 =	simm.s32 @p0 $0x1  }
0x13: {  	[smem:$0x3FB6] =	sst s0;
	s0 =	simm.s32 @!p1 $0x0  }
0x14: {  	s2 =	sld [smem:$0x3F9A];
	s0 =	simm.s32 @p1 $0x1  }
0x15: {  	[smem:$0x3FB7] =	sst s0;
	s0 =	simm.s32 @!p2 $0x0  }
0x16: {  	s3 =	sld [smem:$0x3FDB];
	s0 =	simm.s32 @p2 $0x1  }
0x17: {  	s4 =	simm.s32 $0x1BF5;
	[smem:$0x3FB9] =	sst s0  }
0x18: {  	s0 =	sld [smem:$0x3F9C];
	_ =	swait.ge [sflag:s4], $0x0  }
0x19: {  	s7 =	sld [smem:$0x3F9D]  }
0x1a: {  	s8 =	sadd.s32 $0xFFFFE003, lr  }
0x1b: {  	s9 =	sadd.s32 $0xFFFFFEF7, lr;
	s5 =	simm.s32 $0xFFFFFFFF;
	p2 =	slt.u32 s8, $0xFFFFF086  }
0x1c: {  	p1 =	slt.u32 s9, $0xF7A;
	s5 =	simm.s32 @!p2 $0x0  }
0x1d: {  	s5 =	simm.s32 @p1 $0x1;
	p0 =	seq.s32 s7, s2  }
0x1e: {  	s7 =	smul.u32 @!p0 $0xF7A, s2;
	p2 =	seq.s32 @!p0 s5, $0x0  }
0x1f: {  	s9 =	smul.u32 $0xF7A, s1;
	s8 =	simm.s32 @!p0 $0x1BF5;
	p2 =	por !p2, p0  }
0x20: {  	[sflag:s8] =	ssyncset.s32 @!p0 $0xFFFFF086;
	s6 =	sadd.s32 @!p0 s3, s7;
	s7 =	simm.s32 @!p0 $0x108  }
0x21: {  	s3 =	sadd.s32 s3, s9;
	s6 =	sadd.s32 @!p0 $0x88, s6;
	s7 =	simm.s32 @p2 $0x1082  }
0x22: {  	[simem:s7], [sflag:s8] =	dma.local @!p0 [hbm:s6], $0xF7A  }
0x23: {  	s9 =	sor.u32 $0xD0000000, s2;
	s6 =	simm.s32 $0x108;
	_ =	swait.ge @!p0 [sflag:s8], $0x0  }
0x24: {  	s3 =	sadd.s32 $0x88, s3;
	s6 =	simm.s32 @!p1 $0x1082;
	[sflag:s4] =	ssyncset.s32 $0xFFFFF086  }
0x25: {  	[simem:s6], [sflag:s4] =	dma.local [hbm:s3], $0xF7A  }
0x26: {  	[smem:$0x3F9D] =	sst s1;
	(tag) =	ssettag s2;
	_ =	strace s9  }
0x27: {  	s1 =	sld [smem:$0x3FAD]  }
0x28: {  	s2 =	sld [smem:$0x3FAE]  }
0x29: {  	s4 =	sld [smem:$0x3FB0]  }
0x2a: {  	p0 =	seq.s32 s5, $0x0;
	s5 =	sld [smem:$0x3FB1]  }
0x2b: {  	s6 =	sld [smem:$0x3FB2]  }
0x2c: {  	s7 =	sld [smem:$0x3FB3]  }
0x2d: {  	s3 =	simm.s32 $0x108;
	s8 =	sld [smem:$0x3FB4]  }
0x2e: {  	s3 =	simm.s32 @!p0 $0x1082;
	s9 =	sld [smem:$0x3FB5]  }
0x2f: {  	lr =	sadd.s32 s0, s3;
	s0 =	sld [smem:$0x3FAC]  }
0x30: {  	s3 =	sld [smem:$0x3FAF]  }
0x31: {  	[smem:$0x3FB8] =	sst s10  }
0x32: {  	s10 =	sld [smem:$0x3FB6];
	_ =	sdelay $0x3  }
0x33: {  	p0 =	seq.s32 s10, $0x1;
	s10 =	sld [smem:$0x3FB8];
	_ =	sdelay $0x3  }
0x34: {  	[smem:$0x3FB8] =	sst s10  }
0x35: {  	s10 =	sld [smem:$0x3FB7];
	_ =	sdelay $0x3  }
0x36: {  	p1 =	seq.s32 s10, $0x1;
	s10 =	sld [smem:$0x3FB8];
	_ =	sdelay $0x3  }
0x37: {  	[smem:$0x3FB8] =	sst s10  }
0x38: {  	s10 =	sld [smem:$0x3FB9]  }
0x39: {  	_ = 	snop;
	(pc) =	sbr.ind lr, $3  }
0x3a: {  	_ = 	snop  }
0x3b: {  	_ = 	snop  }
0x3c: {  	p2 =	seq.s32 s10, $0x1;
	s10 =	sld [smem:$0x3FB8]  }
0x3d: {  	_ =	shalt  }
0x3e: {  	_ =	shalt  }
0x3f: {  	_ =	shalt  }
0x40: {  	_ =	shalt  }
0x41: {  	_ =	shalt  }
0x42: {  	_ =	shalt  }
0x43: {  	_ =	shalt  }
0x44: {  	_ =	shalt  }
0x45: {  	_ =	shalt  }
0x46: {  	_ =	shalt  }
0x47: {  	_ =	shalt  }
0x48: {  	_ =	shalt  }
0x49: {  	_ =	shalt  }
0x4a: {  	_ =	shalt  }
0x4b: {  	_ =	shalt  }
0x4c: {  	_ =	shalt  }
0x4d: {  	_ =	shalt  }
0x4e: {  	_ =	shalt  }
0x4f: {  	_ =	shalt  }
0x50: {  	_ =	shalt  }
0x51: {  	_ =	shalt  }
0x52: {  	_ =	shalt  }
0x53: {  	_ =	shalt  }
0x54: {  	_ =	shalt  }
0x55: {  	_ =	shalt  }
0x56: {  	_ =	shalt  }
0x57: {  	_ =	shalt  }
0x58: {  	_ =	shalt  }
0x59: {  	_ =	shalt  }
0x5a: {  	_ =	shalt  }
0x5b: {  	_ =	shalt  }
0x5c: {  	_ =	shalt  }
0x5d: {  	_ =	shalt  }
0x5e: {  	_ =	shalt  }
0x5f: {  	_ =	shalt  }
0x60: {  	_ =	shalt  }
0x61: {  	_ =	shalt  }
0x62: {  	_ =	shalt  }
0x63: {  	_ =	shalt  }
0x64: {  	_ =	shalt  }
0x65: {  	_ =	shalt  }
0x66: {  	_ =	shalt  }
0x67: {  	_ =	shalt  }
0x68: {  	_ =	shalt  }
0x69: {  	_ =	shalt  }
0x6a: {  	_ =	shalt  }
0x6b: {  	_ =	shalt  }
0x6c: {  	_ =	shalt  }
0x6d: {  	_ =	shalt  }
0x6e: {  	_ =	shalt  }
0x6f: {  	_ =	shalt  }
0x70: {  	_ =	shalt  }
0x71: {  	_ =	shalt  }
0x72: {  	_ =	shalt  }
0x73: {  	_ =	shalt  }
0x74: {  	_ =	shalt  }
0x75: {  	_ =	shalt  }
0x76: {  	_ =	shalt  }
0x77: {  	_ =	shalt  }
0x78: {  	_ =	shalt  }
0x79: {  	_ =	shalt  }
0x7a: {  	_ =	shalt  }
0x7b: {  	_ =	shalt  }
0x7c: {  	_ =	shalt  }
0x7d: {  	_ =	shalt  }
0x7e: {  	_ =	shalt  }
0x7f: {  	_ =	shalt  }
0x80: {  	_ =	shalt  }
0x81: {  	_ =	shalt  }
0x82: {  	_ =	shalt  }
0x83: {  	_ =	shalt  }
0x84: {  	_ =	shalt  }
0x85: {  	_ =	shalt  }
0x86: {  	_ =	shalt  }
0x87: {  	_ =	shalt  }
.Lfunc_end0:
.L_simem_size_0:
called_computation_lowered:
.L_overlay_start_0:
0x88: {  	s2 =	sld [smem:$0x3FD9]  }
0x89: {  	s3 =	sld [smem:$0x3FFE];
	_ =	sdelay $0x1  }
0x8a: {  	s1 =	srdreg.scid  }
0x8b: {  	s0 =	sand.u32 $0x1, s1  }
0x8c: {  	s18 =	sshll.u32 s0, $0xA;
	s2 =	sadd.s32 s3, s2  }
0x8d: {  	s2 =	sadd.s32 s2, s18  }
0x8e: {  	[smem:$0x3FC4] =	sst s2  }
0x8f: {  	_ = 	snop  }
0x90: {  	s2 =	sld [smem:$0x3FC9]  }
0x91: {  	s19 =	sld [smem:$0x3FC8]  }
0x92: {  	s4 =	sld [smem:$0x3FC7]  }
0x93: {  	s5 =	sld [smem:$0x3FC6]  }
0x94: {  	s6 =	sld [smem:$0x3FD0];
	(tm) =	ssettm $0x1  }
0x95: {  	s7 =	sld [smem:$0x3FFB];
	_ =	sdelay $0x3  }
0x96: {  	_ =	strace s7  }
0x97: {  	s7 =	sld [smem:$0x3FFC];
	_ =	sdelay $0x3  }
0x98: {  	_ =	strace s7  }
0x99: {  	s7 =	sld [smem:$0x3FFD];
	_ =	sdelay $0x3  }
0x9a: {  	_ =	strace s7  }
0x9b: {  	_ =	strace $0x8FFFFFFF  }
0x9c: {  	s20 =	sld [smem:$0x3FDB];
	_ =	sdelay $0x1  }
0x9d: {  	s8 =	simm.s32 $_scs_section_size  }
0x9e: {  	s9 =	simm.s32 $_size__tile_overlayer_lowered;
	s10 =	simm.s32 $_tile_overlayer_lowered  }
0x9f: {  	s23 =	simm.s32 $0x1BFF;
	s22 =	sshll.u32 s10, $0x1;
	s7 =	sadd.s32 s8, s20  }
0xa0: {  	s11 =	simm.s32 $0x0;
	s21 =	sshll.u32 s9, $0x1;
	s9 =	sadd.s32 s22, s7  }
0xa1: {  	[timem:s11], [sflag:s23] =	dma.local [hbm:s9], s21  }
0xa2: {  	_ =	swait.ge [sflag:s23], s21  }
0xa3: {  	s8 =	ssub.s32 $0x0, s21;
	[sflag:s23] =	ssyncset.done $0x0  }
0xa4: {  	[sflag:s23] =	ssyncadd.s32 s8;
	_ =	sdelay $0x1  }
0xa5: {  	s24 =	simm.s32 $0x1B8B  }
0xa6: {  	_ =	swait.ge [sflag:s24], $0x1  }
0xa7: {  	[sflag:s24] =	ssyncset.done $0x0  }
0xa8: {  	s25 =	simm.s32 $0x1B8E;
	[sflag:s24] =	ssyncadd.s32 $0xFFFFFFFF  }
0xa9: {  	s26 =	simm.s32 $execute0_lowered;
	[smem:$0x3FD2] =	sst s25  }
0xaa: {  	s8 =	sshll.u32 s26, $0x1;
	_ =	strace $0x80000046;
	[dreg:$0x1] =	wrdreg $0xFFFFFFFF  }
0xab: {  	s28 =	simm.s32 $_size_execute0_lowered;
	s7 =	sadd.s32 s7, s8;
	[dreg:$0x0] =	wrdreg $0x0  }
0xac: {  	s8 =	sshll.u32 s28, $0x1;
	[dreg:$0x2] =	wrdreg s7  }
0xad: {  	[dreg:$0x3] =	wrdreg s8  }
0xae: {  	[dreg:$0x4] =	wrdreg $0xC0  }
0xaf: {  	_ =	task [dreg:s11], $0x5FFFF  }
0xb0: {  	[dreg:$0x1] =	wrdreg $0xFFFFFFFF  }
0xb1: {  	[dreg:$0x0] =	wrdreg $0x60  }
0xb2: {  	[dreg:$0x2] =	wrdreg s2  }
0xb3: {  	[dreg:$0x3] =	wrdreg s19  }
0xb4: {  	[dreg:$0x4] =	wrdreg s4  }
0xb5: {  	[dreg:$0x5] =	wrdreg s5  }
0xb6: {  	[dreg:$0x6] =	wrdreg s6  }
0xb7: {  	[dreg:$0x7] =	wrdreg $0x9  }
0xb8: {  	_ =	task.clear_ibuf [dreg:s11], $0x8FFFF;
	_ =	strace $0x90000046  }
0xb9: {  	s29 =	simm.s32 $0x9;
	_ =	strace $0x80000048  }
0xba: {  	_ =	swait.ge [sflag:s29], $0x1  }
0xbb: {  	[sflag:s29] =	ssyncadd.s32 $0xFFFFFFFF  }
0xbc: {  	_ =	strace $0x90000048  }
0xbd: {  	_ =	sfence  }
0xbe: {  	s30 =	sld [smem:$0x0];
	_ =	sdelay $0x2  }
0xbf: {  	s31 =	sshll.u32 s1, $0xD;
	s1 =	sshrl.u32 s1, $0x2  }
0xc0: {  	s3 =	sand.u32 $0x4000, s31;
	s1 =	sadd.s32 s1, s30  }
0xc1: {  	s0 =	sor.u32 s3, s0;
	s1 =	sshll.u32 s1, $0x11  }
0xc2: {  	s0 =	sor.u32 s1, s0  }
0xc3: {  	s0 =	sadd.s32 $0x8F2B, s0  }
0xc4: {  	[sflag:s0] =	ssyncadd.remote.s32 $0x1  }
0xc5: {  	_ =	sfence.sel $0xFFFF  }
0xc6: {  	[dreg:$0x0] =	wrdreg $0xFFFFFFFF;
	(pc) =	sbr.abs _section_cstart, $3  }
0xc7: {  	[dreg:$0x1] =	wrdreg $0xFFFFFFFF  }
0xc8: {  	_ =	task.clear_ibuf [dreg:s11], $0x2FFFF;
	_ =	strace $0x9FFFFFFF  }
0xc9: {  	(tm) =	ssettm $0x7FFFFFFF  }
tec
execute0_lowered:
.L_overlay_start_1:
0x0: {  	(tag) =	ssettag $0x1  }
0x1: {  	s0 =	rddreg [dreg:$0x0]  }
0x2: {  	s1 =	rddreg [dreg:$0x1]  }
0x3: {  	s12 =	rddreg [dreg:$0x2]  }
0x4: {  	s13 =	rddreg [dreg:$0x3]  }
0x5: {  	s2 =	rddreg [dreg:$0x4]  }
0x6: {  	s3 =	srdreg.scid;
	s7 =	simm.s32 $0x0;
	s6 =	stileid.u32  }
0x7: {  	s10 =	simm.s32 $0x7A1400;
	s17 =	simm.s32 $0x2E00;
	s8 =	simm.s32 $0xAE00  }
0x8: {  	s14 =	simm.s32 $0xB600;
	s15 =	simm.s32 $0x3E00;
	s11 =	simm.s32 $0xBE00  }
0x9: {  	s19 =	simm.s32 $0xC600;
	s20 =	simm.s32 $0x4E00;
	s21 =	simm.s32 $0xCE00  }
0xa: {  	s23 =	simm.s32 $0x5600;
	s24 =	simm.s32 $0xD600;
	s28 =	simm.s32 $0xDE00  }
0xb: {  	s30 =	simm.s32 $0x6600;
	s18 =	simm.s32 $0xE600;
	s16 =	simm.s32 $0x400  }
0xc: {  	s31 =	simm.s32 $0x0;
	s3 =	sand.u32 $0x1, s3;
	[smem:$0x7FF] =	sst s7  }
0xd: {  	v0 =	vlaneseq.u32;
	s6 =	sshll.u32 s6, $0x7;
	s4 =	ssub.s32 $0x2, s3;
	s3 =	sshll.u32 s3, $0x6  }
0xe: {  	v0 =	vmul.u32 $0x80, v0;
	_ =	strace $0x80000047;
	[smem:$0x7FD] =	sst s31;
	s5 =	sshrl.u32 s4, $0x1  }
0xf: {  	s3 =	sor.u32 s3, s6;
	s6 =	simm.s32 $0x1E00;
	s4 =	ssub.s32 s4, s5  }
0x10: {  	v1 =	vor.u32 $0x1, v0;
	v2 =	vor.u32 $0x2, v0;
	v3 =	vor.u32 $0x3, v0;
	s0 =	sadd.s32 s0, s3;
	s25 =	sadd.s32 s1, s3;
	s26 =	sadd.s32 s2, s3  }
0x11: {  	v4 =	vor.u32 $0x4, v0;
	v5 =	vor.u32 $0x5, v0;
	v6 =	vor.u32 $0x6, v0;
	s1 =	simm.s32 $0x11;
	s2 =	simm.s32 $0x9E00;
	[smem:$0x7F9] =	sst s0  }
0x12: {  	v7 =	vor.u32 $0x7, v0;
	v8 =	vor.u32 $0x8, v0;
	v9 =	vor.u32 $0x9, v0;
	s3 =	simm.s32 $0x2600;
	s5 =	simm.s32 $0x3600;
	[smem:$0x7FA] =	sst s25  }
0x13: {  	v10 =	vor.u32 $0xA, v0;
	v11 =	vor.u32 $0xB, v0;
	v12 =	vor.u32 $0xC, v0;
	[smem:$0x7FB] =	sst s26;
	s29 =	smax.u32 s4, $0x1;
	s4 =	simm.s32 $0xA600  }
0x14: {  	v13 =	vor.u32 $0xD, v0;
	v14 =	vor.u32 $0xE, v0;
	v15 =	vor.u32 $0xF, v0;
	s25 =	simm.s32 $0x4600;
	s26 =	simm.s32 $0x5E00;
	[smem:$0x7FC] =	sst s29  }
.LBB2_1:
0x15: {  	s0 =	sld [smem:$0x7F9];
	_ =	sdelay $0x2  }
0x16: {  	[tilespmem:s7], [sflag:$0x11] =	stream.linear.gather [hbm4b:s0+s7], $0x200, $0x38;
	[tilespmem:$0x10E00] =	vst v63  }
0x17: {  	_ =	swait.ge [sflag:s1], $0x200  }
0x18: {  	s0 =	sld [smem:$0x7FA]  }
0x19: {  	[sflag:s1] =	ssyncset.done $0x0  }
0x1a: {  	s29 =	simm.s32 $0x200;
	[sflag:s1] =	ssyncadd.s32 $0xFFFFFE00  }
0x1b: {  	[tilespmem:s29], [sflag:$0x11] =	stream.linear.gather [hbm4b:s0+s7], $0x200, $0x38;
	[tilespmem:$0x10E00] =	vst v63  }
0x1c: {  	_ =	swait.ge [sflag:s1], $0x200  }
0x1d: {  	[sflag:s1] =	ssyncset.done $0x0  }
0x1e: {  	[sflag:s1] =	ssyncadd.s32 $0xFFFFFE00  }
0x1f: {  	v17 =	vld [tilespmem:$0x0];
	_ =	sdelay $0x1  }
0x20: {  	v16 =	vld [tilespmem:$0x200];
	_ =	sdelay $0x2  }
0x21: {  	(v2sf) =	vpush v17, $0x0;
	_ =	sdelay $0x1  }
0x22: {  	(v2sf) =	vpush v16, $0x0;
	_ =	sdelay $0x4  }
0x23: {  	(v2sf) =	vpush v17, $0x1;
	_ =	sdelay $0x1  }
0x24: {  	(v2sf) =	vpush v16, $0x1;
	_ =	sdelay $0x2  }
0x25: {  	(v2sf) =	vpush v17, $0x2;
	_ =	sdelay $0x2  }
0x26: {  	(v2sf) =	vpush v16, $0x2;
	s1 =	spop (v2sf)  }
0x27: {  	s0 =	sand.u32 $0xFFFFF80, s1  }
0x28: {  	s22 =	simm.s32 $0xE00;
	s1 =	spop (v2sf);
	s0 =	sadd.s32 s12, s0  }
0x29: {  	(v2sf) =	vpush v17, $0x3;
	[tilespmem:s22], [sflag:$0x1] =	stream.strided.gather [hbm4b:s0+s16], $0x800, s10, s16, $0x38;
	[tilespmem:$0x10E00] =	vst v63  }
0x2a: {  	s0 =	sand.u32 $0xFFFFF80, s1  }
0x2b: {  	s9 =	simm.s32 $0x8E00;
	s0 =	sadd.s32 s13, s0  }
0x2c: {  	(v2sf) =	vpush v16, $0x3;
	[tilespmem:s9], [sflag:$0x1] =	stream.strided.gather [hbm4b:s0+s16], $0x800, s10, s16, $0x38;
	[tilespmem:$0x10E00] =	vst v63  }
0x2d: {  	s9 =	spop (v2sf)  }
0x2e: {  	s0 =	sand.u32 $0xFFFFF80, s9  }
0x2f: {  	s31 =	simm.s32 $0x1600;
	(v2sf) =	vpush v17, $0x4;
	s22 =	spop (v2sf);
	s0 =	sadd.s32 s12, s0  }
0x30: {  	[tilespmem:s31], [sflag:$0x2] =	stream.strided.gather [hbm4b:s0+s16], $0x800, s10, s16, $0x38;
	[tilespmem:$0x10E00] =	vst v63  }
0x31: {  	s0 =	sand.u32 $0xFFFFF80, s22  }
0x32: {  	(v2sf) =	vpush v16, $0x4;
	s9 =	spop (v2sf);
	s31 =	simm.s32 $0x9600;
	s0 =	sadd.s32 s13, s0  }
0x33: {  	[tilespmem:s31], [sflag:$0x2] =	stream.strided.gather [hbm4b:s0+s16], $0x800, s10, s16, $0x38;
	[tilespmem:$0x10E00] =	vst v63  }
0x34: {  	s0 =	sand.u32 $0xFFFFF80, s9  }
0x35: {  	(v2sf) =	vpush v17, $0x5;
	s22 =	spop (v2sf);
	s0 =	sadd.s32 s12, s0  }
0x36: {  	[tilespmem:s6], [sflag:$0x3] =	stream.strided.gather [hbm4b:s0+s16], $0x800, s10, s16, $0x38;
	[tilespmem:$0x10E00] =	vst v63  }
0x37: {  	s0 =	sand.u32 $0xFFFFF80, s22  }
0x38: {  	(v2sf) =	vpush v16, $0x5;
	s31 =	spop (v2sf);
	s0 =	sadd.s32 s13, s0  }
0x39: {  	[tilespmem:s2], [sflag:$0x3] =	stream.strided.gather [hbm4b:s0+s16], $0x800, s10, s16, $0x38;
	[tilespmem:$0x10E00] =	vst v63  }
0x3a: {  	s0 =	sand.u32 $0xFFFFF80, s31  }
0x3b: {  	(v2sf) =	vpush v17, $0x6;
	s1 =	spop (v2sf);
	s0 =	sadd.s32 s12, s0  }
0x3c: {  	[tilespmem:s3], [sflag:$0x4] =	stream.strided.gather [hbm4b:s0+s16], $0x800, s10, s16, $0x38;
	[tilespmem:$0x10E00] =	vst v63  }
0x3d: {  	s0 =	sand.u32 $0xFFFFF80, s1  }
0x3e: {  	(v2sf) =	vpush v16, $0x6;
	s2 =	spop (v2sf);
	s0 =	sadd.s32 s13, s0  }
0x3f: {  	[tilespmem:s4], [sflag:$0x4] =	stream.strided.gather [hbm4b:s0+s16], $0x800, s10, s16, $0x38;
	[tilespmem:$0x10E00] =	vst v63  }
0x40: {  	s0 =	sand.u32 $0xFFFFF80, s2  }
0x41: {  	(v2sf) =	vpush v17, $0x7;
	s3 =	spop (v2sf);
	s0 =	sadd.s32 s12, s0  }
0x42: {  	[tilespmem:s17], [sflag:$0x5] =	stream.strided.gather [hbm4b:s0+s16], $0x800, s10, s16, $0x38;
	[tilespmem:$0x10E00] =	vst v63  }
0x43: {  	s0 =	sand.u32 $0xFFFFF80, s3  }
0x44: {  	(v2sf) =	vpush v16, $0x7;
	s4 =	spop (v2sf);
	s0 =	sadd.s32 s13, s0  }
0x45: {  	[tilespmem:s8], [sflag:$0x5] =	stream.strided.gather [hbm4b:s0+s16], $0x800, s10, s16, $0x38;
	[tilespmem:$0x10E00] =	vst v63  }
0x46: {  	s0 =	sand.u32 $0xFFFFF80, s4  }
0x47: {  	(v2sf) =	vpush v17, $0x8;
	s6 =	spop (v2sf);
	s0 =	sadd.s32 s12, s0  }
0x48: {  	[tilespmem:s5], [sflag:$0x6] =	stream.strided.gather [hbm4b:s0+s16], $0x800, s10, s16, $0x38;
	[tilespmem:$0x10E00] =	vst v63  }
0x49: {  	s0 =	sand.u32 $0xFFFFF80, s6  }
0x4a: {  	(v2sf) =	vpush v16, $0x8;
	s8 =	spop (v2sf);
	s0 =	sadd.s32 s13, s0  }
0x4b: {  	[tilespmem:s14], [sflag:$0x6] =	stream.strided.gather [hbm4b:s0+s16], $0x800, s10, s16, $0x38;
	[tilespmem:$0x10E00] =	vst v63  }
0x4c: {  	s0 =	sand.u32 $0xFFFFF80, s8  }
0x4d: {  	(v2sf) =	vpush v17, $0x9;
	s9 =	spop (v2sf);
	s0 =	sadd.s32 s12, s0  }
0x4e: {  	[tilespmem:s15], [sflag:$0x7] =	stream.strided.gather [hbm4b:s0+s16], $0x800, s10, s16, $0x38;
	[tilespmem:$0x10E00] =	vst v63  }
0x4f: {  	s0 =	sand.u32 $0xFFFFF80, s9  }
0x50: {  	(v2sf) =	vpush v16, $0x9;
	s14 =	spop (v2sf);
	s0 =	sadd.s32 s13, s0  }
0x51: {  	[tilespmem:s11], [sflag:$0x7] =	stream.strided.gather [hbm4b:s0+s16], $0x800, s10, s16, $0x38;
	[tilespmem:$0x10E00] =	vst v63  }
0x52: {  	s0 =	sand.u32 $0xFFFFF80, s14  }
0x53: {  	(v2sf) =	vpush v17, $0xA;
	s15 =	spop (v2sf);
	s0 =	sadd.s32 s12, s0  }
0x54: {  	[tilespmem:s25], [sflag:$0x8] =	stream.strided.gather [hbm4b:s0+s16], $0x800, s10, s16, $0x38;
	[tilespmem:$0x10E00] =	vst v63  }
0x55: {  	s0 =	sand.u32 $0xFFFFF80, s15  }
0x56: {  	(v2sf) =	vpush v16, $0xA;
	s17 =	spop (v2sf);
	s0 =	sadd.s32 s13, s0  }
0x57: {  	[tilespmem:s19], [sflag:$0x8] =	stream.strided.gather [hbm4b:s0+s16], $0x800, s10, s16, $0x38;
	[tilespmem:$0x10E00] =	vst v63  }
0x58: {  	s0 =	sand.u32 $0xFFFFF80, s17  }
0x59: {  	(v2sf) =	vpush v17, $0xB;
	s19 =	spop (v2sf);
	s0 =	sadd.s32 s12, s0  }
0x5a: {  	[tilespmem:s20], [sflag:$0x9] =	stream.strided.gather [hbm4b:s0+s16], $0x800, s10, s16, $0x38;
	[tilespmem:$0x10E00] =	vst v63  }
0x5b: {  	s0 =	sand.u32 $0xFFFFF80, s19  }
0x5c: {  	(v2sf) =	vpush v16, $0xB;
	s20 =	spop (v2sf);
	s0 =	sadd.s32 s13, s0  }
0x5d: {  	[tilespmem:s21], [sflag:$0x9] =	stream.strided.gather [hbm4b:s0+s16], $0x800, s10, s16, $0x38;
	[tilespmem:$0x10E00] =	vst v63  }
0x5e: {  	s0 =	sand.u32 $0xFFFFF80, s20  }
0x5f: {  	(v2sf) =	vpush v17, $0xC;
	s21 =	spop (v2sf);
	s0 =	sadd.s32 s12, s0  }
0x60: {  	[tilespmem:s23], [sflag:$0xA] =	stream.strided.gather [hbm4b:s0+s16], $0x800, s10, s16, $0x38;
	[tilespmem:$0x10E00] =	vst v63  }
0x61: {  	s0 =	sand.u32 $0xFFFFF80, s21  }
0x62: {  	(v2sf) =	vpush v16, $0xC;
	s22 =	spop (v2sf);
	s0 =	sadd.s32 s13, s0  }
0x63: {  	[tilespmem:s24], [sflag:$0xA] =	stream.strided.gather [hbm4b:s0+s16], $0x800, s10, s16, $0x38;
	[tilespmem:$0x10E00] =	vst v63  }
0x64: {  	s0 =	sand.u32 $0xFFFFF80, s22  }
0x65: {  	(v2sf) =	vpush v17, $0xD;
	s23 =	spop (v2sf);
	s0 =	sadd.s32 s12, s0  }
0x66: {  	[tilespmem:s26], [sflag:$0xB] =	stream.strided.gather [hbm4b:s0+s16], $0x800, s10, s16, $0x38;
	[tilespmem:$0x10E00] =	vst v63  }
0x67: {  	s0 =	sand.u32 $0xFFFFF80, s23  }
0x68: {  	(v2sf) =	vpush v16, $0xD;
	s24 =	spop (v2sf);
	s0 =	sadd.s32 s13, s0  }
0x69: {  	[tilespmem:s28], [sflag:$0xB] =	stream.strided.gather [hbm4b:s0+s16], $0x800, s10, s16, $0x38;
	[tilespmem:$0x10E00] =	vst v63  }
0x6a: {  	s0 =	sand.u32 $0xFFFFF80, s24  }
0x6b: {  	(v2sf) =	vpush v17, $0xE;
	s25 =	spop (v2sf);
	s0 =	sadd.s32 s12, s0  }
0x6c: {  	[tilespmem:s30], [sflag:$0xC] =	stream.strided.gather [hbm4b:s0+s16], $0x800, s10, s16, $0x38;
	[tilespmem:$0x10E00] =	vst v63  }
0x6d: {  	s0 =	sand.u32 $0xFFFFF80, s25  }
0x6e: {  	(v2sf) =	vpush v16, $0xE;
	s26 =	spop (v2sf);
	s0 =	sadd.s32 s13, s0  }
0x6f: {  	[tilespmem:s18], [sflag:$0xC] =	stream.strided.gather [hbm4b:s0+s16], $0x800, s10, s16, $0x38;
	[tilespmem:$0x10E00] =	vst v63  }
0x70: {  	s0 =	sand.u32 $0xFFFFF80, s26  }
0x71: {  	(v2sf) =	vpush v17, $0xF;
	s28 =	simm.s32 $0x6E00;
	s30 =	spop (v2sf);
	s0 =	sadd.s32 s12, s0  }
0x72: {  	[tilespmem:s28], [sflag:$0xD] =	stream.strided.gather [hbm4b:s0+s16], $0x800, s10, s16, $0x38;
	[tilespmem:$0x10E00] =	vst v63  }
0x73: {  	s0 =	sand.u32 $0xFFFFF80, s30  }
0x74: {  	s31 =	simm.s32 $0xEE00;
	(v2sf) =	vpush v16, $0xF;
	s1 =	spop (v2sf);
	s0 =	sadd.s32 s13, s0  }
0x75: {  	[tilespmem:s31], [sflag:$0xD] =	stream.strided.gather [hbm4b:s0+s16], $0x800, s10, s16, $0x38;
	[tilespmem:$0x10E00] =	vst v63  }
0x76: {  	s0 =	sand.u32 $0xFFFFF80, s1  }
0x77: {  	s2 =	simm.s32 $0x7600;
	s3 =	spop (v2sf);
	s0 =	sadd.s32 s12, s0  }
0x78: {  	[tilespmem:s2], [sflag:$0xE] =	stream.strided.gather [hbm4b:s0+s16], $0x800, s10, s16, $0x38;
	[tilespmem:$0x10E00] =	vst v63  }
0x79: {  	s0 =	sand.u32 $0xFFFFF80, s3  }
0x7a: {  	s4 =	simm.s32 $0xF600;
	s5 =	spop (v2sf);
	s0 =	sadd.s32 s13, s0  }
0x7b: {  	[tilespmem:s4], [sflag:$0xE] =	stream.strided.gather [hbm4b:s0+s16], $0x800, s10, s16, $0x38;
	[tilespmem:$0x10E00] =	vst v63  }
0x7c: {  	s0 =	sand.u32 $0xFFFFF80, s5  }
0x7d: {  	s6 =	simm.s32 $0x7E00;
	s8 =	spop (v2sf);
	s0 =	sadd.s32 s12, s0  }
0x7e: {  	[tilespmem:s6], [sflag:$0xF] =	stream.strided.gather [hbm4b:s0+s16], $0x800, s10, s16, $0x38;
	[tilespmem:$0x10E00] =	vst v63  }
0x7f: {  	s0 =	sand.u32 $0xFFFFF80, s8  }
0x80: {  	s9 =	simm.s32 $0xFE00;
	s11 =	spop (v2sf);
	s0 =	sadd.s32 s13, s0  }
0x81: {  	[tilespmem:s9], [sflag:$0xF] =	stream.strided.gather [hbm4b:s0+s16], $0x800, s10, s16, $0x38;
	[tilespmem:$0x10E00] =	vst v63  }
0x82: {  	s0 =	sand.u32 $0xFFFFF80, s11  }
0x83: {  	s14 =	simm.s32 $0x8600;
	s15 =	spop (v2sf);
	s0 =	sadd.s32 s12, s0  }
0x84: {  	[tilespmem:s14], [sflag:$0x10] =	stream.strided.gather [hbm4b:s0+s16], $0x800, s10, s16, $0x38;
	[tilespmem:$0x10E00] =	vst v63  }
0x85: {  	s29 =	simm.s32 $0x200;
	s0 =	sand.u32 $0xFFFFF80, s15  }
0x86: {  	s17 =	simm.s32 $0x10600;
	s19 =	simm.s32 $0x1;
	s0 =	sadd.s32 s13, s0  }
0x87: {  	[tilespmem:s17], [sflag:$0x10] =	stream.strided.gather [hbm4b:s0+s16], $0x800, s10, s16, $0x38;
	[tilespmem:$0x10E00] =	vst v63  }
0x88: {  	s20 =	smin.u32 s19, $0x1F;
	v16 =	vld [tilespmem:s29+$0x0]  }
0x89: {  	s0 =	sshll.u32 s20, $0x4;
	v19 =	vld [tilespmem:s7+$0x0]  }
0x8a: {  	s18 =	simm.s32 $0x200;
	v18 =	vld [tilespmem:s0+$0x0]  }
0x8b: {  	[dreg:$0x6] =	wrdreg s18;
	v17 =	vld [tilespmem:s0+$0x200]  }
0x8c: {  	_ =	swait.ge [sflag:s19], $0x800  }
0x8d: {  	(v2sf) =	vpush v16, $0x0  }
0x8e: {  	(v2sf) =	vpush v19, $0x0  }
0x8f: {  	(v2sf) =	vpush v18, $0x0  }
0x90: {  	(v2sf) =	vpush v17, $0x0;
	_ =	sdelay $0x1  }
0x91: {  	(v2sf) =	vpush v19, $0x1  }
0x92: {  	(v2sf) =	vpush v16, $0x1  }
0x93: {  	(v2sf) =	vpush v18, $0x1  }
0x94: {  	(v2sf) =	vpush v17, $0x1  }
0x95: {  	(v2sf) =	vpush v19, $0x2  }
0x96: {  	(v2sf) =	vpush v16, $0x2  }
0x97: {  	(v2sf) =	vpush v18, $0x2  }
0x98: {  	(v2sf) =	vpush v17, $0x2  }
0x99: {  	(v2sf) =	vpush v19, $0x3  }
0x9a: {  	(v2sf) =	vpush v16, $0x3  }
0x9b: {  	(v2sf) =	vpush v18, $0x3;
	s21 =	spop (v2sf)  }
0x9c: {  	(v2sf) =	vpush v17, $0x3;
	s22 =	spop (v2sf)  }
0x9d: {  	[sflag:s19] =	ssyncset.done $0x0;
	(v2sf) =	vpush v19, $0x4;
	s23 =	spop (v2sf)  }
0x9e: {  	[sflag:s19] =	ssyncadd.s32 $0xFFFFF800;
	s0 =	sand.u32 $0x7F, s21;
	s25 =	spop (v2sf);
	(v2sf) =	vpush v16, $0x4  }
0x9f: {  	s1 =	sand.u32 $0x7F, s22;
	v20 =	vor.u32 s0, v0;
	_ =	swait.ge [sflag:s19], $0x800  }
0xa0: {  	v21 =	vor.u32 s1, v0;
	s29 =	spop (v2sf)  }
0xa1: {  	(v2sf) =	vpush v18, $0x4;
	s30 =	spop (v2sf)  }
0xa2: {  	[sflag:s19] =	ssyncset.done $0x0;
	(v2sf) =	vpush v17, $0x4;
	s17 =	spop (v2sf)  }
0xa3: {  	s31 =	simm.s32 $0x8E00;
	[sflag:s19] =	ssyncadd.s32 $0xFFFFF800;
	(v2sf) =	vpush v19, $0x5;
	s20 =	spop (v2sf)  }
0xa4: {  	s18 =	simm.s32 $0xE00;
	v20 =	vld.idx.msk [tilespmem:v20+s31+$0x0], $0xffff;
	(v2sf) =	vpush v16, $0x5;
	s26 =	spop (v2sf)  }
0xa5: {  	v21 =	vld.idx.msk [tilespmem:v21+s18+$0x0], $0xffff;
	(v2sf) =	vpush v18, $0x5;
	s28 =	spop (v2sf)  }
0xa6: {  	(v2sf) =	vpush v17, $0x5;
	s24 =	spop (v2sf)  }
0xa7: {  	(v2sf) =	vpush v19, $0x6;
	s22 =	spop (v2sf)  }
0xa8: {  	(v2sf) =	vpush v16, $0x6;
	s1 =	spop (v2sf)  }
0xa9: {  	(v2sf) =	vpush v18, $0x6;
	s2 =	spop (v2sf)  }
0xaa: {  	v20 =	vmul.f32 v20, v21;
	(v2sf) =	vpush v17, $0x6;
	s15 =	spop (v2sf)  }
0xab: {  	s19 =	sand.u32 $0xFFFFF80, s23;
	s3 =	spop (v2sf);
	(v2sf) =	vpush v19, $0x7  }
0xac: {  	s4 =	sand.u32 $0xFFFFF80, s25;
	s21 =	sadd.s32 s12, s19;
	[tilespmem:$0x600] =	vst v20;
	s6 =	spop (v2sf);
	(v2sf) =	vpush v16, $0x7  }
0xad: {  	[tilespmem:s18], [sflag:$0x1] =	stream.strided.gather [hbm4b:s21+s16], $0x800, s10, s16, $0x38;
	(v2sf) =	vpush v18, $0x7;
	[tilespmem:$0x10E00] =	vst v63  }
0xae: {  	s25 =	simm.s32 $0x2;
	s23 =	sadd.s32 s13, s4;
	s4 =	spop (v2sf);
	(v2sf) =	vpush v17, $0x7  }
0xaf: {  	[tilespmem:s31], [sflag:$0x1] =	stream.strided.gather [hbm4b:s23+s16], $0x800, s10, s16, $0x38;
	(v2sf) =	vpush v19, $0x8;
	[tilespmem:$0x10E00] =	vst v63  }
0xb0: {  	_ =	swait.ge [sflag:s25], $0x800  }
0xb1: {  	s9 =	spop (v2sf)  }
0xb2: {  	s7 =	sand.u32 $0x7F, s30;
	(v2sf) =	vpush v16, $0x8;
	[sflag:s25] =	ssyncset.done $0x0;
	s8 =	spop (v2sf)  }
0xb3: {  	s5 =	sand.u32 $0x7F, s29;
	v21 =	vor.u32 s7, v0;
	[sflag:s25] =	ssyncadd.s32 $0xFFFFF800;
	(v2sf) =	vpush v18, $0x8;
	s7 =	spop (v2sf)  }
0xb4: {  	v20 =	vor.u32 s5, v0;
	_ =	swait.ge [sflag:s25], $0x800  }
0xb5: {  	s5 =	spop (v2sf)  }
0xb6: {  	s11 =	spop (v2sf)  }
0xb7: {  	[sflag:s25] =	ssyncset.done $0x0;
	s13 =	spop (v2sf)  }
0xb8: {  	s29 =	simm.s32 $0x1600;
	[sflag:s25] =	ssyncadd.s32 $0xFFFFF800;
	s12 =	spop (v2sf)  }
0xb9: {  	s18 =	simm.s32 $0x9600;
	v20 =	vld.idx.msk [tilespmem:v20+s29+$0x0], $0xffff;
	s31 =	spop (v2sf)  }
0xba: {  	v21 =	vld.idx.msk [tilespmem:v21+s18+$0x0], $0xffff;
	s25 =	spop (v2sf)  }
0xbb: {  	(v2sf) =	vpush v17, $0x8;
	s19 =	spop (v2sf)  }
0xbc: {  	(v2sf) =	vpush v19, $0x9;
	s30 =	spop (v2sf)  }
0xbd: {  	s21 =	sand.u32 $0xFFFFF80, s17;
	(v2sf) =	vpush v16, $0x9;
	s17 =	spop (v2sf)  }
0xbe: {  	(v2sf) =	vpush v18, $0x9;
	s23 =	spop (v2sf)  }
0xbf: {  	(v2sf) =	vpush v17, $0x9;
	v20 =	vmul.f32 v21, v20;
	[smem:$0x7E2] =	sst s23  }
0xc0: {  	(v2sf) =	vpush v19, $0xA;
	s23 =	rddreg [dreg:$0x2]  }
0xc1: {  	(v2sf) =	vpush v16, $0xA;
	[tilespmem:$0x680] =	vst v20;
	s21 =	sadd.s32 s23, s21  }
0xc2: {  	(v2sf) =	vpush v18, $0xA;
	[tilespmem:s29], [sflag:$0x2] =	stream.strided.gather [hbm4b:s21+s16], $0x800, s10, s16, $0x38;
	[tilespmem:$0x10E00] =	vst v63  }
0xc3: {  	s20 =	sand.u32 $0xFFFFF80, s20;
	(v2sf) =	vpush v17, $0xA;
	s29 =	rddreg [dreg:$0x3]  }
0xc4: {  	(v2sf) =	vpush v19, $0xB;
	s23 =	spop (v2sf);
	s20 =	sadd.s32 s29, s20  }
0xc5: {  	(v2sf) =	vpush v16, $0xB;
	[tilespmem:s18], [sflag:$0x2] =	stream.strided.gather [hbm4b:s20+s16], $0x800, s10, s16, $0x38;
	[tilespmem:$0x10E00] =	vst v63  }
0xc6: {  	(v2sf) =	vpush v18, $0xB;
	s20 =	spop (v2sf)  }
0xc7: {  	(v2sf) =	vpush v17, $0xB;
	s21 =	spop (v2sf)  }
0xc8: {  	(v2sf) =	vpush v19, $0xC;
	s29 =	spop (v2sf)  }
0xc9: {  	(v2sf) =	vpush v16, $0xC;
	[smem:$0x7E3] =	sst s29;
	s29 =	simm.s32 $0x3  }
0xca: {  	_ =	swait.ge [sflag:s29], $0x800  }
0xcb: {  	s26 =	sand.u32 $0x7F, s26;
	s18 =	spop (v2sf)  }
0xcc: {  	s28 =	sand.u32 $0x7F, s28;
	v20 =	vor.u32 s26, v0;
	(v2sf) =	vpush v18, $0xC;
	[sflag:s29] =	ssyncset.done $0x0;
	s26 =	spop (v2sf)  }
0xcd: {  	v21 =	vor.u32 s28, v0;
	[smem:$0x7E4] =	sst s18;
	[sflag:s29] =	ssyncadd.s32 $0xFFFFF800;
	(v2sf) =	vpush v17, $0xC;
	s28 =	spop (v2sf)  }
0xce: {  	_ =	swait.ge [sflag:s29], $0x800  }
0xcf: {  	[sflag:s29] =	ssyncset.done $0x0  }
0xd0: {  	s0 =	simm.s32 $0x1E00;
	[sflag:s29] =	ssyncadd.s32 $0xFFFFF800  }
0xd1: {  	s14 =	simm.s32 $0x9E00;
	v20 =	vld.idx.msk [tilespmem:v20+s0+$0x0], $0xffff  }
0xd2: {  	v21 =	vld.idx.msk [tilespmem:v21+s14+$0x0], $0xffff;
	_ =	sdelay $0x4  }
0xd3: {  	v20 =	vmul.f32 v21, v20  }
0xd4: {  	s24 =	sand.u32 $0xFFFFF80, s24;
	s29 =	rddreg [dreg:$0x2]  }
0xd5: {  	s24 =	sadd.s32 s29, s24;
	[tilespmem:$0x700] =	vst v20  }
0xd6: {  	[tilespmem:s0], [sflag:$0x3] =	stream.strided.gather [hbm4b:s24+s16], $0x800, s10, s16, $0x38;
	[tilespmem:$0x10E00] =	vst v63  }
0xd7: {  	s22 =	sand.u32 $0xFFFFF80, s22;
	s0 =	rddreg [dreg:$0x3]  }
0xd8: {  	s22 =	sadd.s32 s0, s22  }
0xd9: {  	[tilespmem:s14], [sflag:$0x3] =	stream.strided.gather [hbm4b:s22+s16], $0x800, s10, s16, $0x38;
	[tilespmem:$0x10E00] =	vst v63  }
0xda: {  	s22 =	spop (v2sf)  }
0xdb: {  	(v2sf) =	vpush v19, $0xD;
	s24 =	spop (v2sf)  }
0xdc: {  	(v2sf) =	vpush v16, $0xD;
	s14 =	spop (v2sf)  }
0xdd: {  	(v2sf) =	vpush v18, $0xD;
	s29 =	spop (v2sf)  }
0xde: {  	s18 =	spop (v2sf)  }
0xdf: {  	[smem:$0x7E5] =	sst s18;
	s18 =	spop (v2sf)  }
0xe0: {  	(v2sf) =	vpush v17, $0xD;
	[smem:$0x7E6] =	sst s18;
	s18 =	spop (v2sf)  }
0xe1: {  	(v2sf) =	vpush v19, $0xE;
	[smem:$0x7E7] =	sst s18;
	s18 =	spop (v2sf)  }
0xe2: {  	(v2sf) =	vpush v16, $0xE;
	[smem:$0x7E8] =	sst s18;
	s18 =	spop (v2sf)  }
0xe3: {  	(v2sf) =	vpush v18, $0xE;
	[smem:$0x7E9] =	sst s18;
	s18 =	spop (v2sf)  }
0xe4: {  	(v2sf) =	vpush v17, $0xE;
	[smem:$0x7EA] =	sst s18;
	s18 =	spop (v2sf)  }
0xe5: {  	(v2sf) =	vpush v19, $0xF;
	[smem:$0x7EB] =	sst s18;
	s18 =	spop (v2sf)  }
0xe6: {  	(v2sf) =	vpush v16, $0xF;
	[smem:$0x7EC] =	sst s18;
	s18 =	spop (v2sf)  }
0xe7: {  	(v2sf) =	vpush v18, $0xF;
	[smem:$0x7ED] =	sst s18;
	s18 =	spop (v2sf)  }
0xe8: {  	s0 =	simm.s32 $0x4;
	(v2sf) =	vpush v17, $0xF;
	[smem:$0x7EE] =	sst s18  }
0xe9: {  	_ =	swait.ge [sflag:s0], $0x800  }
0xea: {  	s1 =	sand.u32 $0x7F, s1;
	s18 =	spop (v2sf)  }
0xeb: {  	v16 =	vor.u32 s1, v0;
	s1 =	sand.u32 $0x7F, s2;
	[smem:$0x7EF] =	sst s18;
	s18 =	spop (v2sf)  }
0xec: {  	[sflag:s0] =	ssyncset.done $0x0;
	[smem:$0x7F0] =	sst s18;
	s18 =	spop (v2sf)  }
0xed: {  	v17 =	vor.u32 s1, v0;
	[sflag:s0] =	ssyncadd.s32 $0xFFFFF800;
	[smem:$0x7F1] =	sst s18  }
0xee: {  	_ =	swait.ge [sflag:s0], $0x800  }
0xef: {  	[sflag:s0] =	ssyncset.done $0x0  }
0xf0: {  	s2 =	simm.s32 $0x2600;
	[sflag:s0] =	ssyncadd.s32 $0xFFFFF800  }
0xf1: {  	s18 =	simm.s32 $0xA600;
	v16 =	vld.idx.msk [tilespmem:v16+s2+$0x0], $0xffff  }
0xf2: {  	v17 =	vld.idx.msk [tilespmem:v17+s18+$0x0], $0xffff;
	_ =	sdelay $0x4  }
0xf3: {  	v16 =	vmul.f32 v17, v16  }
0xf4: {  	s1 =	sand.u32 $0xFFFFF80, s15;
	s15 =	rddreg [dreg:$0x2]  }
0xf5: {  	s3 =	sand.u32 $0xFFFFF80, s3;
	s0 =	sadd.s32 s15, s1;
	s15 =	rddreg [dreg:$0x3];
	[tilespmem:$0x780] =	vst v16  }
0xf6: {  	[tilespmem:s2], [sflag:$0x4] =	stream.strided.gather [hbm4b:s0+s16], $0x800, s10, s16, $0x38;
	[tilespmem:$0x10E00] =	vst v63  }
0xf7: {  	s0 =	sadd.s32 s15, s3  }
0xf8: {  	[tilespmem:s18], [sflag:$0x4] =	stream.strided.gather [hbm4b:s0+s16], $0x800, s10, s16, $0x38;
	[tilespmem:$0x10E00] =	vst v63  }
0xf9: {  	s18 =	spop (v2sf)  }
0xfa: {  	s1 =	spop (v2sf)  }
0xfb: {  	[smem:$0x7F2] =	sst s18;
	s18 =	spop (v2sf)  }
0xfc: {  	s2 =	spop (v2sf)  }
0xfd: {  	[smem:$0x7F3] =	sst s1;
	s3 =	spop (v2sf)  }
0xfe: {  	[smem:$0x7F4] =	sst s2;
	s15 =	spop (v2sf)  }
0xff: {  	[smem:$0x7F5] =	sst s3;
	s1 =	spop (v2sf)  }
0x100: {  	[smem:$0x7F6] =	sst s15;
	s15 =	spop (v2sf)  }
0x101: {  	[smem:$0x7F7] =	sst s1;
	s2 =	spop (v2sf)  }
0x102: {  	s3 =	sand.u32 $0x7F, s6;
	s6 =	simm.s32 $0x5;
	[smem:$0x7F8] =	sst s2  }
0x103: {  	_ =	swait.ge [sflag:s6], $0x800  }
0x104: {  	v16 =	vor.u32 s3, v0;
	s3 =	sand.u32 $0x7F, s4;
	[sflag:s6] =	ssyncset.done $0x0  }
0x105: {  	v17 =	vor.u32 s3, v0;
	[sflag:s6] =	ssyncadd.s32 $0xFFFFF800  }
0x106: {  	_ =	swait.ge [sflag:s6], $0x800  }
0x107: {  	[sflag:s6] =	ssyncset.done $0x0  }
0x108: {  	s2 =	simm.s32 $0x2E00;
	[sflag:s6] =	ssyncadd.s32 $0xFFFFF800  }
0x109: {  	s4 =	simm.s32 $0xAE00;
	v16 =	vld.idx.msk [tilespmem:v16+s2+$0x0], $0xffff  }
0x10a: {  	v17 =	vld.idx.msk [tilespmem:v17+s4+$0x0], $0xffff;
	_ =	sdelay $0x4  }
0x10b: {  	v16 =	vmul.f32 v17, v16  }
0x10c: {  	s6 =	sand.u32 $0xFFFFF80, s9;
	s1 =	rddreg [dreg:$0x2]  }
0x10d: {  	s8 =	sand.u32 $0xFFFFF80, s8;
	s3 =	rddreg [dreg:$0x3];
	s0 =	sadd.s32 s1, s6;
	[tilespmem:$0x800] =	vst v16  }
0x10e: {  	[tilespmem:s2], [sflag:$0x5] =	stream.strided.gather [hbm4b:s0+s16], $0x800, s10, s16, $0x38;
	[tilespmem:$0x10E00] =	vst v63  }
0x10f: {  	s9 =	simm.s32 $0xAE00;
	s6 =	simm.s32 $0x6;
	s0 =	sadd.s32 s3, s8  }
0x110: {  	[tilespmem:s9], [sflag:$0x5] =	stream.strided.gather [hbm4b:s0+s16], $0x800, s10, s16, $0x38;
	[tilespmem:$0x10E00] =	vst v63  }
0x111: {  	s4 =	sand.u32 $0x7F, s7;
	_ =	swait.ge [sflag:s6], $0x800  }
0x112: {  	s7 =	sand.u32 $0x7F, s5;
	v16 =	vor.u32 s4, v0;
	[sflag:s6] =	ssyncset.done $0x0  }
0x113: {  	v17 =	vor.u32 s7, v0;
	[sflag:s6] =	ssyncadd.s32 $0xFFFFF800  }
0x114: {  	_ =	swait.ge [sflag:s6], $0x800  }
0x115: {  	[sflag:s6] =	ssyncset.done $0x0  }
0x116: {  	s8 =	simm.s32 $0x3600;
	[sflag:s6] =	ssyncadd.s32 $0xFFFFF800  }
0x117: {  	s9 =	simm.s32 $0xB600;
	v16 =	vld.idx.msk [tilespmem:v16+s8+$0x0], $0xffff  }
0x118: {  	v17 =	vld.idx.msk [tilespmem:v17+s9+$0x0], $0xffff;
	_ =	sdelay $0x4  }
0x119: {  	v16 =	vmul.f32 v17, v16  }
0x11a: {  	s11 =	sand.u32 $0xFFFFF80, s11;
	s1 =	rddreg [dreg:$0x2]  }
0x11b: {  	s0 =	sadd.s32 s1, s11;
	s1 =	sand.u32 $0xFFFFF80, s13;
	s13 =	rddreg [dreg:$0x3];
	[tilespmem:$0x880] =	vst v16  }
0x11c: {  	[tilespmem:s8], [sflag:$0x6] =	stream.strided.gather [hbm4b:s0+s16], $0x800, s10, s16, $0x38;
	[tilespmem:$0x10E00] =	vst v63  }
0x11d: {  	s3 =	simm.s32 $0x7;
	s0 =	sadd.s32 s13, s1  }
0x11e: {  	[tilespmem:s9], [sflag:$0x6] =	stream.strided.gather [hbm4b:s0+s16], $0x800, s10, s16, $0x38;
	[tilespmem:$0x10E00] =	vst v63  }
0x11f: {  	s2 =	sand.u32 $0x7F, s12;
	s12 =	rddreg [dreg:$0x2];
	_ =	swait.ge [sflag:s3], $0x800  }
0x120: {  	s4 =	sand.u32 $0x7F, s31;
	v16 =	vor.u32 s2, v0;
	[sflag:s3] =	ssyncset.done $0x0  }
0x121: {  	v17 =	vor.u32 s4, v0;
	[sflag:s3] =	ssyncadd.s32 $0xFFFFF800  }
0x122: {  	_ =	swait.ge [sflag:s3], $0x800  }
0x123: {  	[sflag:s3] =	ssyncset.done $0x0  }
0x124: {  	s5 =	simm.s32 $0x3E00;
	[sflag:s3] =	ssyncadd.s32 $0xFFFFF800  }
0x125: {  	s6 =	simm.s32 $0xBE00;
	v16 =	vld.idx.msk [tilespmem:v16+s5+$0x0], $0xffff  }
0x126: {  	v17 =	vld.idx.msk [tilespmem:v17+s6+$0x0], $0xffff;
	_ =	sdelay $0x4  }
0x127: {  	v16 =	vmul.f32 v17, v16  }
0x128: {  	s7 =	sand.u32 $0xFFFFF80, s25  }
0x129: {  	s8 =	simm.s32 $0x3E00;
	s0 =	sadd.s32 s12, s7;
	s9 =	sand.u32 $0xFFFFF80, s19;
	[tilespmem:$0x900] =	vst v16  }
0x12a: {  	[tilespmem:s8], [sflag:$0x7] =	stream.strided.gather [hbm4b:s0+s16], $0x800, s10, s16, $0x38;
	[tilespmem:$0x10E00] =	vst v63  }
0x12b: {  	s31 =	simm.s32 $0x8;
	s19 =	simm.s32 $0xBE00;
	s0 =	sadd.s32 s13, s9  }
0x12c: {  	[tilespmem:s19], [sflag:$0x7] =	stream.strided.gather [hbm4b:s0+s16], $0x800, s10, s16, $0x38;
	[tilespmem:$0x10E00] =	vst v63  }
0x12d: {  	s25 =	sand.u32 $0x7F, s30;
	_ =	swait.ge [sflag:s31], $0x800  }
0x12e: {  	s4 =	sand.u32 $0x7F, s17;
	v16 =	vor.u32 s25, v0;
	[sflag:s31] =	ssyncset.done $0x0  }
0x12f: {  	v17 =	vor.u32 s4, v0;
	[sflag:s31] =	ssyncadd.s32 $0xFFFFF800  }
0x130: {  	_ =	swait.ge [sflag:s31], $0x800  }
0x131: {  	[sflag:s31] =	ssyncset.done $0x0  }
0x132: {  	s11 =	simm.s32 $0x4600;
	[sflag:s31] =	ssyncadd.s32 $0xFFFFF800  }
0x133: {  	s30 =	simm.s32 $0xC600;
	v16 =	vld.idx.msk [tilespmem:v16+s11+$0x0], $0xffff  }
0x134: {  	v17 =	vld.idx.msk [tilespmem:v17+s30+$0x0], $0xffff;
	_ =	sdelay $0x2  }
0x135: {  	s5 =	sld [smem:$0x7E2];
	_ =	sdelay $0x1  }
0x136: {  	v16 =	vmul.f32 v17, v16  }
0x137: {  	s0 =	sand.u32 $0xFFFFF80, s5  }
0x138: {  	s6 =	sand.u32 $0xFFFFF80, s23;
	s0 =	sadd.s32 s12, s0;
	[tilespmem:$0x980] =	vst v16  }
0x139: {  	[tilespmem:s11], [sflag:$0x8] =	stream.strided.gather [hbm4b:s0+s16], $0x800, s10, s16, $0x38;
	[tilespmem:$0x10E00] =	vst v63  }
0x13a: {  	s0 =	sadd.s32 s13, s6;
	s11 =	simm.s32 $0x9  }
0x13b: {  	[tilespmem:s30], [sflag:$0x8] =	stream.strided.gather [hbm4b:s0+s16], $0x800, s10, s16, $0x38;
	[tilespmem:$0x10E00] =	vst v63  }
0x13c: {  	s8 =	sand.u32 $0x7F, s20;
	_ =	swait.ge [sflag:s11], $0x800  }
0x13d: {  	s17 =	sand.u32 $0x7F, s21;
	v16 =	vor.u32 s8, v0;
	[sflag:s11] =	ssyncset.done $0x0  }
0x13e: {  	v17 =	vor.u32 s17, v0;
	[sflag:s11] =	ssyncadd.s32 $0xFFFFF800  }
0x13f: {  	_ =	swait.ge [sflag:s11], $0x800  }
0x140: {  	[sflag:s11] =	ssyncset.done $0x0  }
0x141: {  	s9 =	simm.s32 $0x4E00;
	[sflag:s11] =	ssyncadd.s32 $0xFFFFF800  }
0x142: {  	s19 =	simm.s32 $0xCE00;
	v16 =	vld.idx.msk [tilespmem:v16+s9+$0x0], $0xffff  }
0x143: {  	v17 =	vld.idx.msk [tilespmem:v17+s19+$0x0], $0xffff;
	_ =	sdelay $0x2  }
0x144: {  	s20 =	sld [smem:$0x7E3];
	_ =	sdelay $0x1  }
0x145: {  	v16 =	vmul.f32 v17, v16  }
0x146: {  	s21 =	sld [smem:$0x7E4];
	s0 =	sand.u32 $0xFFFFF80, s20  }
0x147: {  	s0 =	sadd.s32 s12, s0;
	[tilespmem:$0xA00] =	vst v16  }
0x148: {  	[tilespmem:s9], [sflag:$0x9] =	stream.strided.gather [hbm4b:s0+s16], $0x800, s10, s16, $0x38;
	[tilespmem:$0x10E00] =	vst v63  }
0x149: {  	s0 =	sand.u32 $0xFFFFF80, s21  }
0x14a: {  	s23 =	sand.u32 $0x7F, s26;
	s26 =	simm.s32 $0xA;
	s0 =	sadd.s32 s13, s0  }
0x14b: {  	[tilespmem:s19], [sflag:$0x9] =	stream.strided.gather [hbm4b:s0+s16], $0x800, s10, s16, $0x38;
	[tilespmem:$0x10E00] =	vst v63  }
0x14c: {  	_ =	swait.ge [sflag:s26], $0x800  }
0x14d: {  	s28 =	sand.u32 $0x7F, s28;
	v16 =	vor.u32 s23, v0;
	[sflag:s26] =	ssyncset.done $0x0  }
0x14e: {  	v17 =	vor.u32 s28, v0;
	[sflag:s26] =	ssyncadd.s32 $0xFFFFF800  }
0x14f: {  	_ =	swait.ge [sflag:s26], $0x800  }
0x150: {  	[sflag:s26] =	ssyncset.done $0x0  }
0x151: {  	s7 =	simm.s32 $0x5600;
	[sflag:s26] =	ssyncadd.s32 $0xFFFFF800  }
0x152: {  	s31 =	simm.s32 $0xD600;
	v16 =	vld.idx.msk [tilespmem:v16+s7+$0x0], $0xffff  }
0x153: {  	v17 =	vld.idx.msk [tilespmem:v17+s31+$0x0], $0xffff;
	_ =	sdelay $0x4  }
0x154: {  	v16 =	vmul.f32 v17, v16  }
0x155: {  	s1 =	sand.u32 $0xFFFFF80, s22  }
0x156: {  	s6 =	sand.u32 $0xFFFFF80, s24;
	s0 =	sadd.s32 s12, s1;
	[tilespmem:$0xA80] =	vst v16  }
0x157: {  	[tilespmem:s7], [sflag:$0xA] =	stream.strided.gather [hbm4b:s0+s16], $0x800, s10, s16, $0x38;
	[tilespmem:$0x10E00] =	vst v63  }
0x158: {  	s9 =	simm.s32 $0xB;
	s7 =	simm.s32 $0xD600;
	s0 =	sadd.s32 s13, s6  }
0x159: {  	[tilespmem:s7], [sflag:$0xA] =	stream.strided.gather [hbm4b:s0+s16], $0x800, s10, s16, $0x38;
	[tilespmem:$0x10E00] =	vst v63  }
0x15a: {  	s8 =	sand.u32 $0x7F, s14;
	_ =	swait.ge [sflag:s9], $0x800  }
0x15b: {  	s11 =	sand.u32 $0x7F, s29;
	v16 =	vor.u32 s8, v0;
	[sflag:s9] =	ssyncset.done $0x0  }
0x15c: {  	v17 =	vor.u32 s11, v0;
	[sflag:s9] =	ssyncadd.s32 $0xFFFFF800  }
0x15d: {  	_ =	swait.ge [sflag:s9], $0x800  }
0x15e: {  	[sflag:s9] =	ssyncset.done $0x0  }
0x15f: {  	s25 =	simm.s32 $0x5E00;
	[sflag:s9] =	ssyncadd.s32 $0xFFFFF800  }
0x160: {  	s30 =	simm.s32 $0xDE00;
	v16 =	vld.idx.msk [tilespmem:v16+s25+$0x0], $0xffff  }
0x161: {  	v17 =	vld.idx.msk [tilespmem:v17+s30+$0x0], $0xffff;
	_ =	sdelay $0x2  }
0x162: {  	s14 =	sld [smem:$0x7E5];
	_ =	sdelay $0x1  }
0x163: {  	v16 =	vmul.f32 v17, v16  }
0x164: {  	s17 =	sld [smem:$0x7E6];
	s0 =	sand.u32 $0xFFFFF80, s14  }
0x165: {  	s0 =	sadd.s32 s12, s0;
	[tilespmem:$0xB00] =	vst v16  }
0x166: {  	[tilespmem:s25], [sflag:$0xB] =	stream.strided.gather [hbm4b:s0+s16], $0x800, s10, s16, $0x38;
	[tilespmem:$0x10E00] =	vst v63  }
0x167: {  	s0 =	sand.u32 $0xFFFFF80, s17  }
0x168: {  	s20 =	simm.s32 $0xC;
	s0 =	sadd.s32 s13, s0  }
0x169: {  	[tilespmem:s30], [sflag:$0xB] =	stream.strided.gather [hbm4b:s0+s16], $0x800, s10, s16, $0x38;
	[tilespmem:$0x10E00] =	vst v63  }
0x16a: {  	s19 =	sld [smem:$0x7E7];
	_ =	swait.ge [sflag:s20], $0x800  }
0x16b: {  	s21 =	sld [smem:$0x7E8];
	_ =	sdelay $0x1  }
0x16c: {  	s0 =	sand.u32 $0x7F, s19  }
0x16d: {  	v16 =	vor.u32 s0, v0;
	[sflag:s20] =	ssyncset.done $0x0;
	s0 =	sand.u32 $0x7F, s21  }
0x16e: {  	[sflag:s20] =	ssyncadd.s32 $0xFFFFF800;
	v17 =	vor.u32 s0, v0  }
0x16f: {  	_ =	swait.ge [sflag:s20], $0x800  }
0x170: {  	[sflag:s20] =	ssyncset.done $0x0  }
0x171: {  	s5 =	simm.s32 $0x6600;
	[sflag:s20] =	ssyncadd.s32 $0xFFFFF800  }
0x172: {  	s22 =	simm.s32 $0xE600;
	v16 =	vld.idx.msk [tilespmem:v16+s5+$0x0], $0xffff  }
0x173: {  	v17 =	vld.idx.msk [tilespmem:v17+s22+$0x0], $0xffff;
	_ =	sdelay $0x2  }
0x174: {  	s23 =	sld [smem:$0x7E9];
	_ =	sdelay $0x1  }
0x175: {  	v16 =	vmul.f32 v17, v16  }
0x176: {  	s24 =	sld [smem:$0x7EA];
	s0 =	sand.u32 $0xFFFFF80, s23  }
0x177: {  	s0 =	sadd.s32 s12, s0;
	[tilespmem:$0xB80] =	vst v16  }
0x178: {  	[tilespmem:s5], [sflag:$0xC] =	stream.strided.gather [hbm4b:s0+s16], $0x800, s10, s16, $0x38;
	[tilespmem:$0x10E00] =	vst v63  }
0x179: {  	s0 =	sand.u32 $0xFFFFF80, s24  }
0x17a: {  	s26 =	simm.s32 $0xD;
	s0 =	sadd.s32 s13, s0  }
0x17b: {  	[tilespmem:s22], [sflag:$0xC] =	stream.strided.gather [hbm4b:s0+s16], $0x800, s10, s16, $0x38;
	[tilespmem:$0x10E00] =	vst v63  }
0x17c: {  	s25 =	sld [smem:$0x7EB];
	_ =	swait.ge [sflag:s26], $0x800  }
0x17d: {  	s28 =	sld [smem:$0x7EC];
	_ =	sdelay $0x1  }
0x17e: {  	s0 =	sand.u32 $0x7F, s25  }
0x17f: {  	v16 =	vor.u32 s0, v0;
	[sflag:s26] =	ssyncset.done $0x0;
	s0 =	sand.u32 $0x7F, s28  }
0x180: {  	[sflag:s26] =	ssyncadd.s32 $0xFFFFF800;
	v17 =	vor.u32 s0, v0  }
0x181: {  	_ =	swait.ge [sflag:s26], $0x800  }
0x182: {  	[sflag:s26] =	ssyncset.done $0x0  }
0x183: {  	s29 =	simm.s32 $0x6E00;
	[sflag:s26] =	ssyncadd.s32 $0xFFFFF800  }
0x184: {  	s30 =	simm.s32 $0xEE00;
	v16 =	vld.idx.msk [tilespmem:v16+s29+$0x0], $0xffff  }
0x185: {  	v17 =	vld.idx.msk [tilespmem:v17+s30+$0x0], $0xffff;
	_ =	sdelay $0x2  }
0x186: {  	s31 =	sld [smem:$0x7ED];
	_ =	sdelay $0x1  }
0x187: {  	v16 =	vmul.f32 v17, v16  }
0x188: {  	s3 =	sld [smem:$0x7EE];
	s0 =	sand.u32 $0xFFFFF80, s31  }
0x189: {  	s0 =	sadd.s32 s12, s0;
	[tilespmem:$0xC00] =	vst v16  }
0x18a: {  	[tilespmem:s29], [sflag:$0xD] =	stream.strided.gather [hbm4b:s0+s16], $0x800, s10, s16, $0x38;
	[tilespmem:$0x10E00] =	vst v63  }
0x18b: {  	s0 =	sand.u32 $0xFFFFF80, s3  }
0x18c: {  	s5 =	simm.s32 $0xE;
	s0 =	sadd.s32 s13, s0  }
0x18d: {  	[tilespmem:s30], [sflag:$0xD] =	stream.strided.gather [hbm4b:s0+s16], $0x800, s10, s16, $0x38;
	[tilespmem:$0x10E00] =	vst v63  }
0x18e: {  	s4 =	sld [smem:$0x7EF];
	_ =	swait.ge [sflag:s5], $0x800  }
0x18f: {  	s6 =	sld [smem:$0x7F0];
	_ =	sdelay $0x1  }
0x190: {  	s0 =	sand.u32 $0x7F, s4  }
0x191: {  	v16 =	vor.u32 s0, v0;
	[sflag:s5] =	ssyncset.done $0x0;
	s0 =	sand.u32 $0x7F, s6  }
0x192: {  	[sflag:s5] =	ssyncadd.s32 $0xFFFFF800;
	v17 =	vor.u32 s0, v0  }
0x193: {  	_ =	swait.ge [sflag:s5], $0x800  }
0x194: {  	[sflag:s5] =	ssyncset.done $0x0  }
0x195: {  	s7 =	simm.s32 $0x7600;
	[sflag:s5] =	ssyncadd.s32 $0xFFFFF800  }
0x196: {  	s8 =	simm.s32 $0xF600;
	v16 =	vld.idx.msk [tilespmem:v16+s7+$0x0], $0xffff  }
0x197: {  	v17 =	vld.idx.msk [tilespmem:v17+s8+$0x0], $0xffff;
	_ =	sdelay $0x2  }
0x198: {  	s9 =	sld [smem:$0x7F1];
	_ =	sdelay $0x1  }
0x199: {  	v16 =	vmul.f32 v17, v16  }
0x19a: {  	s11 =	sld [smem:$0x7F2];
	s0 =	sand.u32 $0xFFFFF80, s9  }
0x19b: {  	s0 =	sadd.s32 s12, s0;
	[tilespmem:$0xC80] =	vst v16  }
0x19c: {  	[tilespmem:s7], [sflag:$0xE] =	stream.strided.gather [hbm4b:s0+s16], $0x800, s10, s16, $0x38;
	[tilespmem:$0x10E00] =	vst v63  }
0x19d: {  	s14 =	sld [smem:$0x7F3];
	s0 =	sand.u32 $0xFFFFF80, s11  }
0x19e: {  	s17 =	simm.s32 $0xF;
	s0 =	sadd.s32 s13, s0  }
0x19f: {  	[tilespmem:s8], [sflag:$0xE] =	stream.strided.gather [hbm4b:s0+s16], $0x800, s10, s16, $0x38;
	[tilespmem:$0x10E00] =	vst v63  }
0x1a0: {  	s0 =	sand.u32 $0x7F, s14;
	_ =	swait.ge [sflag:s17], $0x800  }
0x1a1: {  	s18 =	sand.u32 $0x7F, s18;
	v16 =	vor.u32 s0, v0;
	[sflag:s17] =	ssyncset.done $0x0  }
0x1a2: {  	v17 =	vor.u32 s18, v0;
	[sflag:s17] =	ssyncadd.s32 $0xFFFFF800  }
0x1a3: {  	_ =	swait.ge [sflag:s17], $0x800  }
0x1a4: {  	[sflag:s17] =	ssyncset.done $0x0  }
0x1a5: {  	s19 =	simm.s32 $0x7E00;
	[sflag:s17] =	ssyncadd.s32 $0xFFFFF800  }
0x1a6: {  	s20 =	simm.s32 $0xFE00;
	v16 =	vld.idx.msk [tilespmem:v16+s19+$0x0], $0xffff  }
0x1a7: {  	v17 =	vld.idx.msk [tilespmem:v17+s20+$0x0], $0xffff;
	_ =	sdelay $0x2  }
0x1a8: {  	s21 =	sld [smem:$0x7F4];
	_ =	sdelay $0x1  }
0x1a9: {  	v16 =	vmul.f32 v17, v16  }
0x1aa: {  	s22 =	sld [smem:$0x7F5];
	s0 =	sand.u32 $0xFFFFF80, s21  }
0x1ab: {  	s0 =	sadd.s32 s12, s0;
	[tilespmem:$0xD00] =	vst v16  }
0x1ac: {  	[tilespmem:s19], [sflag:$0xF] =	stream.strided.gather [hbm4b:s0+s16], $0x800, s10, s16, $0x38;
	[tilespmem:$0x10E00] =	vst v63  }
0x1ad: {  	s0 =	sand.u32 $0xFFFFF80, s22  }
0x1ae: {  	s24 =	simm.s32 $0x10;
	s0 =	sadd.s32 s13, s0  }
0x1af: {  	[tilespmem:s20], [sflag:$0xF] =	stream.strided.gather [hbm4b:s0+s16], $0x800, s10, s16, $0x38;
	[tilespmem:$0x10E00] =	vst v63  }
0x1b0: {  	s23 =	sld [smem:$0x7F6];
	_ =	swait.ge [sflag:s24], $0x800  }
0x1b1: {  	s25 =	sld [smem:$0x7F7];
	_ =	sdelay $0x1  }
0x1b2: {  	s0 =	sand.u32 $0x7F, s23  }
0x1b3: {  	v16 =	vor.u32 s0, v0;
	[sflag:s24] =	ssyncset.done $0x0;
	s1 =	sand.u32 $0x7F, s25  }
0x1b4: {  	[sflag:s24] =	ssyncadd.s32 $0xFFFFF800;
	v17 =	vor.u32 s1, v0  }
0x1b5: {  	_ =	swait.ge [sflag:s24], $0x800  }
0x1b6: {  	[sflag:s24] =	ssyncset.done $0x0  }
0x1b7: {  	s26 =	simm.s32 $0x8600;
	[sflag:s24] =	ssyncadd.s32 $0xFFFFF800  }
0x1b8: {  	s28 =	simm.s32 $0x10600;
	v16 =	vld.idx.msk [tilespmem:v16+s26+$0x0], $0xffff  }
0x1b9: {  	v17 =	vld.idx.msk [tilespmem:v17+s28+$0x0], $0xffff;
	_ =	sdelay $0x3  }
0x1ba: {  	s30 =	sld [smem:$0x7F8]  }
0x1bb: {  	v16 =	vmul.f32 v17, v16  }
0x1bc: {  	s29 =	sand.u32 $0xFFFFF80, s15  }
0x1bd: {  	s0 =	sadd.s32 s12, s29;
	s1 =	sand.u32 $0xFFFFF80, s30;
	[tilespmem:$0xD80] =	vst v16  }
0x1be: {  	[tilespmem:s26], [sflag:$0x10] =	stream.strided.gather [hbm4b:s0+s16], $0x800, s10, s16, $0x38;
	[tilespmem:$0x10E00] =	vst v63  }
0x1bf: {  	s18 =	simm.s32 $0x600;
	s31 =	sadd.s32 s13, s1  }
0x1c0: {  	[tilespmem:s28], [sflag:$0x10] =	stream.strided.gather [hbm4b:s31+s16], $0x800, s10, s16, $0x38;
	[tilespmem:$0x10E00] =	vst v63  }
0x1c1: {  	v16 =	vld.idx.msk [tilespmem:v0+s18+$0x0], $0xffff  }
0x1c2: {  	v17 =	vld.idx.msk [tilespmem:v1+s18+$0x0], $0xffff;
	_ =	sdelay $0x1  }
0x1c3: {  	v18 =	vld.idx.msk [tilespmem:v2+s18+$0x0], $0xffff;
	_ =	sdelay $0x1  }
0x1c4: {  	v19 =	vld.idx.msk [tilespmem:v3+s18+$0x0], $0xffff  }
0x1c5: {  	v16 =	vadd.f32 v17, v16  }
0x1c6: {  	v17 =	vld.idx.msk [tilespmem:v4+s18+$0x0], $0xffff  }
0x1c7: {  	v20 =	vld.idx.msk [tilespmem:v5+s18+$0x0], $0xffff;
	v16 =	vadd.f32 v18, v16  }
0x1c8: {  	v21 =	vld.idx.msk [tilespmem:v6+s18+$0x0], $0xffff  }
0x1c9: {  	v24 =	vld.idx.msk [tilespmem:v7+s18+$0x0], $0xffff;
	v18 =	vadd.f32 v19, v16  }
0x1ca: {  	v23 =	vld.idx.msk [tilespmem:v8+s18+$0x0], $0xffff  }
0x1cb: {  	v16 =	vld.idx.msk [tilespmem:v9+s18+$0x0], $0xffff;
	v19 =	vadd.f32 v17, v18  }
0x1cc: {  	v17 =	vld.idx.msk [tilespmem:v10+s18+$0x0], $0xffff  }
0x1cd: {  	v18 =	vld.idx.msk [tilespmem:v11+s18+$0x0], $0xffff;
	v22 =	vadd.f32 v20, v19  }
0x1ce: {  	v19 =	vld.idx.msk [tilespmem:v12+s18+$0x0], $0xffff  }
0x1cf: {  	v20 =	vld.idx.msk [tilespmem:v13+s18+$0x0], $0xffff;
	v25 =	vadd.f32 v21, v22  }
0x1d0: {  	s2 =	simm.s32 $0x400;
	v21 =	vld.idx.msk [tilespmem:v14+s18+$0x0], $0xffff  }
0x1d1: {  	s4 =	simm.s32 $0x400;
	s6 =	simm.s32 $0x0;
	s7 =	simm.s32 $0x2;
	v22 =	vld.idx.msk [tilespmem:v15+s18+$0x0], $0xffff;
	v24 =	vadd.f32 v24, v25  }
.LBB2_2:
0x1d2: {  	_ = 	snop  }
0x1d3: {  	v23 =	vadd.f32 v23, v24;
	_ =	sdelay $0x1  }
0x1d4: {  	v16 =	vadd.f32 v16, v23;
	_ =	sdelay $0x1  }
0x1d5: {  	v16 =	vadd.f32 v17, v16;
	_ =	sdelay $0x1  }
0x1d6: {  	v16 =	vadd.f32 v18, v16;
	_ =	sdelay $0x1  }
0x1d7: {  	v16 =	vadd.f32 v19, v16;
	_ =	sdelay $0x1  }
0x1d8: {  	v16 =	vadd.f32 v20, v16;
	_ =	sdelay $0x1  }
0x1d9: {  	v16 =	vadd.f32 v21, v16;
	_ =	sdelay $0x1  }
0x1da: {  	v16 =	vadd.f32 v22, v16  }
0x1db: {  	s1 =	rddreg [dreg:$0x6]  }
0x1dc: {  	s0 =	smov.u32 s7;
	s1 =	sadd.s32 $0x10, s1;
	[tilespmem:s2+$0x0] =	vst v16  }
0x1dd: {  	s6 =	sadd.s32 $0x10, s6;
	s4 =	sadd.s32 $0x10, s4;
	s0 =	smin.u32 s0, $0x1F;
	v17 =	vld [tilespmem:s1+$0x0]  }
0x1de: {  	s14 =	smov.u32 s4;
	s0 =	sshll.u32 s0, $0x4;
	v19 =	vld [tilespmem:s6+$0x0]  }
0x1df: {  	[dreg:$0x7] =	wrdreg s14;
	v18 =	vld [tilespmem:s0+$0x0]  }
0x1e0: {  	s5 =	simm.s32 $0x1;
	[dreg:$0x6] =	wrdreg s1;
	v16 =	vld [tilespmem:s0+$0x200]  }
0x1e1: {  	_ =	swait.ge [sflag:s5], $0x800  }
0x1e2: {  	(v2sf) =	vpush v17, $0x0  }
0x1e3: {  	(v2sf) =	vpush v19, $0x0  }
0x1e4: {  	(v2sf) =	vpush v18, $0x0  }
0x1e5: {  	(v2sf) =	vpush v16, $0x0;
	_ =	sdelay $0x1  }
0x1e6: {  	(v2sf) =	vpush v19, $0x1  }
0x1e7: {  	(v2sf) =	vpush v17, $0x1  }
0x1e8: {  	(v2sf) =	vpush v18, $0x1  }
0x1e9: {  	(v2sf) =	vpush v16, $0x1  }
0x1ea: {  	(v2sf) =	vpush v19, $0x2  }
0x1eb: {  	(v2sf) =	vpush v17, $0x2  }
0x1ec: {  	(v2sf) =	vpush v18, $0x2  }
0x1ed: {  	(v2sf) =	vpush v16, $0x2  }
0x1ee: {  	(v2sf) =	vpush v19, $0x3  }
0x1ef: {  	(v2sf) =	vpush v17, $0x3  }
0x1f0: {  	(v2sf) =	vpush v18, $0x3;
	s15 =	spop (v2sf)  }
0x1f1: {  	(v2sf) =	vpush v16, $0x3;
	s17 =	spop (v2sf)  }
0x1f2: {  	[sflag:s5] =	ssyncset.done $0x0;
	(v2sf) =	vpush v19, $0x4;
	s19 =	spop (v2sf)  }
0x1f3: {  	[sflag:s5] =	ssyncadd.s32 $0xFFFFF800;
	s0 =	sand.u32 $0x7F, s15;
	s20 =	spop (v2sf);
	(v2sf) =	vpush v17, $0x4  }
0x1f4: {  	s1 =	sand.u32 $0x7F, s17;
	v20 =	vor.u32 s0, v0;
	_ =	swait.ge [sflag:s5], $0x800  }
0x1f5: {  	v21 =	vor.u32 s1, v0;
	s21 =	spop (v2sf)  }
0x1f6: {  	s22 =	spop (v2sf);
	(v2sf) =	vpush v18, $0x4  }
0x1f7: {  	[sflag:s5] =	ssyncset.done $0x0;
	s23 =	spop (v2sf);
	(v2sf) =	vpush v16, $0x4  }
0x1f8: {  	s15 =	simm.s32 $0x8E00;
	[sflag:s5] =	ssyncadd.s32 $0xFFFFF800;
	s24 =	spop (v2sf);
	(v2sf) =	vpush v19, $0x5  }
0x1f9: {  	s14 =	simm.s32 $0xE00;
	v20 =	vld.idx.msk [tilespmem:v20+s15+$0x0], $0xffff;
	s25 =	spop (v2sf);
	(v2sf) =	vpush v17, $0x5  }
0x1fa: {  	v21 =	vld.idx.msk [tilespmem:v21+s14+$0x0], $0xffff;
	s29 =	spop (v2sf);
	(v2sf) =	vpush v18, $0x5  }
0x1fb: {  	s31 =	spop (v2sf);
	(v2sf) =	vpush v16, $0x5  }
0x1fc: {  	s2 =	sand.u32 $0xFFFFF80, s19;
	s1 =	spop (v2sf);
	(v2sf) =	vpush v19, $0x6  }
0x1fd: {  	s3 =	sand.u32 $0xFFFFF80, s20;
	s2 =	sadd.s32 s12, s2;
	s5 =	spop (v2sf);
	(v2sf) =	vpush v17, $0x6  }
0x1fe: {  	s9 =	sand.u32 $0x7F, s21;
	s11 =	sand.u32 $0x7F, s22;
	s17 =	spop (v2sf);
	(v2sf) =	vpush v18, $0x6  }
0x1ff: {  	s22 =	sadd.s32 s13, s3;
	s26 =	sand.u32 $0xFFFFF80, s23;
	v20 =	vmul.f32 v20, v21;
	s19 =	spop (v2sf);
	(v2sf) =	vpush v16, $0x6  }
0x200: {  	s23 =	sand.u32 $0xFFFFF80, s24;
	s28 =	sand.u32 $0x7F, s25;
	s20 =	spop (v2sf);
	(v2sf) =	vpush v19, $0x7  }
0x201: {  	s0 =	sand.u32 $0x7F, s5;
	[tilespmem:$0x600] =	vst v20;
	s5 =	sand.u32 $0xFFFFF80, s19;
	s21 =	spop (v2sf);
	(v2sf) =	vpush v17, $0x7  }
0x202: {  	[tilespmem:s14], [sflag:$0x1] =	stream.strided.gather [hbm4b:s2+s16], $0x800, s10, s16, $0x38;
	(v2sf) =	vpush v18, $0x7;
	[tilespmem:$0x10E00] =	vst v63  }
0x203: {  	s25 =	simm.s32 $0x2;
	[smem:$0x7DA] =	sst s5;
	s24 =	spop (v2sf);
	(v2sf) =	vpush v16, $0x7  }
0x204: {  	[tilespmem:s15], [sflag:$0x1] =	stream.strided.gather [hbm4b:s22+s16], $0x800, s10, s16, $0x38;
	(v2sf) =	vpush v19, $0x8;
	[tilespmem:$0x10E00] =	vst v63  }
0x205: {  	_ =	swait.ge [sflag:s25], $0x800  }
0x206: {  	s30 =	sand.u32 $0xFFFFF80, s31;
	s31 =	spop (v2sf)  }
0x207: {  	(v2sf) =	vpush v17, $0x8;
	[sflag:s25] =	ssyncset.done $0x0;
	s13 =	spop (v2sf)  }
0x208: {  	[sflag:s25] =	ssyncadd.s32 $0xFFFFF800;
	s14 =	spop (v2sf);
	(v2sf) =	vpush v18, $0x8  }
0x209: {  	s8 =	sand.u32 $0xFFFFF80, s1;
	v20 =	vor.u32 s9, v0;
	_ =	swait.ge [sflag:s25], $0x800  }
0x20a: {  	v21 =	vor.u32 s11, v0;
	s1 =	sand.u32 $0x7F, s17;
	s5 =	sand.u32 $0xFFFFF80, s20;
	s17 =	spop (v2sf)  }
0x20b: {  	s3 =	sand.u32 $0x7F, s21;
	s22 =	simm.s32 $0x1600;
	s19 =	spop (v2sf)  }
0x20c: {  	s2 =	sand.u32 $0x7F, s24;
	[sflag:s25] =	ssyncset.done $0x0;
	s20 =	spop (v2sf)  }
0x20d: {  	s9 =	sand.u32 $0xFFFFF80, s13;
	(v2sf) =	vpush v16, $0x8;
	[sflag:s25] =	ssyncadd.s32 $0xFFFFF800;
	s21 =	spop (v2sf)  }
0x20e: {  	s11 =	sand.u32 $0x7F, s17;
	s17 =	simm.s32 $0x9600;
	(v2sf) =	vpush v19, $0x9;
	v20 =	vld.idx.msk [tilespmem:v20+s22+$0x0], $0xffff;
	s24 =	spop (v2sf)  }
0x20f: {  	s13 =	sand.u32 $0x7F, s14;
	s14 =	sand.u32 $0xFFFFF80, s19;
	v21 =	vld.idx.msk [tilespmem:v21+s17+$0x0], $0xffff;
	(v2sf) =	vpush v17, $0x9;
	s19 =	spop (v2sf)  }
0x210: {  	[smem:$0x7DB] =	sst s14;
	s14 =	sand.u32 $0xFFFFF80, s20;
	(v2sf) =	vpush v18, $0x9;
	s20 =	spop (v2sf)  }
0x211: {  	s15 =	sand.u32 $0x7F, s21;
	(v2sf) =	vpush v16, $0x9;
	s21 =	spop (v2sf)  }
0x212: {  	s12 =	sand.u32 $0xFFFFF80, s31;
	[smem:$0x7DC] =	sst s15;
	(v2sf) =	vpush v19, $0xA;
	s21 =	sand.u32 $0x7F, s21  }
0x213: {  	s15 =	sand.u32 $0x7F, s24;
	(v2sf) =	vpush v17, $0xA;
	s25 =	spop (v2sf);
	[smem:$0x7DD] =	sst s21  }
0x214: {  	v20 =	vmul.f32 v21, v20;
	(v2sf) =	vpush v18, $0xA;
	s21 =	sand.u32 $0x7F, s25;
	s24 =	spop (v2sf);
	s25 =	rddreg [dreg:$0x2]  }
0x215: {  	(v2sf) =	vpush v16, $0xA;
	s24 =	sand.u32 $0xFFFFF80, s24;
	s31 =	spop (v2sf);
	s26 =	sadd.s32 s25, s26  }
0x216: {  	[tilespmem:$0x680] =	vst v20;
	(v2sf) =	vpush v19, $0xB;
	[smem:$0x7DE] =	sst s24;
	s24 =	sand.u32 $0xFFFFF80, s31;
	s31 =	spop (v2sf)  }
0x217: {  	(v2sf) =	vpush v17, $0xB;
	[tilespmem:s22], [sflag:$0x2] =	stream.strided.gather [hbm4b:s26+s16], $0x800, s10, s16, $0x38;
	[tilespmem:$0x10E00] =	vst v63  }
0x218: {  	s22 =	rddreg [dreg:$0x3];
	s25 =	spop (v2sf);
	(v2sf) =	vpush v18, $0xB  }
0x219: {  	s26 =	sadd.s32 s22, s23;
	(v2sf) =	vpush v16, $0xB;
	s22 =	spop (v2sf)  }
0x21a: {  	[tilespmem:s17], [sflag:$0x2] =	stream.strided.gather [hbm4b:s26+s16], $0x800, s10, s16, $0x38;
	(v2sf) =	vpush v19, $0xC;
	[tilespmem:$0x10E00] =	vst v63  }
0x21b: {  	s26 =	simm.s32 $0x3;
	(v2sf) =	vpush v17, $0xC  }
0x21c: {  	_ =	swait.ge [sflag:s26], $0x800  }
0x21d: {  	s23 =	sand.u32 $0x7F, s25;
	s25 =	sand.u32 $0xFFFFF80, s22;
	s17 =	spop (v2sf)  }
0x21e: {  	s29 =	sand.u32 $0x7F, s29;
	[smem:$0x7DF] =	sst s25;
	s22 =	spop (v2sf)  }
0x21f: {  	v21 =	vor.u32 s29, v0;
	v20 =	vor.u32 s28, v0;
	(v2sf) =	vpush v18, $0xC;
	[sflag:s26] =	ssyncset.done $0x0;
	s28 =	sand.u32 $0xFFFFF80, s17;
	s29 =	sand.u32 $0x7F, s22  }
0x220: {  	[sflag:s26] =	ssyncadd.s32 $0xFFFFF800;
	s17 =	spop (v2sf);
	(v2sf) =	vpush v16, $0xC;
	[smem:$0x7E0] =	sst s29  }
0x221: {  	_ =	swait.ge [sflag:s26], $0x800  }
0x222: {  	s29 =	sand.u32 $0x7F, s17;
	s22 =	spop (v2sf)  }
0x223: {  	[sflag:s26] =	ssyncset.done $0x0;
	s25 =	sand.u32 $0xFFFFF80, s22;
	s22 =	spop (v2sf)  }
0x224: {  	[sflag:s26] =	ssyncadd.s32 $0xFFFFF800;
	[dreg:$0x1e] =	wrdreg s25;
	s26 =	sand.u32 $0xFFFFF80, s22  }
0x225: {  	s17 =	simm.s32 $0x1E00;
	s22 =	spop (v2sf);
	[dreg:$0x1f] =	wrdreg s26  }
0x226: {  	(v2sf) =	vpush v19, $0xD;
	s25 =	sand.u32 $0x7F, s22;
	s26 =	spop (v2sf);
	s22 =	simm.s32 $0x9E00  }
0x227: {  	(v2sf) =	vpush v17, $0xD;
	[dreg:$0x1d] =	wrdreg s25;
	s25 =	sand.u32 $0x7F, s26;
	s26 =	spop (v2sf)  }
0x228: {  	v20 =	vld.idx.msk [tilespmem:v20+s17+$0x0], $0xffff;
	(v2sf) =	vpush v18, $0xD;
	[smem:$0x7E1] =	sst s25;
	s25 =	sand.u32 $0xFFFFF80, s26;
	s26 =	spop (v2sf)  }
0x229: {  	v21 =	vld.idx.msk [tilespmem:v21+s22+$0x0], $0xffff;
	(v2sf) =	vpush v16, $0xD;
	[dreg:$0x1b] =	wrdreg s25;
	s25 =	sand.u32 $0xFFFFF80, s26;
	s26 =	spop (v2sf)  }
0x22a: {  	(v2sf) =	vpush v19, $0xE;
	[dreg:$0x1c] =	wrdreg s25;
	s25 =	sand.u32 $0x7F, s26;
	s26 =	spop (v2sf)  }
0x22b: {  	(v2sf) =	vpush v17, $0xE;
	[dreg:$0x19] =	wrdreg s25;
	s25 =	sand.u32 $0x7F, s26;
	s26 =	spop (v2sf)  }
0x22c: {  	(v2sf) =	vpush v18, $0xE;
	[dreg:$0x1a] =	wrdreg s25;
	s25 =	sand.u32 $0xFFFFF80, s26;
	s26 =	spop (v2sf)  }
0x22d: {  	(v2sf) =	vpush v16, $0xE;
	[dreg:$0x16] =	wrdreg s25;
	s25 =	sand.u32 $0xFFFFF80, s26  }
0x22e: {  	(v2sf) =	vpush v19, $0xF;
	v19 =	vmul.f32 v21, v20;
	s26 =	spop (v2sf);
	[dreg:$0x17] =	wrdreg s25  }
0x22f: {  	s25 =	sand.u32 $0x7F, s26;
	s26 =	rddreg [dreg:$0x2]  }
0x230: {  	[tilespmem:$0x700] =	vst v19;
	[dreg:$0x15] =	wrdreg s25;
	s25 =	spop (v2sf);
	s26 =	sadd.s32 s26, s30  }
0x231: {  	[tilespmem:s17], [sflag:$0x3] =	stream.strided.gather [hbm4b:s26+s16], $0x800, s10, s16, $0x38;
	[tilespmem:$0x10E00] =	vst v63  }
0x232: {  	s25 =	sand.u32 $0x7F, s25;
	s17 =	rddreg [dreg:$0x3]  }
0x233: {  	[dreg:$0x18] =	wrdreg s25;
	s25 =	spop (v2sf)  }
0x234: {  	(v2sf) =	vpush v17, $0xF;
	s8 =	sadd.s32 s17, s8;
	s25 =	sand.u32 $0xFFFFF80, s25  }
0x235: {  	(v2sf) =	vpush v18, $0xF;
	[tilespmem:s22], [sflag:$0x3] =	stream.strided.gather [hbm4b:s8+s16], $0x800, s10, s16, $0x38;
	[tilespmem:$0x10E00] =	vst v63  }
0x236: {  	s30 =	simm.s32 $0x4;
	(v2sf) =	vpush v16, $0xF;
	s17 =	spop (v2sf);
	[dreg:$0x11] =	wrdreg s25  }
0x237: {  	_ =	swait.ge [sflag:s30], $0x800  }
0x238: {  	s25 =	sand.u32 $0xFFFFF80, s17;
	s17 =	spop (v2sf)  }
0x239: {  	[dreg:$0x13] =	wrdreg s25;
	s22 =	sand.u32 $0x7F, s17;
	s25 =	spop (v2sf)  }
0x23a: {  	v16 =	vor.u32 s0, v0;
	[sflag:s30] =	ssyncset.done $0x0;
	[dreg:$0x12] =	wrdreg s22;
	s0 =	sand.u32 $0x7F, s25  }
0x23b: {  	v17 =	vor.u32 s1, v0;
	[sflag:s30] =	ssyncadd.s32 $0xFFFFF800;
	s1 =	spop (v2sf);
	[dreg:$0x14] =	wrdreg s0  }
0x23c: {  	_ =	swait.ge [sflag:s30], $0x800  }
0x23d: {  	s0 =	sand.u32 $0xFFFFF80, s1;
	s1 =	simm.s32 $0x2600;
	s17 =	spop (v2sf)  }
0x23e: {  	[dreg:$0xf] =	wrdreg s0;
	s0 =	sand.u32 $0xFFFFF80, s17;
	s22 =	spop (v2sf)  }
0x23f: {  	[sflag:s30] =	ssyncset.done $0x0;
	[dreg:$0x10] =	wrdreg s0;
	s0 =	sand.u32 $0x7F, s22  }
0x240: {  	[sflag:s30] =	ssyncadd.s32 $0xFFFFF800;
	s25 =	spop (v2sf);
	[dreg:$0xd] =	wrdreg s0  }
0x241: {  	s0 =	sand.u32 $0x7F, s25;
	s17 =	spop (v2sf);
	s25 =	simm.s32 $0xA600  }
0x242: {  	v16 =	vld.idx.msk [tilespmem:v16+s1+$0x0], $0xffff;
	[dreg:$0xe] =	wrdreg s0;
	s0 =	sand.u32 $0xFFFFF80, s17;
	s22 =	spop (v2sf)  }
0x243: {  	v17 =	vld.idx.msk [tilespmem:v17+s25+$0x0], $0xffff;
	[dreg:$0xc] =	wrdreg s0;
	s0 =	sand.u32 $0xFFFFF80, s22;
	s17 =	spop (v2sf)  }
0x244: {  	[dreg:$0xb] =	wrdreg s0;
	s0 =	sand.u32 $0x7F, s17;
	s22 =	spop (v2sf)  }
0x245: {  	[dreg:$0x9] =	wrdreg s0;
	s0 =	sand.u32 $0x7F, s22  }
0x246: {  	s17 =	spop (v2sf);
	[dreg:$0xa] =	wrdreg s0  }
0x247: {  	s0 =	sand.u32 $0xFFFFF80, s17;
	s17 =	sld [smem:$0x7DA]  }
0x248: {  	[dreg:$0x8] =	wrdreg s0;
	v16 =	vmul.f32 v17, v16  }
0x249: {  	s0 =	rddreg [dreg:$0x2]  }
0x24a: {  	[tilespmem:$0x780] =	vst v16;
	s0 =	sadd.s32 s0, s17  }
0x24b: {  	[tilespmem:s1], [sflag:$0x4] =	stream.strided.gather [hbm4b:s0+s16], $0x800, s10, s16, $0x38;
	[tilespmem:$0x10E00] =	vst v63  }
0x24c: {  	s1 =	rddreg [dreg:$0x3]  }
0x24d: {  	s0 =	sadd.s32 s1, s5  }
0x24e: {  	[tilespmem:s25], [sflag:$0x4] =	stream.strided.gather [hbm4b:s0+s16], $0x800, s10, s16, $0x38;
	[tilespmem:$0x10E00] =	vst v63  }
0x24f: {  	s22 =	spop (v2sf);
	s25 =	simm.s32 $0x5  }
0x250: {  	_ =	swait.ge [sflag:s25], $0x800  }
0x251: {  	v16 =	vor.u32 s3, v0;
	[sflag:s25] =	ssyncset.done $0x0  }
0x252: {  	v17 =	vor.u32 s2, v0;
	[sflag:s25] =	ssyncadd.s32 $0xFFFFF800  }
0x253: {  	_ =	swait.ge [sflag:s25], $0x800  }
0x254: {  	[sflag:s25] =	ssyncset.done $0x0  }
0x255: {  	s17 =	simm.s32 $0x2E00;
	[sflag:s25] =	ssyncadd.s32 $0xFFFFF800  }
0x256: {  	s8 =	simm.s32 $0xAE00;
	v16 =	vld.idx.msk [tilespmem:v16+s17+$0x0], $0xffff  }
0x257: {  	v17 =	vld.idx.msk [tilespmem:v17+s8+$0x0], $0xffff;
	_ =	sdelay $0x4  }
0x258: {  	v16 =	vmul.f32 v17, v16  }
0x259: {  	s0 =	rddreg [dreg:$0x2]  }
0x25a: {  	s1 =	rddreg [dreg:$0x3];
	s0 =	sadd.s32 s0, s12;
	[tilespmem:$0x800] =	vst v16  }
0x25b: {  	[tilespmem:s17], [sflag:$0x5] =	stream.strided.gather [hbm4b:s0+s16], $0x800, s10, s16, $0x38;
	[tilespmem:$0x10E00] =	vst v63  }
0x25c: {  	s2 =	simm.s32 $0x6;
	s0 =	sadd.s32 s1, s9  }
0x25d: {  	[tilespmem:s8], [sflag:$0x5] =	stream.strided.gather [hbm4b:s0+s16], $0x800, s10, s16, $0x38;
	[tilespmem:$0x10E00] =	vst v63  }
0x25e: {  	s12 =	rddreg [dreg:$0x2];
	_ =	swait.ge [sflag:s2], $0x800  }
0x25f: {  	v16 =	vor.u32 s13, v0;
	[sflag:s2] =	ssyncset.done $0x0  }
0x260: {  	v17 =	vor.u32 s11, v0;
	s13 =	rddreg [dreg:$0x3];
	[sflag:s2] =	ssyncadd.s32 $0xFFFFF800  }
0x261: {  	_ =	swait.ge [sflag:s2], $0x800  }
0x262: {  	[sflag:s2] =	ssyncset.done $0x0  }
0x263: {  	s5 =	simm.s32 $0x3600;
	[sflag:s2] =	ssyncadd.s32 $0xFFFFF800  }
0x264: {  	s3 =	simm.s32 $0xB600;
	v16 =	vld.idx.msk [tilespmem:v16+s5+$0x0], $0xffff  }
0x265: {  	v17 =	vld.idx.msk [tilespmem:v17+s3+$0x0], $0xffff;
	_ =	sdelay $0x3  }
0x266: {  	s9 =	sld [smem:$0x7DB]  }
0x267: {  	v16 =	vmul.f32 v17, v16;
	_ =	sdelay $0x1  }
0x268: {  	s0 =	sadd.s32 s12, s9;
	[tilespmem:$0x880] =	vst v16  }
0x269: {  	[tilespmem:s5], [sflag:$0x6] =	stream.strided.gather [hbm4b:s0+s16], $0x800, s10, s16, $0x38;
	[tilespmem:$0x10E00] =	vst v63  }
0x26a: {  	s11 =	sadd.s32 s13, s14;
	s14 =	simm.s32 $0x7  }
0x26b: {  	[tilespmem:s3], [sflag:$0x6] =	stream.strided.gather [hbm4b:s11+s16], $0x800, s10, s16, $0x38;
	[tilespmem:$0x10E00] =	vst v63  }
0x26c: {  	_ =	swait.ge [sflag:s14], $0x800  }
0x26d: {  	s25 =	sld [smem:$0x7DC];
	_ =	sdelay $0x1  }
0x26e: {  	v17 =	vor.u32 s15, v0;
	[sflag:s14] =	ssyncset.done $0x0  }
0x26f: {  	[sflag:s14] =	ssyncadd.s32 $0xFFFFF800;
	v16 =	vor.u32 s25, v0  }
0x270: {  	_ =	swait.ge [sflag:s14], $0x800  }
0x271: {  	[sflag:s14] =	ssyncset.done $0x0  }
0x272: {  	s11 =	simm.s32 $0xBE00;
	[sflag:s14] =	ssyncadd.s32 $0xFFFFF800  }
0x273: {  	s15 =	simm.s32 $0x3E00;
	v17 =	vld.idx.msk [tilespmem:v17+s11+$0x0], $0xffff  }
0x274: {  	v16 =	vld.idx.msk [tilespmem:v16+s15+$0x0], $0xffff;
	_ =	sdelay $0x4  }
0x275: {  	v16 =	vmul.f32 v17, v16  }
0x276: {  	s19 =	sand.u32 $0xFFFFF80, s19  }
0x277: {  	s20 =	sand.u32 $0xFFFFF80, s20;
	s1 =	sadd.s32 s12, s19;
	[tilespmem:$0x900] =	vst v16  }
0x278: {  	[tilespmem:s15], [sflag:$0x7] =	stream.strided.gather [hbm4b:s1+s16], $0x800, s10, s16, $0x38;
	[tilespmem:$0x10E00] =	vst v63  }
0x279: {  	s2 =	sadd.s32 s13, s20;
	s3 =	simm.s32 $0x8  }
0x27a: {  	[tilespmem:s11], [sflag:$0x7] =	stream.strided.gather [hbm4b:s2+s16], $0x800, s10, s16, $0x38;
	[tilespmem:$0x10E00] =	vst v63  }
0x27b: {  	_ =	swait.ge [sflag:s3], $0x800  }
0x27c: {  	s9 =	sld [smem:$0x7DD];
	_ =	sdelay $0x1  }
0x27d: {  	v17 =	vor.u32 s21, v0;
	[sflag:s3] =	ssyncset.done $0x0  }
0x27e: {  	[sflag:s3] =	ssyncadd.s32 $0xFFFFF800;
	v16 =	vor.u32 s9, v0  }
0x27f: {  	_ =	swait.ge [sflag:s3], $0x800  }
0x280: {  	[sflag:s3] =	ssyncset.done $0x0  }
0x281: {  	s19 =	simm.s32 $0xC600;
	[sflag:s3] =	ssyncadd.s32 $0xFFFFF800  }
0x282: {  	s25 =	simm.s32 $0x4600;
	v17 =	vld.idx.msk [tilespmem:v17+s19+$0x0], $0xffff  }
0x283: {  	v16 =	vld.idx.msk [tilespmem:v16+s25+$0x0], $0xffff;
	_ =	sdelay $0x3  }
0x284: {  	s14 =	sld [smem:$0x7DE]  }
0x285: {  	v16 =	vmul.f32 v17, v16;
	_ =	sdelay $0x1  }
0x286: {  	s0 =	sadd.s32 s12, s14;
	[tilespmem:$0x980] =	vst v16  }
0x287: {  	[tilespmem:s25], [sflag:$0x8] =	stream.strided.gather [hbm4b:s0+s16], $0x800, s10, s16, $0x38;
	[tilespmem:$0x10E00] =	vst v63  }
0x288: {  	s1 =	sadd.s32 s13, s24;
	s2 =	simm.s32 $0x9  }
0x289: {  	[tilespmem:s19], [sflag:$0x8] =	stream.strided.gather [hbm4b:s1+s16], $0x800, s10, s16, $0x38;
	[tilespmem:$0x10E00] =	vst v63  }
0x28a: {  	s31 =	sand.u32 $0x7F, s31;
	_ =	swait.ge [sflag:s2], $0x800  }
0x28b: {  	v16 =	vor.u32 s31, v0;
	[sflag:s2] =	ssyncset.done $0x0  }
0x28c: {  	v17 =	vor.u32 s23, v0;
	[sflag:s2] =	ssyncadd.s32 $0xFFFFF800  }
0x28d: {  	_ =	swait.ge [sflag:s2], $0x800  }
0x28e: {  	[sflag:s2] =	ssyncset.done $0x0  }
0x28f: {  	s20 =	simm.s32 $0x4E00;
	[sflag:s2] =	ssyncadd.s32 $0xFFFFF800  }
0x290: {  	s21 =	simm.s32 $0xCE00;
	v16 =	vld.idx.msk [tilespmem:v16+s20+$0x0], $0xffff  }
0x291: {  	v17 =	vld.idx.msk [tilespmem:v17+s21+$0x0], $0xffff;
	_ =	sdelay $0x3  }
0x292: {  	s3 =	sld [smem:$0x7DF]  }
0x293: {  	v16 =	vmul.f32 v17, v16;
	_ =	sdelay $0x1  }
0x294: {  	s0 =	sadd.s32 s12, s3;
	[tilespmem:$0xA00] =	vst v16  }
0x295: {  	[tilespmem:s20], [sflag:$0x9] =	stream.strided.gather [hbm4b:s0+s16], $0x800, s10, s16, $0x38;
	[tilespmem:$0x10E00] =	vst v63  }
0x296: {  	s9 =	sadd.s32 s13, s28;
	s14 =	simm.s32 $0xA  }
0x297: {  	[tilespmem:s21], [sflag:$0x9] =	stream.strided.gather [hbm4b:s9+s16], $0x800, s10, s16, $0x38;
	[tilespmem:$0x10E00] =	vst v63  }
0x298: {  	_ =	swait.ge [sflag:s14], $0x800  }
0x299: {  	s31 =	sld [smem:$0x7E0];
	_ =	sdelay $0x1  }
0x29a: {  	v17 =	vor.u32 s29, v0;
	[sflag:s14] =	ssyncset.done $0x0  }
0x29b: {  	[sflag:s14] =	ssyncadd.s32 $0xFFFFF800;
	v16 =	vor.u32 s31, v0  }
0x29c: {  	_ =	swait.ge [sflag:s14], $0x800  }
0x29d: {  	[sflag:s14] =	ssyncset.done $0x0  }
0x29e: {  	s24 =	simm.s32 $0xD600;
	[sflag:s14] =	ssyncadd.s32 $0xFFFFF800  }
0x29f: {  	s23 =	simm.s32 $0x5600;
	v17 =	vld.idx.msk [tilespmem:v17+s24+$0x0], $0xffff  }
0x2a0: {  	v16 =	vld.idx.msk [tilespmem:v16+s23+$0x0], $0xffff;
	_ =	sdelay $0x4  }
0x2a1: {  	v16 =	vmul.f32 v17, v16  }
0x2a2: {  	s2 =	rddreg [dreg:$0x1e]  }
0x2a3: {  	s3 =	rddreg [dreg:$0x1f];
	s0 =	sadd.s32 s12, s2;
	[tilespmem:$0xA80] =	vst v16  }
0x2a4: {  	[tilespmem:s23], [sflag:$0xA] =	stream.strided.gather [hbm4b:s0+s16], $0x800, s10, s16, $0x38;
	[tilespmem:$0x10E00] =	vst v63  }
0x2a5: {  	s9 =	simm.s32 $0xB;
	s0 =	sadd.s32 s13, s3  }
0x2a6: {  	[tilespmem:s24], [sflag:$0xA] =	stream.strided.gather [hbm4b:s0+s16], $0x800, s10, s16, $0x38;
	[tilespmem:$0x10E00] =	vst v63  }
0x2a7: {  	_ =	swait.ge [sflag:s9], $0x800  }
0x2a8: {  	s29 =	sld [smem:$0x7E1]  }
0x2a9: {  	s14 =	rddreg [dreg:$0x1d]  }
0x2aa: {  	[sflag:s9] =	ssyncset.done $0x0;
	v16 =	vor.u32 s14, v0  }
0x2ab: {  	[sflag:s9] =	ssyncadd.s32 $0xFFFFF800;
	v17 =	vor.u32 s29, v0  }
0x2ac: {  	_ =	swait.ge [sflag:s9], $0x800  }
0x2ad: {  	[sflag:s9] =	ssyncset.done $0x0  }
0x2ae: {  	s26 =	simm.s32 $0x5E00;
	[sflag:s9] =	ssyncadd.s32 $0xFFFFF800  }
0x2af: {  	s28 =	simm.s32 $0xDE00;
	v16 =	vld.idx.msk [tilespmem:v16+s26+$0x0], $0xffff  }
0x2b0: {  	v17 =	vld.idx.msk [tilespmem:v17+s28+$0x0], $0xffff;
	_ =	sdelay $0x4  }
0x2b1: {  	v16 =	vmul.f32 v17, v16  }
0x2b2: {  	s31 =	rddreg [dreg:$0x1b]  }
0x2b3: {  	s1 =	rddreg [dreg:$0x1c];
	s0 =	sadd.s32 s12, s31;
	[tilespmem:$0xB00] =	vst v16  }
0x2b4: {  	[tilespmem:s26], [sflag:$0xB] =	stream.strided.gather [hbm4b:s0+s16], $0x800, s10, s16, $0x38;
	[tilespmem:$0x10E00] =	vst v63  }
0x2b5: {  	s2 =	simm.s32 $0xC;
	s0 =	sadd.s32 s13, s1  }
0x2b6: {  	[tilespmem:s28], [sflag:$0xB] =	stream.strided.gather [hbm4b:s0+s16], $0x800, s10, s16, $0x38;
	[tilespmem:$0x10E00] =	vst v63  }
0x2b7: {  	_ =	swait.ge [sflag:s2], $0x800  }
0x2b8: {  	s3 =	rddreg [dreg:$0x19]  }
0x2b9: {  	[sflag:s2] =	ssyncset.done $0x0;
	s9 =	rddreg [dreg:$0x1a];
	v16 =	vor.u32 s3, v0  }
0x2ba: {  	[sflag:s2] =	ssyncadd.s32 $0xFFFFF800;
	v17 =	vor.u32 s9, v0  }
0x2bb: {  	_ =	swait.ge [sflag:s2], $0x800  }
0x2bc: {  	[sflag:s2] =	ssyncset.done $0x0  }
0x2bd: {  	s14 =	simm.s32 $0x6600;
	[sflag:s2] =	ssyncadd.s32 $0xFFFFF800  }
0x2be: {  	s29 =	simm.s32 $0xE600;
	v16 =	vld.idx.msk [tilespmem:v16+s14+$0x0], $0xffff  }
0x2bf: {  	v17 =	vld.idx.msk [tilespmem:v17+s29+$0x0], $0xffff;
	_ =	sdelay $0x4  }
0x2c0: {  	v16 =	vmul.f32 v17, v16  }
0x2c1: {  	s31 =	rddreg [dreg:$0x16]  }
0x2c2: {  	s0 =	sadd.s32 s12, s31;
	s2 =	rddreg [dreg:$0x17];
	[tilespmem:$0xB80] =	vst v16  }
0x2c3: {  	[tilespmem:s14], [sflag:$0xC] =	stream.strided.gather [hbm4b:s0+s16], $0x800, s10, s16, $0x38;
	[tilespmem:$0x10E00] =	vst v63  }
0x2c4: {  	s3 =	simm.s32 $0xD;
	s0 =	sadd.s32 s13, s2  }
0x2c5: {  	[tilespmem:s29], [sflag:$0xC] =	stream.strided.gather [hbm4b:s0+s16], $0x800, s10, s16, $0x38;
	[tilespmem:$0x10E00] =	vst v63  }
0x2c6: {  	_ =	swait.ge [sflag:s3], $0x800  }
0x2c7: {  	s9 =	rddreg [dreg:$0x15]  }
0x2c8: {  	[sflag:s3] =	ssyncset.done $0x0;
	s14 =	rddreg [dreg:$0x18];
	v16 =	vor.u32 s9, v0  }
0x2c9: {  	[sflag:s3] =	ssyncadd.s32 $0xFFFFF800;
	v17 =	vor.u32 s14, v0  }
0x2ca: {  	_ =	swait.ge [sflag:s3], $0x800  }
0x2cb: {  	[sflag:s3] =	ssyncset.done $0x0  }
0x2cc: {  	s29 =	simm.s32 $0x6E00;
	[sflag:s3] =	ssyncadd.s32 $0xFFFFF800  }
0x2cd: {  	s31 =	simm.s32 $0xEE00;
	v16 =	vld.idx.msk [tilespmem:v16+s29+$0x0], $0xffff  }
0x2ce: {  	v17 =	vld.idx.msk [tilespmem:v17+s31+$0x0], $0xffff;
	_ =	sdelay $0x4  }
0x2cf: {  	v16 =	vmul.f32 v17, v16  }
0x2d0: {  	s3 =	rddreg [dreg:$0x11]  }
0x2d1: {  	s9 =	rddreg [dreg:$0x13];
	s0 =	sadd.s32 s12, s3;
	[tilespmem:$0xC00] =	vst v16  }
0x2d2: {  	[tilespmem:s29], [sflag:$0xD] =	stream.strided.gather [hbm4b:s0+s16], $0x800, s10, s16, $0x38;
	[tilespmem:$0x10E00] =	vst v63  }
0x2d3: {  	s14 =	simm.s32 $0xE;
	s0 =	sadd.s32 s13, s9  }
0x2d4: {  	[tilespmem:s31], [sflag:$0xD] =	stream.strided.gather [hbm4b:s0+s16], $0x800, s10, s16, $0x38;
	[tilespmem:$0x10E00] =	vst v63  }
0x2d5: {  	_ =	swait.ge [sflag:s14], $0x800  }
0x2d6: {  	s29 =	rddreg [dreg:$0x12]  }
0x2d7: {  	[sflag:s14] =	ssyncset.done $0x0;
	s31 =	rddreg [dreg:$0x14];
	v16 =	vor.u32 s29, v0  }
0x2d8: {  	[sflag:s14] =	ssyncadd.s32 $0xFFFFF800;
	v17 =	vor.u32 s31, v0  }
0x2d9: {  	_ =	swait.ge [sflag:s14], $0x800  }
0x2da: {  	[sflag:s14] =	ssyncset.done $0x0  }
0x2db: {  	s2 =	simm.s32 $0x7600;
	[sflag:s14] =	ssyncadd.s32 $0xFFFFF800  }
0x2dc: {  	s3 =	simm.s32 $0xF600;
	v16 =	vld.idx.msk [tilespmem:v16+s2+$0x0], $0xffff  }
0x2dd: {  	v17 =	vld.idx.msk [tilespmem:v17+s3+$0x0], $0xffff;
	_ =	sdelay $0x4  }
0x2de: {  	v16 =	vmul.f32 v17, v16  }
0x2df: {  	s9 =	rddreg [dreg:$0xf]  }
0x2e0: {  	s0 =	sadd.s32 s12, s9;
	s14 =	rddreg [dreg:$0x10];
	[tilespmem:$0xC80] =	vst v16  }
0x2e1: {  	[tilespmem:s2], [sflag:$0xE] =	stream.strided.gather [hbm4b:s0+s16], $0x800, s10, s16, $0x38;
	[tilespmem:$0x10E00] =	vst v63  }
0x2e2: {  	s29 =	simm.s32 $0xF;
	s0 =	sadd.s32 s13, s14  }
0x2e3: {  	[tilespmem:s3], [sflag:$0xE] =	stream.strided.gather [hbm4b:s0+s16], $0x800, s10, s16, $0x38;
	[tilespmem:$0x10E00] =	vst v63  }
0x2e4: {  	_ =	swait.ge [sflag:s29], $0x800  }
0x2e5: {  	s31 =	rddreg [dreg:$0xd]  }
0x2e6: {  	[sflag:s29] =	ssyncset.done $0x0;
	s2 =	rddreg [dreg:$0xe];
	v16 =	vor.u32 s31, v0  }
0x2e7: {  	[sflag:s29] =	ssyncadd.s32 $0xFFFFF800;
	v17 =	vor.u32 s2, v0  }
0x2e8: {  	_ =	swait.ge [sflag:s29], $0x800  }
0x2e9: {  	[sflag:s29] =	ssyncset.done $0x0  }
0x2ea: {  	s3 =	simm.s32 $0x7E00;
	[sflag:s29] =	ssyncadd.s32 $0xFFFFF800  }
0x2eb: {  	s9 =	simm.s32 $0xFE00;
	v16 =	vld.idx.msk [tilespmem:v16+s3+$0x0], $0xffff  }
0x2ec: {  	v17 =	vld.idx.msk [tilespmem:v17+s9+$0x0], $0xffff;
	_ =	sdelay $0x4  }
0x2ed: {  	v16 =	vmul.f32 v17, v16  }
0x2ee: {  	s14 =	rddreg [dreg:$0xc]  }
0x2ef: {  	s0 =	sadd.s32 s12, s14;
	s29 =	rddreg [dreg:$0xb];
	[tilespmem:$0xD00] =	vst v16  }
0x2f0: {  	[tilespmem:s3], [sflag:$0xF] =	stream.strided.gather [hbm4b:s0+s16], $0x800, s10, s16, $0x38;
	[tilespmem:$0x10E00] =	vst v63  }
0x2f1: {  	s31 =	simm.s32 $0x10;
	s0 =	sadd.s32 s13, s29  }
0x2f2: {  	[tilespmem:s9], [sflag:$0xF] =	stream.strided.gather [hbm4b:s0+s16], $0x800, s10, s16, $0x38;
	[tilespmem:$0x10E00] =	vst v63  }
0x2f3: {  	_ =	swait.ge [sflag:s31], $0x800  }
0x2f4: {  	s2 =	rddreg [dreg:$0x9]  }
0x2f5: {  	[sflag:s31] =	ssyncset.done $0x0;
	s3 =	rddreg [dreg:$0xa];
	v16 =	vor.u32 s2, v0  }
0x2f6: {  	[sflag:s31] =	ssyncadd.s32 $0xFFFFF800;
	v17 =	vor.u32 s3, v0  }
0x2f7: {  	_ =	swait.ge [sflag:s31], $0x800  }
0x2f8: {  	[sflag:s31] =	ssyncset.done $0x0  }
0x2f9: {  	s9 =	simm.s32 $0x8600;
	[sflag:s31] =	ssyncadd.s32 $0xFFFFF800  }
0x2fa: {  	s14 =	simm.s32 $0x10600;
	v16 =	vld.idx.msk [tilespmem:v16+s9+$0x0], $0xffff  }
0x2fb: {  	v17 =	vld.idx.msk [tilespmem:v17+s14+$0x0], $0xffff;
	_ =	sdelay $0x4  }
0x2fc: {  	v16 =	vmul.f32 v17, v16  }
0x2fd: {  	s29 =	rddreg [dreg:$0x8]  }
0x2fe: {  	s22 =	sand.u32 $0xFFFFF80, s22;
	s0 =	sadd.s32 s12, s29;
	[tilespmem:$0xD80] =	vst v16  }
0x2ff: {  	[tilespmem:s9], [sflag:$0x10] =	stream.strided.gather [hbm4b:s0+s16], $0x800, s10, s16, $0x38;
	[tilespmem:$0x10E00] =	vst v63  }
0x300: {  	s31 =	sadd.s32 s13, s22  }
0x301: {  	[tilespmem:s14], [sflag:$0x10] =	stream.strided.gather [hbm4b:s31+s16], $0x800, s10, s16, $0x38;
	[tilespmem:$0x10E00] =	vst v63  }
0x302: {  	v16 =	vld.idx.msk [tilespmem:v0+s18+$0x0], $0xffff  }
0x303: {  	v17 =	vld.idx.msk [tilespmem:v1+s18+$0x0], $0xffff;
	_ =	sdelay $0x1  }
0x304: {  	v18 =	vld.idx.msk [tilespmem:v2+s18+$0x0], $0xffff;
	_ =	sdelay $0x1  }
0x305: {  	v19 =	vld.idx.msk [tilespmem:v3+s18+$0x0], $0xffff  }
0x306: {  	v16 =	vadd.f32 v17, v16  }
0x307: {  	v20 =	vld.idx.msk [tilespmem:v4+s18+$0x0], $0xffff  }
0x308: {  	v22 =	vld.idx.msk [tilespmem:v5+s18+$0x0], $0xffff;
	v18 =	vadd.f32 v18, v16  }
0x309: {  	v24 =	vld.idx.msk [tilespmem:v6+s18+$0x0], $0xffff  }
0x30a: {  	v25 =	vld.idx.msk [tilespmem:v7+s18+$0x0], $0xffff;
	v21 =	vadd.f32 v19, v18  }
0x30b: {  	v23 =	vld.idx.msk [tilespmem:v8+s18+$0x0], $0xffff  }
0x30c: {  	v17 =	vld.idx.msk [tilespmem:v10+s18+$0x0], $0xffff;
	v26 =	vadd.f32 v20, v21  }
0x30d: {  	p0 =	sne.s32 s7, $0x20;
	v16 =	vld.idx.msk [tilespmem:v9+s18+$0x0], $0xffff  }
.Ltmp0:
0x30e: {  	v18 =	vld.idx.msk [tilespmem:v11+s18+$0x0], $0xffff;
	v26 =	vadd.f32 v22, v26;
	(pc) =	sbr.rel @p0 .LBB2_2-.Ltmp0, $4  }
0x30f: {  	v19 =	vld.idx.msk [tilespmem:v12+s18+$0x0], $0xffff  }
0x310: {  	v20 =	vld.idx.msk [tilespmem:v13+s18+$0x0], $0xffff;
	v24 =	vadd.f32 v24, v26  }
0x311: {  	v21 =	vld.idx.msk [tilespmem:v14+s18+$0x0], $0xffff  }
0x312: {  	s7 =	sadd.s32 $0x1, s7;
	s30 =	simm.s32 $0x6600;
	s2 =	rddreg [dreg:$0x7];
	v22 =	vld.idx.msk [tilespmem:v15+s18+$0x0], $0xffff;
	v24 =	vadd.f32 v25, v24  }
0x313: {  	_ = 	snop  }
0x314: {  	v23 =	vadd.f32 v23, v24;
	_ =	sdelay $0x1  }
0x315: {  	v16 =	vadd.f32 v16, v23;
	_ =	sdelay $0x1  }
0x316: {  	v16 =	vadd.f32 v17, v16;
	_ =	sdelay $0x1  }
0x317: {  	v16 =	vadd.f32 v18, v16;
	_ =	sdelay $0x1  }
0x318: {  	v16 =	vadd.f32 v19, v16;
	_ =	sdelay $0x1  }
0x319: {  	v16 =	vadd.f32 v20, v16;
	_ =	sdelay $0x1  }
0x31a: {  	v16 =	vadd.f32 v21, v16;
	_ =	sdelay $0x1  }
0x31b: {  	v16 =	vadd.f32 v22, v16;
	_ =	sdelay $0x1  }
0x31c: {  	s0 =	simm.s32 $0x1;
	[tilespmem:s2+$0x0] =	vst v16  }
0x31d: {  	_ =	swait.ge [sflag:s0], $0x800  }
0x31e: {  	[sflag:s0] =	ssyncset.done $0x0  }
0x31f: {  	[sflag:s0] =	ssyncadd.s32 $0xFFFFF800  }
0x320: {  	_ =	swait.ge [sflag:s0], $0x800  }
0x321: {  	[sflag:s0] =	ssyncset.done $0x0  }
0x322: {  	s9 =	simm.s32 $0x2;
	[sflag:s0] =	ssyncadd.s32 $0xFFFFF800  }
0x323: {  	_ =	swait.ge [sflag:s9], $0x800  }
0x324: {  	[sflag:s9] =	ssyncset.done $0x0  }
0x325: {  	[sflag:s9] =	ssyncadd.s32 $0xFFFFF800  }
0x326: {  	_ =	swait.ge [sflag:s9], $0x800  }
0x327: {  	[sflag:s9] =	ssyncset.done $0x0  }
0x328: {  	s14 =	simm.s32 $0x3;
	[sflag:s9] =	ssyncadd.s32 $0xFFFFF800  }
0x329: {  	_ =	swait.ge [sflag:s14], $0x800  }
0x32a: {  	[sflag:s14] =	ssyncset.done $0x0  }
0x32b: {  	[sflag:s14] =	ssyncadd.s32 $0xFFFFF800  }
0x32c: {  	_ =	swait.ge [sflag:s14], $0x800  }
0x32d: {  	[sflag:s14] =	ssyncset.done $0x0  }
0x32e: {  	s18 =	simm.s32 $0x4;
	[sflag:s14] =	ssyncadd.s32 $0xFFFFF800  }
0x32f: {  	_ =	swait.ge [sflag:s18], $0x800  }
0x330: {  	[sflag:s18] =	ssyncset.done $0x0  }
0x331: {  	[sflag:s18] =	ssyncadd.s32 $0xFFFFF800  }
0x332: {  	_ =	swait.ge [sflag:s18], $0x800  }
0x333: {  	[sflag:s18] =	ssyncset.done $0x0  }
0x334: {  	s22 =	simm.s32 $0x5;
	[sflag:s18] =	ssyncadd.s32 $0xFFFFF800  }
0x335: {  	_ =	swait.ge [sflag:s22], $0x800  }
0x336: {  	[sflag:s22] =	ssyncset.done $0x0  }
0x337: {  	[sflag:s22] =	ssyncadd.s32 $0xFFFFF800  }
0x338: {  	_ =	swait.ge [sflag:s22], $0x800  }
0x339: {  	[sflag:s22] =	ssyncset.done $0x0  }
0x33a: {  	s29 =	simm.s32 $0x6;
	[sflag:s22] =	ssyncadd.s32 $0xFFFFF800  }
0x33b: {  	_ =	swait.ge [sflag:s29], $0x800  }
0x33c: {  	[sflag:s29] =	ssyncset.done $0x0  }
0x33d: {  	[sflag:s29] =	ssyncadd.s32 $0xFFFFF800  }
0x33e: {  	_ =	swait.ge [sflag:s29], $0x800  }
0x33f: {  	[sflag:s29] =	ssyncset.done $0x0  }
0x340: {  	s31 =	simm.s32 $0x7;
	[sflag:s29] =	ssyncadd.s32 $0xFFFFF800  }
0x341: {  	_ =	swait.ge [sflag:s31], $0x800  }
0x342: {  	[sflag:s31] =	ssyncset.done $0x0  }
0x343: {  	[sflag:s31] =	ssyncadd.s32 $0xFFFFF800  }
0x344: {  	_ =	swait.ge [sflag:s31], $0x800  }
0x345: {  	[sflag:s31] =	ssyncset.done $0x0  }
0x346: {  	s1 =	simm.s32 $0x8;
	[sflag:s31] =	ssyncadd.s32 $0xFFFFF800  }
0x347: {  	_ =	swait.ge [sflag:s1], $0x800  }
0x348: {  	[sflag:s1] =	ssyncset.done $0x0  }
0x349: {  	[sflag:s1] =	ssyncadd.s32 $0xFFFFF800  }
0x34a: {  	_ =	swait.ge [sflag:s1], $0x800  }
0x34b: {  	[sflag:s1] =	ssyncset.done $0x0  }
0x34c: {  	s2 =	simm.s32 $0x9;
	[sflag:s1] =	ssyncadd.s32 $0xFFFFF800  }
0x34d: {  	_ =	swait.ge [sflag:s2], $0x800  }
0x34e: {  	[sflag:s2] =	ssyncset.done $0x0  }
0x34f: {  	[sflag:s2] =	ssyncadd.s32 $0xFFFFF800  }
0x350: {  	_ =	swait.ge [sflag:s2], $0x800  }
0x351: {  	[sflag:s2] =	ssyncset.done $0x0  }
0x352: {  	s3 =	simm.s32 $0xA;
	[sflag:s2] =	ssyncadd.s32 $0xFFFFF800  }
0x353: {  	_ =	swait.ge [sflag:s3], $0x800  }
0x354: {  	[sflag:s3] =	ssyncset.done $0x0  }
0x355: {  	[sflag:s3] =	ssyncadd.s32 $0xFFFFF800  }
0x356: {  	_ =	swait.ge [sflag:s3], $0x800  }
0x357: {  	[sflag:s3] =	ssyncset.done $0x0  }
0x358: {  	s4 =	simm.s32 $0xB;
	[sflag:s3] =	ssyncadd.s32 $0xFFFFF800  }
0x359: {  	_ =	swait.ge [sflag:s4], $0x800  }
0x35a: {  	[sflag:s4] =	ssyncset.done $0x0  }
0x35b: {  	[sflag:s4] =	ssyncadd.s32 $0xFFFFF800  }
0x35c: {  	_ =	swait.ge [sflag:s4], $0x800  }
0x35d: {  	[sflag:s4] =	ssyncset.done $0x0  }
0x35e: {  	s6 =	simm.s32 $0xC;
	[sflag:s4] =	ssyncadd.s32 $0xFFFFF800  }
0x35f: {  	_ =	swait.ge [sflag:s6], $0x800  }
0x360: {  	[sflag:s6] =	ssyncset.done $0x0  }
0x361: {  	[sflag:s6] =	ssyncadd.s32 $0xFFFFF800  }
0x362: {  	_ =	swait.ge [sflag:s6], $0x800  }
0x363: {  	[sflag:s6] =	ssyncset.done $0x0  }
0x364: {  	s7 =	simm.s32 $0xD;
	[sflag:s6] =	ssyncadd.s32 $0xFFFFF800  }
0x365: {  	_ =	swait.ge [sflag:s7], $0x800  }
0x366: {  	[sflag:s7] =	ssyncset.done $0x0  }
0x367: {  	[sflag:s7] =	ssyncadd.s32 $0xFFFFF800  }
0x368: {  	_ =	swait.ge [sflag:s7], $0x800  }
0x369: {  	[sflag:s7] =	ssyncset.done $0x0  }
0x36a: {  	s9 =	simm.s32 $0xE;
	[sflag:s7] =	ssyncadd.s32 $0xFFFFF800  }
0x36b: {  	_ =	swait.ge [sflag:s9], $0x800  }
0x36c: {  	[sflag:s9] =	ssyncset.done $0x0  }
0x36d: {  	[sflag:s9] =	ssyncadd.s32 $0xFFFFF800  }
0x36e: {  	_ =	swait.ge [sflag:s9], $0x800  }
0x36f: {  	[sflag:s9] =	ssyncset.done $0x0  }
0x370: {  	s14 =	simm.s32 $0xF;
	[sflag:s9] =	ssyncadd.s32 $0xFFFFF800  }
0x371: {  	_ =	swait.ge [sflag:s14], $0x800  }
0x372: {  	[sflag:s14] =	ssyncset.done $0x0  }
0x373: {  	[sflag:s14] =	ssyncadd.s32 $0xFFFFF800  }
0x374: {  	_ =	swait.ge [sflag:s14], $0x800  }
0x375: {  	[sflag:s14] =	ssyncset.done $0x0  }
0x376: {  	s18 =	simm.s32 $0x10;
	[sflag:s14] =	ssyncadd.s32 $0xFFFFF800  }
0x377: {  	_ =	swait.ge [sflag:s18], $0x800  }
0x378: {  	[sflag:s18] =	ssyncset.done $0x0  }
0x379: {  	[sflag:s18] =	ssyncadd.s32 $0xFFFFF800  }
0x37a: {  	_ =	swait.ge [sflag:s18], $0x800  }
0x37b: {  	s22 =	sld [smem:$0x7FB]  }
0x37c: {  	[sflag:s18] =	ssyncset.done $0x0  }
0x37d: {  	s1 =	simm.s32 $0x11;
	s7 =	simm.s32 $0x0;
	[sflag:s18] =	ssyncadd.s32 $0xFFFFF800  }
0x37e: {  	[hbm4b:s22+s7] =	stream.linear.scatter [tilespmem:s16], [sflag:$0x11], $0x200, $0x38;
	[tilespmem:$0x10E00] =	vst v63  }
0x37f: {  	_ =	swait.ge [sflag:s1], $0x200  }
0x380: {  	s29 =	sld [smem:$0x7FD]  }
0x381: {  	s31 =	sld [smem:$0x7FC];
	_ =	sdelay $0x1  }
0x382: {  	s2 =	sadd.s32 $0x1, s29  }
0x383: {  	p0 =	sne.s32 s2, s31  }
.Ltmp1:
0x384: {  	_ = 	snop;
	(pc) =	sbr.rel @p0 .LBB2_1-.Ltmp1, $4  }
0x385: {  	_ = 	snop  }
0x386: {  	s3 =	simm.s32 $0x2600;
	s4 =	simm.s32 $0xA600;
	s6 =	simm.s32 $0x1E00  }
0x387: {  	s14 =	simm.s32 $0xB600;
	s18 =	simm.s32 $0xE600;
	[sflag:s1] =	ssyncset.done $0x0  }
0x388: {  	[sflag:s1] =	ssyncadd.s32 $0xFFFFFE00;
	[smem:$0x7FD] =	sst s2;
	s2 =	simm.s32 $0x9E00  }
0x389: {  	_ =	sfence.sel $0x180000  }
0x38a: {  	[bflag:$0x0] =	sbarrier.arrive $0xFFFF  }
0x38b: {  	_ =	strace $0x90000047  }
0x38c: {  	s0 =	stileid.u32;
	[bflag:$0x2] =	sbarrier.arrive $0xFFFF  }
0x38d: {  	p0 =	sne.s32 s0, $0x0;
	s0 =	rddreg [dreg:$0x5]  }
0x38e: {  	s0 =	sadd.s32 @!p0 $0x100000, s0  }
0x38f: {  	[sflag:s0] =	ssyncadd.tile.s32 @!p0 $0x1;
	_ =	shalt  }
.Lfunc_end2:
_tile_overlayer_lowered:
.L_overlay_start_2:
0x390: {  	(tag) =	ssettag $0x2  }
0x391: {  	s0 =	rddreg [dreg:$0x0];
	s2 =	stileid.u32  }
0x392: {  	s1 =	rddreg [dreg:$0x1];
	p0 =	sne.s32 s2, $0x0  }
0x393: {  	s3 =	rddreg [dreg:$0x2];
	[bflag:$0x3] =	sbarrier.arrive $0xFFFF;
	s2 =	simm.s32 @!p0 $0x1C11  }
0x394: {  	[timem:s3], [sflag:s2] =	dma.local @!p0 [hbm:s0], s1  }
0x395: {  	s0 =	simm.s32 @!p0 $0x11  }
0x396: {  	_ =	swait.ge @!p0 [sflag:s0], s1  }
0x397: {  	s1 =	ssub.s32 @!p0 $0x0, s1;
	[sflag:s0] =	ssyncset.done @!p0 $0x0  }
0x398: {  	[sflag:s0] =	ssyncadd.s32 @!p0 s1  }
0x399: {  	[bflag:$0x3] =	sbarrier.arrive $0xFFFF  }
0x39a: {  	_ =	shalt  }

</sc_bundles>
